<compile_context>
chip_gen: v7x
topology: tpu7x:2x2x1
jax: 0.10.2.dev20260603
libtpu: 0.0.44.dev20260713+nightly
codegen_flags: <defaults>
</compile_context>

<pallas_src>
import functools

import jax
import jax.numpy as jnp
import numpy as np
from jax import lax
from jax.experimental import pallas as pl
from jax.experimental.pallas import tpu as pltpu
from jax.experimental.pallas import tpu_sc as plsc

N = 10000
E = 320000
HID = 128
NG = 64
FFN = 300
EPS = 1e-5

NC = 2
NS = 16
NW = NC * NS
C = 128
CPW = 79
E_PAD = NW * CPW * C
TOT = 2 * CPW
CPW0 = 107
CPW1 = TOT - CPW0
CPWMAX = max(CPW0, CPW1)
RPT = 632
N_PAD = RPT * NS

DW = 16
BN = 1000
GRID = N // BN


def _sc_degree_body(dst_hbm, ones_hbm, zeros_hbm, out_hbm, dstv, ones_v, acc):
    cid = lax.axis_index("c")
    sid = lax.axis_index("s")
    w = sid * NC + cid
    pltpu.sync_copy(zeros_hbm.at[pl.ds(sid * RPT, RPT)],
                    acc.at[pl.ds(sid * RPT, RPT)])
    pltpu.sync_copy(dst_hbm.at[pl.ds(w * CPW * C, CPW * C)], dstv)
    pltpu.sync_copy(ones_hbm, ones_v)
    plsc.subcore_barrier()

    def body(ci, carry):
        pltpu.sync_copy(ones_v, acc.at[dstv.at[pl.ds(ci * C, C)]], add=True)
        return carry

    lax.fori_loop(0, CPW, body, 0)
    plsc.subcore_barrier()
    pltpu.sync_copy(acc.at[pl.ds(sid * RPT, RPT)],
                    out_hbm.at[cid, pl.ds(sid * RPT, RPT)])


def _sc_spmm_body(src_hbm, dst_hbm, mt_hbm, zeros_hbm, out_hbm,
                  srcv, ixd0, ixd1, rows0, rows1, acc,
                  g0, g1, d0, d1):
    cid = lax.axis_index("c")
    sid = lax.axis_index("s")
    pltpu.sync_copy(zeros_hbm.at[pl.ds(sid * RPT, RPT)],
                    acc.at[pl.ds(sid * RPT, RPT)])

    def pipe(start, n):
        base = start * C
        pltpu.sync_copy(src_hbm.at[pl.ds(base, n * C)],
                        srcv.at[pl.ds(0, n * C)])

        def gather(c, buf, sem):
            pltpu.async_copy(mt_hbm.at[srcv.at[pl.ds(c * C, C)]], buf, sem)

        def gwait(c, buf, sem):
            pltpu.make_async_copy(mt_hbm.at[srcv.at[pl.ds(c * C, C)]], buf,
                                  sem).wait()

        def dload(c, buf, sem):
            pltpu.async_copy(dst_hbm.at[pl.ds(base + c * C, C)], buf, sem)

        def dwait(c, buf, sem):
            pltpu.make_async_copy(dst_hbm.at[pl.ds(base + c * C, C)], buf,
                                  sem).wait()

        def scat(buf, ixd):
            pltpu.sync_copy(buf, acc.at[ixd], add=True)

        dload(0, ixd0, d0)
        gather(0, rows0, g0)
        dload(1, ixd1, d1)

        def body(i, carry):
            c0 = 2 * i
            gather(c0 + 1, rows1, g1)
            gwait(c0, rows0, g0)
            dwait(c0, ixd0, d0)
            scat(rows0, ixd0)
            dload(c0 + 2, ixd0, d0)
            gather(c0 + 2, rows0, g0)
            gwait(c0 + 1, rows1, g1)
            dwait(c0 + 1, ixd1, d1)
            scat(rows1, ixd1)
            dload(c0 + 3, ixd1, d1)
            return carry

        lax.fori_loop(0, (n - 1) // 2, body, 0)
        gwait(n - 1, rows0, g0)
        dwait(n - 1, ixd0, d0)
        scat(rows0, ixd0)
        dwait(n, ixd1, d1)

    plsc.subcore_barrier()

    @pl.when(cid == 0)
    def _():
        pipe(sid * TOT, CPW0)

    @pl.when(cid == 1)
    def _():
        pipe(sid * TOT + CPW0, CPW1)

    plsc.subcore_barrier()
    pltpu.sync_copy(acc.at[pl.ds(sid * RPT, RPT)],
                    out_hbm.at[cid, pl.ds(sid * RPT, RPT)])


@functools.lru_cache(maxsize=None)
def _sc_kernels():
    mesh = plsc.VectorSubcoreMesh(
        core_axis_name="c", subcore_axis_name="s",
        num_cores=NC, num_subcores=NS)
    sc_degree = pl.kernel(
        _sc_degree_body,
        out_type=jax.ShapeDtypeStruct((NC, N_PAD, HID), jnp.float32),
        mesh=mesh,
        scratch_types=[
            pltpu.VMEM((CPW * C,), jnp.int32),
            pltpu.VMEM((C, HID), jnp.float32),
            pltpu.VMEM_SHARED((N_PAD, HID), jnp.float32),
        ],
    )
    sc_spmm = pl.kernel(
        _sc_spmm_body,
        out_type=jax.ShapeDtypeStruct((NC, N_PAD, HID), jnp.float32),
        mesh=mesh,
        scratch_types=[
            pltpu.VMEM((CPWMAX * C,), jnp.int32),
            pltpu.VMEM((C,), jnp.int32),
            pltpu.VMEM((C,), jnp.int32),
            pltpu.VMEM((C, HID), jnp.float32),
            pltpu.VMEM((C, HID), jnp.float32),
            pltpu.VMEM_SHARED((N_PAD, HID), jnp.float32),
            pltpu.SemaphoreType.DMA,
            pltpu.SemaphoreType.DMA,
            pltpu.SemaphoreType.DMA,
            pltpu.SemaphoreType.DMA,
        ],
    )
    return sc_degree, sc_spmm



_ISQ = float(1.0 / np.sqrt(np.float32(1.0) + np.float32(EPS)))


def _enc_body(deg_ref, x_ref, wencT_ref, benc_ref, w0T_ref, mt0_ref, dis_ref):
    deg = deg_ref[0][:, :1] + deg_ref[1][:, :1] + 1.0
    dis = lax.rsqrt(deg)
    h = jnp.dot(x_ref[...], wencT_ref[...],
                preferred_element_type=jnp.float32) + benc_ref[...]
    mt0_ref[...] = jnp.dot(h, w0T_ref[...],
                           preferred_element_type=jnp.float32) * dis
    dis_ref[...] = dis


def _layer_body(has_res, acc_ref, mt_ref, dis_ref, hprev_ref, b_ref, g_ref,
                be_ref, wnT_ref, h_ref, mtn_ref):
    dis = dis_ref[...]
    agg = (acc_ref[0] + acc_ref[1] + mt_ref[...]) * dis
    h2 = (agg + b_ref[...]) * _ISQ * g_ref[...] + be_ref[...]
    h = jnp.maximum(h2, 0.0)
    if has_res:
        h = h + hprev_ref[...]
    h_ref[...] = h
    mtn_ref[...] = jnp.dot(h, wnT_ref[...],
                           preferred_element_type=jnp.float32) * dis


def _final_body(acc_ref, mt_ref, dis_ref, hprev_ref, b_ref, g_ref, be_ref,
                batch_ref, sums_ref, cnt_ref):
    i = pl.program_id(0)
    agg = (acc_ref[0] + acc_ref[1] + mt_ref[...]) * dis_ref[...]
    h2 = (agg + b_ref[...]) * _ISQ * g_ref[...] + be_ref[...]
    h = jnp.maximum(h2, 0.0) + hprev_ref[...]
    onehot = (batch_ref[...] ==
              lax.broadcasted_iota(jnp.int32, (1, NG), 1)).astype(jnp.float32)
    ps = lax.dot_general(onehot, h, (((0,), (0,)), ((), ())),
                         preferred_element_type=jnp.float32,
                         precision=lax.Precision.HIGHEST)
    pc = lax.dot_general(onehot, jnp.ones((BN, 1), jnp.float32),
                         (((0,), (0,)), ((), ())),
                         preferred_element_type=jnp.float32,
                         precision=lax.Precision.HIGHEST)

    @pl.when(i == 0)
    def _():
        sums_ref[...] = ps
        cnt_ref[...] = pc

    @pl.when(i > 0)
    def _():
        sums_ref[...] += ps
        cnt_ref[...] += pc


def _mlp_body(sums_ref, cnt_ref, w1T_ref, b1_ref, w2T_ref, b2_ref, w3T_ref,
              b3_ref, o_ref):
    gm = sums_ref[...] / jnp.maximum(cnt_ref[...], 1.0)
    o = jnp.maximum(jnp.dot(gm, w1T_ref[...],
                            preferred_element_type=jnp.float32) + b1_ref[...],
                    0.0)
    o = jnp.maximum(jnp.dot(o, w2T_ref[...],
                            preferred_element_type=jnp.float32) + b2_ref[...],
                    0.0)
    o_ref[...] = jnp.dot(o, w3T_ref[...],
                         preferred_element_type=jnp.float32) + b3_ref[...]


def _row_spec(cols):
    return pl.BlockSpec((BN, cols), lambda i: (i, 0))


_ACC_SPEC_1 = pl.BlockSpec((NC, BN, HID), lambda i: (0, i, 0))
_ACC_SPEC_H = pl.BlockSpec((NC, BN, HID), lambda i: (0, i, 0))
_FULL = pl.BlockSpec(index_map=lambda i: (0, 0))


def _tc_enc(deg2, x, wencT, benc, w0T):
    return pl.pallas_call(
        _enc_body,
        grid=(GRID,),
        in_specs=[_ACC_SPEC_1, _row_spec(HID), _FULL, _FULL, _FULL],
        out_specs=[_row_spec(HID), _row_spec(1)],
        out_shape=[jax.ShapeDtypeStruct((N, HID), jnp.float32),
                   jax.ShapeDtypeStruct((N, 1), jnp.float32)],
    )(deg2, x, wencT, benc, w0T)


def _tc_layer(acc2, mt, dis, hprev, b, g, be, wnT, has_res):
    return pl.pallas_call(
        functools.partial(_layer_body, has_res),
        grid=(GRID,),
        in_specs=[_ACC_SPEC_H, _row_spec(HID), _row_spec(1), _row_spec(HID),
                  _FULL, _FULL, _FULL, _FULL],
        out_specs=[_row_spec(HID), _row_spec(HID)],
        out_shape=[jax.ShapeDtypeStruct((N, HID), jnp.float32),
                   jax.ShapeDtypeStruct((N, HID), jnp.float32)],
    )(acc2, mt, dis, hprev, b, g, be, wnT)


def _tc_final(acc2, mt, dis, hprev, b, g, be, batch2d):
    return pl.pallas_call(
        _final_body,
        grid=(GRID,),
        in_specs=[_ACC_SPEC_H, _row_spec(HID), _row_spec(1), _row_spec(HID),
                  _FULL, _FULL, _FULL, _row_spec(1)],
        out_specs=[pl.BlockSpec((NG, HID), lambda i: (0, 0)),
                   pl.BlockSpec((NG, 1), lambda i: (0, 0))],
        out_shape=[jax.ShapeDtypeStruct((NG, HID), jnp.float32),
                   jax.ShapeDtypeStruct((NG, 1), jnp.float32)],
    )(acc2, mt, dis, hprev, b, g, be, batch2d)


def _tc_mlp(sums, cnt, w1T, b1, w2T, b2, w3T, b3):
    return pl.pallas_call(
        _mlp_body,
        out_shape=jax.ShapeDtypeStruct((NG, 1), jnp.float32),
    )(sums, cnt, w1T, b1, w2T, b2, w3T, b3)



def kernel(x, edge_index, batch, W_enc, b_enc, W0, b0, g0, be0, W1, b1, g1,
           be1, W2, b2, g2, be2, Wm1, bm1, Wm2, bm2, Wm3, bm3):
    src = edge_index[0]
    dst = edge_index[1]
    npad = E_PAD - E
    src_p = jnp.concatenate([src, jnp.zeros((npad,), jnp.int32)])
    dst_p = jnp.concatenate([dst, jnp.full((npad + C,), N, jnp.int32)])

    zeros_big = jnp.zeros((N_PAD, HID), jnp.float32)
    ones_c = jnp.ones((C, HID), jnp.float32)

    _sc_degree, _sc_spmm = _sc_kernels()
    deg2 = _sc_degree(dst_p, ones_c, zeros_big)
    mt0, dis = _tc_enc(deg2, x, W_enc.T, b_enc[None], W0.T)

    acc0 = _sc_spmm(src_p, dst_p, mt0, zeros_big)
    h1, mt1 = _tc_layer(acc0, mt0, dis, mt0, b0[None], g0[None], be0[None],
                        W1.T, has_res=False)

    acc1 = _sc_spmm(src_p, dst_p, mt1, zeros_big)
    h2, mt2 = _tc_layer(acc1, mt1, dis, h1, b1[None], g1[None], be1[None],
                        W2.T, has_res=True)

    acc2 = _sc_spmm(src_p, dst_p, mt2, zeros_big)
    sums, cnt = _tc_final(acc2, mt2, dis, h2, b2[None], g2[None], be2[None],
                          batch[:, None])

    return _tc_mlp(sums, cnt, Wm1.T, bm1[None], Wm2.T, bm2[None], Wm3.T,
                   bm3[None])

# --- scband reference (transcript-rebuilt; emitter-appended) ---
"""Pipeline reference for scband-generic-py-gmodel-33191507263494 (READ-ONLY COPY).

The authoritative reference and input builder live on the scoring server;
editing this copy changes nothing except your own understanding.
"""

import jax, jax.numpy as jnp
import numpy as np

N = 10000
E = 320000
D_IN = 128
HID = 128
NG = 64
FFN = 300
EPS = 1e-5

def setup_inputs(seed: int = 0) -> dict:
    key = jax.random.key(seed)
    ks = jax.random.split(key, 32)
    inp = {}
    inp['x'] = jax.random.normal(ks[0], (N, D_IN), dtype=jnp.float32)
    inp['edge_index'] = jax.random.randint(ks[1], (2, E), 0, N, dtype=jnp.int32)
    inp['batch'] = jnp.sort(jax.random.randint(ks[2], (N,), 0, NG, dtype=jnp.int32))
    inp['W_enc'] = jax.random.normal(ks[3], (HID, D_IN), dtype=jnp.float32) * 0.05
    inp['b_enc'] = jnp.zeros((HID,), jnp.float32)
    for i in range(3):
        inp['W%d' % i] = jax.random.normal(ks[4 + i], (HID, HID), dtype=jnp.float32) * 0.05
        inp['b%d' % i] = jnp.zeros((HID,), jnp.float32)
        inp['g%d' % i] = jnp.ones((HID,), jnp.float32)
        inp['be%d' % i] = jnp.zeros((HID,), jnp.float32)
    inp['Wm1'] = jax.random.normal(ks[10], (FFN, HID), dtype=jnp.float32) * 0.05
    inp['bm1'] = jnp.zeros((FFN,), jnp.float32)
    inp['Wm2'] = jax.random.normal(ks[11], (FFN, FFN), dtype=jnp.float32) * 0.05
    inp['bm2'] = jnp.zeros((FFN,), jnp.float32)
    inp['Wm3'] = jax.random.normal(ks[12], (1, FFN), dtype=jnp.float32) * 0.05
    inp['bm3'] = jnp.zeros((1,), jnp.float32)
    return inp

def reference(x, edge_index, batch, W_enc, b_enc, W0, b0, g0, be0, W1, b1, g1, be1, W2, b2, g2, be2, Wm1, bm1, Wm2, bm2, Wm3, bm3):
    src = edge_index[0]
    dst = edge_index[1]
    loop = jnp.arange(N, dtype=src.dtype)
    s = jnp.concatenate([src, loop])
    d = jnp.concatenate([dst, loop])
    deg = jnp.zeros((N,), jnp.float32).at[d].add(1.0)
    dis = jnp.where(deg > 0, jax.lax.rsqrt(deg), 0.0)
    norm = (dis[s] * dis[d])[:, None]
    h = x @ W_enc.T + b_enc
    layers = [(W0, b0, g0, be0), (W1, b1, g1, be1), (W2, b2, g2, be2)]
    for i, (W, b, g, be) in enumerate(layers):
        hp = h
        m = h @ W.T
        agg = jnp.zeros((N, HID), jnp.float32).at[d].add(m[s] * norm)
        h2 = agg + b
        h2 = (h2 / jnp.sqrt(1.0 + EPS)) * g + be
        h = jax.nn.relu(h2)
        if i > 0:
            h = h + hp
    sums = jax.ops.segment_sum(h, batch, num_segments=NG)
    cnt = jax.ops.segment_sum(jnp.ones((N,), jnp.float32), batch, num_segments=NG)
    gm = sums / jnp.maximum(cnt, 1.0)[:, None]
    o = jax.nn.relu(gm @ Wm1.T + bm1)
    o = jax.nn.relu(o @ Wm2.T + bm2)
    o = o @ Wm3.T + bm3
    return o

if __name__ == "__main__":
    import jax
    _d = setup_inputs()
    print(jax.jit(kernel)(*tuple(_d.values())))

</pallas_src>

<mosaic_0001>
#map = affine_map<(d0, d1) -> (0)>
#map1 = affine_map<(d0, d1) -> (0, 0)>
#map2 = affine_map<(d0, d1) -> (0, 0, 0)>
module attributes {stable_mosaic.version = 14 : i64} {
  func.func @_sc_degree_body(%arg0: i32, %arg1: i32, %arg2: memref<323712xi32, #tpu.memory_space<hbm>>, %arg3: memref<128x128xf32, #tpu.memory_space<hbm>>, %arg4: memref<10112x128xf32, #tpu.memory_space<hbm>>, %arg5: memref<2x10112x128xf32, #tpu.memory_space<hbm>>, %arg6: memref<10112xi32, #tpu.memory_space<vmem>>, %arg7: memref<128x128xf32, #tpu.memory_space<vmem>>, %arg8: memref<10112x128xf32, #tpu.memory_space<vmem_shared>>) attributes {dimension_semantics = [#tpu.dimension_semantics<core_parallel>, #tpu.dimension_semantics<subcore_parallel>], iteration_bounds = array<i64: 2, 16>, scalar_prefetch = 0 : i64, scratch_operands = 3 : i64, tpu.core_type = #tpu.core_type<sc_vector_subcore>, window_params = [{transform_indices = #map}, {transform_indices = #map1}, {transform_indices = #map1}, {transform_indices = #map2}]} {
    %mul3A = arith.constant 2 : i32
    %mul3A_0 = arith.muli %arg1, %mul3A : i32
    %add3A = arith.addi %mul3A_0, %arg0 : i32
    %mul3A_1 = arith.constant 632 : i32
    %mul3A_2 = arith.muli %arg1, %mul3A_1 : i32
    %mul3A_3 = arith.constant 632 : i32
    %mul3A_4 = arith.muli %arg1, %mul3A_3 : i32
    "tpu.region"() ({
      %run_scoped3A = tpu.sem_alloc : memref<!tpu.dma_semaphore, #tpu.memory_space<semaphore_mem>>
      %dma_start3A = arith.constant 0 : i32
      %dma_start3A_19 = tpu.memref_slice %arg8[%mul3A_4, %dma_start3A] : memref<10112x128xf32, #tpu.memory_space<vmem_shared>> -> memref<632x128xf32, #tpu.memory_space<vmem_shared>>
      %dma_start3A_20 = arith.constant 0 : i32
      %dma_start3A_21 = tpu.memref_slice %arg4[%mul3A_2, %dma_start3A_20] : memref<10112x128xf32, #tpu.memory_space<hbm>> -> memref<632x128xf32, #tpu.memory_space<hbm>>
      tpu.enqueue_dma source(%dma_start3A_21 : memref<632x128xf32, #tpu.memory_space<hbm>>) target(%dma_start3A_19 : memref<632x128xf32, #tpu.memory_space<vmem_shared>>) target_semaphore(%run_scoped3A : memref<!tpu.dma_semaphore, #tpu.memory_space<semaphore_mem>>)
      %dma_wait3A = arith.constant 0 : i32
      %dma_wait3A_22 = tpu.memref_slice %arg8[%mul3A_4, %dma_wait3A] : memref<10112x128xf32, #tpu.memory_space<vmem_shared>> -> memref<632x128xf32, #tpu.memory_space<vmem_shared>>
      %dma_wait3A_23 = arith.constant 0 : i32
      %dma_wait3A_24 = tpu.memref_slice %arg4[%mul3A_2, %dma_wait3A_23] : memref<10112x128xf32, #tpu.memory_space<hbm>> -> memref<632x128xf32, #tpu.memory_space<hbm>>
      tpu.wait_dma2 semaphore(%run_scoped3A : memref<!tpu.dma_semaphore, #tpu.memory_space<semaphore_mem>>) src(%dma_wait3A_24 : memref<632x128xf32, #tpu.memory_space<hbm>>) dst(%dma_wait3A_22 : memref<632x128xf32, #tpu.memory_space<vmem_shared>>)
      tpu.yield
    }) : () -> ()
    %mul3A_5 = arith.constant 79 : i32
    %mul3A_6 = arith.muli %add3A, %mul3A_5 : i32
    %mul3A_7 = arith.constant 128 : i32
    %mul3A_8 = arith.muli %mul3A_6, %mul3A_7 : i32
    "tpu.region"() ({
      %run_scoped3A = tpu.sem_alloc : memref<!tpu.dma_semaphore, #tpu.memory_space<semaphore_mem>>
      %dma_start3A = tpu.memref_slice %arg2[%mul3A_8] : memref<323712xi32, #tpu.memory_space<hbm>> -> memref<10112xi32, #tpu.memory_space<hbm>>
      %dma_start3A_19 = tpu.memref_slice %arg2[%mul3A_8] : memref<323712xi32, #tpu.memory_space<hbm>> -> memref<10112xi32, #tpu.memory_space<hbm>>
      tpu.enqueue_dma source(%dma_start3A_19 : memref<10112xi32, #tpu.memory_space<hbm>>) target(%arg6 : memref<10112xi32, #tpu.memory_space<vmem>>) target_semaphore(%run_scoped3A : memref<!tpu.dma_semaphore, #tpu.memory_space<semaphore_mem>>)
      %dma_wait3A = tpu.memref_slice %arg2[%mul3A_8] : memref<323712xi32, #tpu.memory_space<hbm>> -> memref<10112xi32, #tpu.memory_space<hbm>>
      %dma_wait3A_20 = tpu.memref_slice %arg2[%mul3A_8] : memref<323712xi32, #tpu.memory_space<hbm>> -> memref<10112xi32, #tpu.memory_space<hbm>>
      tpu.wait_dma2 semaphore(%run_scoped3A : memref<!tpu.dma_semaphore, #tpu.memory_space<semaphore_mem>>) src(%dma_wait3A_20 : memref<10112xi32, #tpu.memory_space<hbm>>) dst(%arg6 : memref<10112xi32, #tpu.memory_space<vmem>>)
      tpu.yield
    }) : () -> ()
    "tpu.region"() ({
      %run_scoped3A = tpu.sem_alloc : memref<!tpu.dma_semaphore, #tpu.memory_space<semaphore_mem>>
      tpu.enqueue_dma source(%arg3 : memref<128x128xf32, #tpu.memory_space<hbm>>) target(%arg7 : memref<128x128xf32, #tpu.memory_space<vmem>>) target_semaphore(%run_scoped3A : memref<!tpu.dma_semaphore, #tpu.memory_space<semaphore_mem>>)
      tpu.wait_dma2 semaphore(%run_scoped3A : memref<!tpu.dma_semaphore, #tpu.memory_space<semaphore_mem>>) src(%arg3 : memref<128x128xf32, #tpu.memory_space<hbm>>) dst(%arg7 : memref<128x128xf32, #tpu.memory_space<vmem>>)
      tpu.yield
    }) : () -> ()
    %barrier3A = arith.constant 0 : index
    tpu.barrier barrier_id(%barrier3A)
    %scan3A = arith.constant 0 : i32
    %scan3A_9 = arith.constant 0 : i32
    %scan3A_10 = arith.constant 79 : i32
    %scan3A_11 = arith.addi %scan3A_9, %scan3A_10 : i32
    %scan3A_12 = arith.constant 1 : i32
    scf.for %scan3A_19 = %scan3A_9 to %scan3A_11 step %scan3A_12  : i32 {
      %mul3A_20 = arith.constant 128 : i32
      %mul3A_21 = arith.muli %scan3A_19, %mul3A_20 : i32
      "tpu.region"() ({
        %run_scoped3A = tpu.sem_alloc : memref<!tpu.dma_semaphore, #tpu.memory_space<semaphore_mem>>
        %dma_start3A = tpu.memref_slice %arg6[%mul3A_21] : memref<10112xi32, #tpu.memory_space<vmem>> -> memref<128xi32, #tpu.memory_space<vmem>>
        %dma_start3A_22 = arith.constant 0 : i32
        %dma_start3A_23 = arith.constant 0 : i32
        %dma_start3A_24 = tpu.memref_slice %arg8[%dma_start3A_22, %dma_start3A_23] : memref<10112x128xf32, #tpu.memory_space<vmem_shared>> -> memref<10112x128xf32, #tpu.memory_space<vmem_shared>>
        tpu.enqueue_indirect_dma source(%arg7 : memref<128x128xf32, #tpu.memory_space<vmem>>) target(%dma_start3A_24 : memref<10112x128xf32, #tpu.memory_space<vmem_shared>>) offsets(%dma_start3A : memref<128xi32, #tpu.memory_space<vmem>>) semaphore(%run_scoped3A : memref<!tpu.dma_semaphore, #tpu.memory_space<semaphore_mem>>) {add = true}
        %dma_wait3A = tpu.memref_slice %arg6[%mul3A_21] : memref<10112xi32, #tpu.memory_space<vmem>> -> memref<128xi32, #tpu.memory_space<vmem>>
        %dma_wait3A_25 = arith.constant 0 : i32
        %dma_wait3A_26 = arith.constant 0 : i32
        %dma_wait3A_27 = tpu.memref_slice %arg8[%dma_wait3A_25, %dma_wait3A_26] : memref<10112x128xf32, #tpu.memory_space<vmem_shared>> -> memref<10112x128xf32, #tpu.memory_space<vmem_shared>>
        tpu.wait_indirect_dma semaphore(%run_scoped3A : memref<!tpu.dma_semaphore, #tpu.memory_space<semaphore_mem>>) src(%arg7 : memref<128x128xf32, #tpu.memory_space<vmem>>) dst(%dma_wait3A_27 : memref<10112x128xf32, #tpu.memory_space<vmem_shared>>)
        tpu.yield
      }) : () -> ()
    }
    %scan3A_13 = arith.constant 79 : i32
    %barrier3A_14 = arith.constant 0 : index
    tpu.barrier barrier_id(%barrier3A_14)
    %mul3A_15 = arith.constant 632 : i32
    %mul3A_16 = arith.muli %arg1, %mul3A_15 : i32
    %mul3A_17 = arith.constant 632 : i32
    %mul3A_18 = arith.muli %arg1, %mul3A_17 : i32
    "tpu.region"() ({
      %run_scoped3A = tpu.sem_alloc : memref<!tpu.dma_semaphore, #tpu.memory_space<semaphore_mem>>
      %dma_start3A = arith.constant 0 : i32
      %dma_start3A_19 = tpu.memref_slice %arg5[%arg0, %mul3A_18, %dma_start3A] : memref<2x10112x128xf32, #tpu.memory_space<hbm>> -> memref<1x632x128xf32, #tpu.memory_space<hbm>>
      %dma_start3A_20 = tpu.memref_squeeze %dma_start3A_19 : memref<1x632x128xf32, #tpu.memory_space<hbm>> -> memref<632x128xf32, #tpu.memory_space<hbm>>
      %dma_start3A_21 = arith.constant 0 : i32
      %dma_start3A_22 = tpu.memref_slice %arg8[%mul3A_16, %dma_start3A_21] : memref<10112x128xf32, #tpu.memory_space<vmem_shared>> -> memref<632x128xf32, #tpu.memory_space<vmem_shared>>
      tpu.enqueue_dma source(%dma_start3A_22 : memref<632x128xf32, #tpu.memory_space<vmem_shared>>) target(%dma_start3A_20 : memref<632x128xf32, #tpu.memory_space<hbm>>) target_semaphore(%run_scoped3A : memref<!tpu.dma_semaphore, #tpu.memory_space<semaphore_mem>>)
      %dma_wait3A = arith.constant 0 : i32
      %dma_wait3A_23 = tpu.memref_slice %arg5[%arg0, %mul3A_18, %dma_wait3A] : memref<2x10112x128xf32, #tpu.memory_space<hbm>> -> memref<1x632x128xf32, #tpu.memory_space<hbm>>
      %dma_wait3A_24 = tpu.memref_squeeze %dma_wait3A_23 : memref<1x632x128xf32, #tpu.memory_space<hbm>> -> memref<632x128xf32, #tpu.memory_space<hbm>>
      %dma_wait3A_25 = arith.constant 0 : i32
      %dma_wait3A_26 = tpu.memref_slice %arg8[%mul3A_16, %dma_wait3A_25] : memref<10112x128xf32, #tpu.memory_space<vmem_shared>> -> memref<632x128xf32, #tpu.memory_space<vmem_shared>>
      tpu.wait_dma2 semaphore(%run_scoped3A : memref<!tpu.dma_semaphore, #tpu.memory_space<semaphore_mem>>) src(%dma_wait3A_26 : memref<632x128xf32, #tpu.memory_space<vmem_shared>>) dst(%dma_wait3A_24 : memref<632x128xf32, #tpu.memory_space<hbm>>)
      tpu.yield
    }) : () -> ()
    return
  }
}

#map = affine_map<(d0, d1) -> (0)>
#map1 = affine_map<(d0, d1) -> (0, 0)>
#map2 = affine_map<(d0, d1) -> (0, 0, 0)>
module attributes {stable_mosaic.version = 14 : i64} {
  func.func @_sc_spmm_body(%arg0: i32, %arg1: i32, %arg2: memref<323584xi32, #tpu.memory_space<hbm>>, %arg3: memref<323712xi32, #tpu.memory_space<hbm>>, %arg4: memref<10000x128xf32, #tpu.memory_space<hbm>>, %arg5: memref<10112x128xf32, #tpu.memory_space<hbm>>, %arg6: memref<2x10112x128xf32, #tpu.memory_space<hbm>>, %arg7: memref<13696xi32, #tpu.memory_space<vmem>>, %arg8: memref<128xi32, #tpu.memory_space<vmem>>, %arg9: memref<128xi32, #tpu.memory_space<vmem>>, %arg10: memref<128x128xf32, #tpu.memory_space<vmem>>, %arg11: memref<128x128xf32, #tpu.memory_space<vmem>>, %arg12: memref<10112x128xf32, #tpu.memory_space<vmem_shared>>, %arg13: memref<!tpu.dma_semaphore, #tpu.memory_space<semaphore_mem>>, %arg14: memref<!tpu.dma_semaphore, #tpu.memory_space<semaphore_mem>>, %arg15: memref<!tpu.dma_semaphore, #tpu.memory_space<semaphore_mem>>, %arg16: memref<!tpu.dma_semaphore, #tpu.memory_space<semaphore_mem>>) attributes {dimension_semantics = [#tpu.dimension_semantics<core_parallel>, #tpu.dimension_semantics<subcore_parallel>], iteration_bounds = array<i64: 2, 16>, scalar_prefetch = 0 : i64, scratch_operands = 10 : i64, tpu.core_type = #tpu.core_type<sc_vector_subcore>, window_params = [{transform_indices = #map}, {transform_indices = #map}, {transform_indices = #map1}, {transform_indices = #map1}, {transform_indices = #map2}]} {
    %mul3A = arith.constant 632 : i32
    %mul3A_0 = arith.muli %arg1, %mul3A : i32
    %mul3A_1 = arith.constant 632 : i32
    %mul3A_2 = arith.muli %arg1, %mul3A_1 : i32
    "tpu.region"() ({
      %run_scoped3A = tpu.sem_alloc : memref<!tpu.dma_semaphore, #tpu.memory_space<semaphore_mem>>
      %dma_start3A = arith.constant 0 : i32
      %dma_start3A_15 = tpu.memref_slice %arg12[%mul3A_2, %dma_start3A] : memref<10112x128xf32, #tpu.memory_space<vmem_shared>> -> memref<632x128xf32, #tpu.memory_space<vmem_shared>>
      %dma_start3A_16 = arith.constant 0 : i32
      %dma_start3A_17 = tpu.memref_slice %arg5[%mul3A_0, %dma_start3A_16] : memref<10112x128xf32, #tpu.memory_space<hbm>> -> memref<632x128xf32, #tpu.memory_space<hbm>>
      tpu.enqueue_dma source(%dma_start3A_17 : memref<632x128xf32, #tpu.memory_space<hbm>>) target(%dma_start3A_15 : memref<632x128xf32, #tpu.memory_space<vmem_shared>>) target_semaphore(%run_scoped3A : memref<!tpu.dma_semaphore, #tpu.memory_space<semaphore_mem>>)
      %dma_wait3A = arith.constant 0 : i32
      %dma_wait3A_18 = tpu.memref_slice %arg12[%mul3A_2, %dma_wait3A] : memref<10112x128xf32, #tpu.memory_space<vmem_shared>> -> memref<632x128xf32, #tpu.memory_space<vmem_shared>>
      %dma_wait3A_19 = arith.constant 0 : i32
      %dma_wait3A_20 = tpu.memref_slice %arg5[%mul3A_0, %dma_wait3A_19] : memref<10112x128xf32, #tpu.memory_space<hbm>> -> memref<632x128xf32, #tpu.memory_space<hbm>>
      tpu.wait_dma2 semaphore(%run_scoped3A : memref<!tpu.dma_semaphore, #tpu.memory_space<semaphore_mem>>) src(%dma_wait3A_20 : memref<632x128xf32, #tpu.memory_space<hbm>>) dst(%dma_wait3A_18 : memref<632x128xf32, #tpu.memory_space<vmem_shared>>)
      tpu.yield
    }) : () -> ()
    %barrier3A = arith.constant 0 : index
    tpu.barrier barrier_id(%barrier3A)
    %eq3A = arith.constant 0 : i32
    %eq3A_3 = arith.cmpi eq, %arg0, %eq3A : i32
    %convert_element_type3A = arith.extui %eq3A_3 : i1 to i32
    %cond3A = arith.constant 0 : i32
    %cond3A_4 = arith.cmpi ne, %convert_element_type3A, %cond3A : i32
    scf.if %cond3A_4 {
      %mul3A_15 = arith.constant 158 : i32
      %mul3A_16 = arith.muli %arg1, %mul3A_15 : i32
      %mul3A_17 = arith.constant 128 : i32
      %mul3A_18 = arith.muli %mul3A_16, %mul3A_17 : i32
      "tpu.region"() ({
        %run_scoped3A = tpu.sem_alloc : memref<!tpu.dma_semaphore, #tpu.memory_space<semaphore_mem>>
        %dma_start3A_47 = arith.constant 0 : i32
        %dma_start3A_48 = tpu.memref_slice %arg7[%dma_start3A_47] : memref<13696xi32, #tpu.memory_space<vmem>> -> memref<13696xi32, #tpu.memory_space<vmem>>
        %dma_start3A_49 = tpu.memref_slice %arg2[%mul3A_18] : memref<323584xi32, #tpu.memory_space<hbm>> -> memref<13696xi32, #tpu.memory_space<hbm>>
        %dma_start3A_50 = arith.constant 0 : i32
        %dma_start3A_51 = tpu.memref_slice %arg7[%dma_start3A_50] : memref<13696xi32, #tpu.memory_space<vmem>> -> memref<13696xi32, #tpu.memory_space<vmem>>
        %dma_start3A_52 = tpu.memref_slice %arg2[%mul3A_18] : memref<323584xi32, #tpu.memory_space<hbm>> -> memref<13696xi32, #tpu.memory_space<hbm>>
        tpu.enqueue_dma source(%dma_start3A_52 : memref<13696xi32, #tpu.memory_space<hbm>>) target(%dma_start3A_51 : memref<13696xi32, #tpu.memory_space<vmem>>) target_semaphore(%run_scoped3A : memref<!tpu.dma_semaphore, #tpu.memory_space<semaphore_mem>>)
        %dma_wait3A_53 = arith.constant 0 : i32
        %dma_wait3A_54 = tpu.memref_slice %arg7[%dma_wait3A_53] : memref<13696xi32, #tpu.memory_space<vmem>> -> memref<13696xi32, #tpu.memory_space<vmem>>
        %dma_wait3A_55 = tpu.memref_slice %arg2[%mul3A_18] : memref<323584xi32, #tpu.memory_space<hbm>> -> memref<13696xi32, #tpu.memory_space<hbm>>
        %dma_wait3A_56 = arith.constant 0 : i32
        %dma_wait3A_57 = tpu.memref_slice %arg7[%dma_wait3A_56] : memref<13696xi32, #tpu.memory_space<vmem>> -> memref<13696xi32, #tpu.memory_space<vmem>>
        %dma_wait3A_58 = tpu.memref_slice %arg2[%mul3A_18] : memref<323584xi32, #tpu.memory_space<hbm>> -> memref<13696xi32, #tpu.memory_space<hbm>>
        tpu.wait_dma2 semaphore(%run_scoped3A : memref<!tpu.dma_semaphore, #tpu.memory_space<semaphore_mem>>) src(%dma_wait3A_58 : memref<13696xi32, #tpu.memory_space<hbm>>) dst(%dma_wait3A_57 : memref<13696xi32, #tpu.memory_space<vmem>>)
        tpu.yield
      }) : () -> ()
      %add3A = arith.constant 0 : i32
      %add3A_19 = arith.addi %mul3A_18, %add3A : i32
      %dma_start3A = tpu.memref_slice %arg3[%add3A_19] : memref<323712xi32, #tpu.memory_space<hbm>> -> memref<128xi32, #tpu.memory_space<hbm>>
      %dma_start3A_20 = tpu.memref_slice %arg3[%add3A_19] : memref<323712xi32, #tpu.memory_space<hbm>> -> memref<128xi32, #tpu.memory_space<hbm>>
      tpu.enqueue_dma source(%dma_start3A_20 : memref<128xi32, #tpu.memory_space<hbm>>) target(%arg8 : memref<128xi32, #tpu.memory_space<vmem>>) target_semaphore(%arg15 : memref<!tpu.dma_semaphore, #tpu.memory_space<semaphore_mem>>)
      %dma_start3A_21 = arith.constant 0 : i32
      %dma_start3A_22 = tpu.memref_slice %arg7[%dma_start3A_21] : memref<13696xi32, #tpu.memory_space<vmem>> -> memref<128xi32, #tpu.memory_space<vmem>>
      %dma_start3A_23 = arith.constant 0 : i32
      %dma_start3A_24 = arith.constant 0 : i32
      %dma_start3A_25 = tpu.memref_slice %arg4[%dma_start3A_23, %dma_start3A_24] : memref<10000x128xf32, #tpu.memory_space<hbm>> -> memref<10000x128xf32, #tpu.memory_space<hbm>>
      tpu.enqueue_indirect_dma source(%dma_start3A_25 : memref<10000x128xf32, #tpu.memory_space<hbm>>) target(%arg10 : memref<128x128xf32, #tpu.memory_space<vmem>>) offsets(%dma_start3A_22 : memref<128xi32, #tpu.memory_space<vmem>>) semaphore(%arg13 : memref<!tpu.dma_semaphore, #tpu.memory_space<semaphore_mem>>)
      %add3A_26 = arith.constant 128 : i32
      %add3A_27 = arith.addi %mul3A_18, %add3A_26 : i32
      %dma_start3A_28 = tpu.memref_slice %arg3[%add3A_27] : memref<323712xi32, #tpu.memory_space<hbm>> -> memref<128xi32, #tpu.memory_space<hbm>>
      %dma_start3A_29 = tpu.memref_slice %arg3[%add3A_27] : memref<323712xi32, #tpu.memory_space<hbm>> -> memref<128xi32, #tpu.memory_space<hbm>>
      tpu.enqueue_dma source(%dma_start3A_29 : memref<128xi32, #tpu.memory_space<hbm>>) target(%arg9 : memref<128xi32, #tpu.memory_space<vmem>>) target_semaphore(%arg16 : memref<!tpu.dma_semaphore, #tpu.memory_space<semaphore_mem>>)
      %scan3A = arith.constant 0 : i32
      %scan3A_30 = arith.constant 0 : i32
      %scan3A_31 = arith.constant 53 : i32
      %scan3A_32 = arith.addi %scan3A_30, %scan3A_31 : i32
      %scan3A_33 = arith.constant 1 : i32
      scf.for %scan3A_47 = %scan3A_30 to %scan3A_32 step %scan3A_33  : i32 {
        %mul3A_48 = arith.constant 2 : i32
        %mul3A_49 = arith.muli %mul3A_48, %scan3A_47 : i32
        %add3A_50 = arith.constant 1 : i32
        %add3A_51 = arith.addi %mul3A_49, %add3A_50 : i32
        %mul3A_52 = arith.constant 128 : i32
        %mul3A_53 = arith.muli %add3A_51, %mul3A_52 : i32
        %dma_start3A_54 = tpu.memref_slice %arg7[%mul3A_53] : memref<13696xi32, #tpu.memory_space<vmem>> -> memref<128xi32, #tpu.memory_space<vmem>>
        %dma_start3A_55 = arith.constant 0 : i32
        %dma_start3A_56 = arith.constant 0 : i32
        %dma_start3A_57 = tpu.memref_slice %arg4[%dma_start3A_55, %dma_start3A_56] : memref<10000x128xf32, #tpu.memory_space<hbm>> -> memref<10000x128xf32, #tpu.memory_space<hbm>>
        tpu.enqueue_indirect_dma source(%dma_start3A_57 : memref<10000x128xf32, #tpu.memory_space<hbm>>) target(%arg11 : memref<128x128xf32, #tpu.memory_space<vmem>>) offsets(%dma_start3A_54 : memref<128xi32, #tpu.memory_space<vmem>>) semaphore(%arg14 : memref<!tpu.dma_semaphore, #tpu.memory_space<semaphore_mem>>)
        %mul3A_58 = arith.constant 128 : i32
        %mul3A_59 = arith.muli %mul3A_49, %mul3A_58 : i32
        %dma_wait3A_60 = tpu.memref_slice %arg7[%mul3A_59] : memref<13696xi32, #tpu.memory_space<vmem>> -> memref<128xi32, #tpu.memory_space<vmem>>
        %dma_wait3A_61 = arith.constant 0 : i32
        %dma_wait3A_62 = arith.constant 0 : i32
        %dma_wait3A_63 = tpu.memref_slice %arg4[%dma_wait3A_61, %dma_wait3A_62] : memref<10000x128xf32, #tpu.memory_space<hbm>> -> memref<10000x128xf32, #tpu.memory_space<hbm>>
        tpu.wait_indirect_dma semaphore(%arg13 : memref<!tpu.dma_semaphore, #tpu.memory_space<semaphore_mem>>) src(%dma_wait3A_63 : memref<10000x128xf32, #tpu.memory_space<hbm>>) dst(%arg10 : memref<128x128xf32, #tpu.memory_space<vmem>>)
        %mul3A_64 = arith.constant 128 : i32
        %mul3A_65 = arith.muli %mul3A_49, %mul3A_64 : i32
        %add3A_66 = arith.addi %mul3A_18, %mul3A_65 : i32
        %dma_wait3A_67 = tpu.memref_slice %arg3[%add3A_66] : memref<323712xi32, #tpu.memory_space<hbm>> -> memref<128xi32, #tpu.memory_space<hbm>>
        %dma_wait3A_68 = tpu.memref_slice %arg3[%add3A_66] : memref<323712xi32, #tpu.memory_space<hbm>> -> memref<128xi32, #tpu.memory_space<hbm>>
        tpu.wait_dma2 semaphore(%arg15 : memref<!tpu.dma_semaphore, #tpu.memory_space<semaphore_mem>>) src(%dma_wait3A_68 : memref<128xi32, #tpu.memory_space<hbm>>) dst(%arg8 : memref<128xi32, #tpu.memory_space<vmem>>)
        "tpu.region"() ({
          %run_scoped3A = tpu.sem_alloc : memref<!tpu.dma_semaphore, #tpu.memory_space<semaphore_mem>>
          %dma_start3A_106 = arith.constant 0 : i32
          %dma_start3A_107 = arith.constant 0 : i32
          %dma_start3A_108 = tpu.memref_slice %arg12[%dma_start3A_106, %dma_start3A_107] : memref<10112x128xf32, #tpu.memory_space<vmem_shared>> -> memref<10112x128xf32, #tpu.memory_space<vmem_shared>>
          tpu.enqueue_indirect_dma source(%arg10 : memref<128x128xf32, #tpu.memory_space<vmem>>) target(%dma_start3A_108 : memref<10112x128xf32, #tpu.memory_space<vmem_shared>>) offsets(%arg8 : memref<128xi32, #tpu.memory_space<vmem>>) semaphore(%run_scoped3A : memref<!tpu.dma_semaphore, #tpu.memory_space<semaphore_mem>>) {add = true}
          %dma_wait3A_109 = arith.constant 0 : i32
          %dma_wait3A_110 = arith.constant 0 : i32
          %dma_wait3A_111 = tpu.memref_slice %arg12[%dma_wait3A_109, %dma_wait3A_110] : memref<10112x128xf32, #tpu.memory_space<vmem_shared>> -> memref<10112x128xf32, #tpu.memory_space<vmem_shared>>
          tpu.wait_indirect_dma semaphore(%run_scoped3A : memref<!tpu.dma_semaphore, #tpu.memory_space<semaphore_mem>>) src(%arg10 : memref<128x128xf32, #tpu.memory_space<vmem>>) dst(%dma_wait3A_111 : memref<10112x128xf32, #tpu.memory_space<vmem_shared>>)
          tpu.yield
        }) : () -> ()
        %add3A_69 = arith.constant 2 : i32
        %add3A_70 = arith.addi %mul3A_49, %add3A_69 : i32
        %mul3A_71 = arith.constant 128 : i32
        %mul3A_72 = arith.muli %add3A_70, %mul3A_71 : i32
        %add3A_73 = arith.addi %mul3A_18, %mul3A_72 : i32
        %dma_start3A_74 = tpu.memref_slice %arg3[%add3A_73] : memref<323712xi32, #tpu.memory_space<hbm>> -> memref<128xi32, #tpu.memory_space<hbm>>
        %dma_start3A_75 = tpu.memref_slice %arg3[%add3A_73] : memref<323712xi32, #tpu.memory_space<hbm>> -> memref<128xi32, #tpu.memory_space<hbm>>
        tpu.enqueue_dma source(%dma_start3A_75 : memref<128xi32, #tpu.memory_space<hbm>>) target(%arg8 : memref<128xi32, #tpu.memory_space<vmem>>) target_semaphore(%arg15 : memref<!tpu.dma_semaphore, #tpu.memory_space<semaphore_mem>>)
        %add3A_76 = arith.constant 2 : i32
        %add3A_77 = arith.addi %mul3A_49, %add3A_76 : i32
        %mul3A_78 = arith.constant 128 : i32
        %mul3A_79 = arith.muli %add3A_77, %mul3A_78 : i32
        %dma_start3A_80 = tpu.memref_slice %arg7[%mul3A_79] : memref<13696xi32, #tpu.memory_space<vmem>> -> memref<128xi32, #tpu.memory_space<vmem>>
        %dma_start3A_81 = arith.constant 0 : i32
        %dma_start3A_82 = arith.constant 0 : i32
        %dma_start3A_83 = tpu.memref_slice %arg4[%dma_start3A_81, %dma_start3A_82] : memref<10000x128xf32, #tpu.memory_space<hbm>> -> memref<10000x128xf32, #tpu.memory_space<hbm>>
        tpu.enqueue_indirect_dma source(%dma_start3A_83 : memref<10000x128xf32, #tpu.memory_space<hbm>>) target(%arg10 : memref<128x128xf32, #tpu.memory_space<vmem>>) offsets(%dma_start3A_80 : memref<128xi32, #tpu.memory_space<vmem>>) semaphore(%arg13 : memref<!tpu.dma_semaphore, #tpu.memory_space<semaphore_mem>>)
        %add3A_84 = arith.constant 1 : i32
        %add3A_85 = arith.addi %mul3A_49, %add3A_84 : i32
        %mul3A_86 = arith.constant 128 : i32
        %mul3A_87 = arith.muli %add3A_85, %mul3A_86 : i32
        %dma_wait3A_88 = tpu.memref_slice %arg7[%mul3A_87] : memref<13696xi32, #tpu.memory_space<vmem>> -> memref<128xi32, #tpu.memory_space<vmem>>
        %dma_wait3A_89 = arith.constant 0 : i32
        %dma_wait3A_90 = arith.constant 0 : i32
        %dma_wait3A_91 = tpu.memref_slice %arg4[%dma_wait3A_89, %dma_wait3A_90] : memref<10000x128xf32, #tpu.memory_space<hbm>> -> memref<10000x128xf32, #tpu.memory_space<hbm>>
        tpu.wait_indirect_dma semaphore(%arg14 : memref<!tpu.dma_semaphore, #tpu.memory_space<semaphore_mem>>) src(%dma_wait3A_91 : memref<10000x128xf32, #tpu.memory_space<hbm>>) dst(%arg11 : memref<128x128xf32, #tpu.memory_space<vmem>>)
        %add3A_92 = arith.constant 1 : i32
        %add3A_93 = arith.addi %mul3A_49, %add3A_92 : i32
        %mul3A_94 = arith.constant 128 : i32
        %mul3A_95 = arith.muli %add3A_93, %mul3A_94 : i32
        %add3A_96 = arith.addi %mul3A_18, %mul3A_95 : i32
        %dma_wait3A_97 = tpu.memref_slice %arg3[%add3A_96] : memref<323712xi32, #tpu.memory_space<hbm>> -> memref<128xi32, #tpu.memory_space<hbm>>
        %dma_wait3A_98 = tpu.memref_slice %arg3[%add3A_96] : memref<323712xi32, #tpu.memory_space<hbm>> -> memref<128xi32, #tpu.memory_space<hbm>>
        tpu.wait_dma2 semaphore(%arg16 : memref<!tpu.dma_semaphore, #tpu.memory_space<semaphore_mem>>) src(%dma_wait3A_98 : memref<128xi32, #tpu.memory_space<hbm>>) dst(%arg9 : memref<128xi32, #tpu.memory_space<vmem>>)
        "tpu.region"() ({
          %run_scoped3A = tpu.sem_alloc : memref<!tpu.dma_semaphore, #tpu.memory_space<semaphore_mem>>
          %dma_start3A_106 = arith.constant 0 : i32
          %dma_start3A_107 = arith.constant 0 : i32
          %dma_start3A_108 = tpu.memref_slice %arg12[%dma_start3A_106, %dma_start3A_107] : memref<10112x128xf32, #tpu.memory_space<vmem_shared>> -> memref<10112x128xf32, #tpu.memory_space<vmem_shared>>
          tpu.enqueue_indirect_dma source(%arg11 : memref<128x128xf32, #tpu.memory_space<vmem>>) target(%dma_start3A_108 : memref<10112x128xf32, #tpu.memory_space<vmem_shared>>) offsets(%arg9 : memref<128xi32, #tpu.memory_space<vmem>>) semaphore(%run_scoped3A : memref<!tpu.dma_semaphore, #tpu.memory_space<semaphore_mem>>) {add = true}
          %dma_wait3A_109 = arith.constant 0 : i32
          %dma_wait3A_110 = arith.constant 0 : i32
          %dma_wait3A_111 = tpu.memref_slice %arg12[%dma_wait3A_109, %dma_wait3A_110] : memref<10112x128xf32, #tpu.memory_space<vmem_shared>> -> memref<10112x128xf32, #tpu.memory_space<vmem_shared>>
          tpu.wait_indirect_dma semaphore(%run_scoped3A : memref<!tpu.dma_semaphore, #tpu.memory_space<semaphore_mem>>) src(%arg11 : memref<128x128xf32, #tpu.memory_space<vmem>>) dst(%dma_wait3A_111 : memref<10112x128xf32, #tpu.memory_space<vmem_shared>>)
          tpu.yield
        }) : () -> ()
        %add3A_99 = arith.constant 3 : i32
        %add3A_100 = arith.addi %mul3A_49, %add3A_99 : i32
        %mul3A_101 = arith.constant 128 : i32
        %mul3A_102 = arith.muli %add3A_100, %mul3A_101 : i32
        %add3A_103 = arith.addi %mul3A_18, %mul3A_102 : i32
        %dma_start3A_104 = tpu.memref_slice %arg3[%add3A_103] : memref<323712xi32, #tpu.memory_space<hbm>> -> memref<128xi32, #tpu.memory_space<hbm>>
        %dma_start3A_105 = tpu.memref_slice %arg3[%add3A_103] : memref<323712xi32, #tpu.memory_space<hbm>> -> memref<128xi32, #tpu.memory_space<hbm>>
        tpu.enqueue_dma source(%dma_start3A_105 : memref<128xi32, #tpu.memory_space<hbm>>) target(%arg9 : memref<128xi32, #tpu.memory_space<vmem>>) target_semaphore(%arg16 : memref<!tpu.dma_semaphore, #tpu.memory_space<semaphore_mem>>)
      }
      %scan3A_34 = arith.constant 53 : i32
      %dma_wait3A = arith.constant 13568 : i32
      %dma_wait3A_35 = tpu.memref_slice %arg7[%dma_wait3A] : memref<13696xi32, #tpu.memory_space<vmem>> -> memref<128xi32, #tpu.memory_space<vmem>>
      %dma_wait3A_36 = arith.constant 0 : i32
      %dma_wait3A_37 = arith.constant 0 : i32
      %dma_wait3A_38 = tpu.memref_slice %arg4[%dma_wait3A_36, %dma_wait3A_37] : memref<10000x128xf32, #tpu.memory_space<hbm>> -> memref<10000x128xf32, #tpu.memory_space<hbm>>
      tpu.wait_indirect_dma semaphore(%arg13 : memref<!tpu.dma_semaphore, #tpu.memory_space<semaphore_mem>>) src(%dma_wait3A_38 : memref<10000x128xf32, #tpu.memory_space<hbm>>) dst(%arg10 : memref<128x128xf32, #tpu.memory_space<vmem>>)
      %add3A_39 = arith.constant 13568 : i32
      %add3A_40 = arith.addi %mul3A_18, %add3A_39 : i32
      %dma_wait3A_41 = tpu.memref_slice %arg3[%add3A_40] : memref<323712xi32, #tpu.memory_space<hbm>> -> memref<128xi32, #tpu.memory_space<hbm>>
      %dma_wait3A_42 = tpu.memref_slice %arg3[%add3A_40] : memref<323712xi32, #tpu.memory_space<hbm>> -> memref<128xi32, #tpu.memory_space<hbm>>
      tpu.wait_dma2 semaphore(%arg15 : memref<!tpu.dma_semaphore, #tpu.memory_space<semaphore_mem>>) src(%dma_wait3A_42 : memref<128xi32, #tpu.memory_space<hbm>>) dst(%arg8 : memref<128xi32, #tpu.memory_space<vmem>>)
      "tpu.region"() ({
        %run_scoped3A = tpu.sem_alloc : memref<!tpu.dma_semaphore, #tpu.memory_space<semaphore_mem>>
        %dma_start3A_47 = arith.constant 0 : i32
        %dma_start3A_48 = arith.constant 0 : i32
        %dma_start3A_49 = tpu.memref_slice %arg12[%dma_start3A_47, %dma_start3A_48] : memref<10112x128xf32, #tpu.memory_space<vmem_shared>> -> memref<10112x128xf32, #tpu.memory_space<vmem_shared>>
        tpu.enqueue_indirect_dma source(%arg10 : memref<128x128xf32, #tpu.memory_space<vmem>>) target(%dma_start3A_49 : memref<10112x128xf32, #tpu.memory_space<vmem_shared>>) offsets(%arg8 : memref<128xi32, #tpu.memory_space<vmem>>) semaphore(%run_scoped3A : memref<!tpu.dma_semaphore, #tpu.memory_space<semaphore_mem>>) {add = true}
        %dma_wait3A_50 = arith.constant 0 : i32
        %dma_wait3A_51 = arith.constant 0 : i32
        %dma_wait3A_52 = tpu.memref_slice %arg12[%dma_wait3A_50, %dma_wait3A_51] : memref<10112x128xf32, #tpu.memory_space<vmem_shared>> -> memref<10112x128xf32, #tpu.memory_space<vmem_shared>>
        tpu.wait_indirect_dma semaphore(%run_scoped3A : memref<!tpu.dma_semaphore, #tpu.memory_space<semaphore_mem>>) src(%arg10 : memref<128x128xf32, #tpu.memory_space<vmem>>) dst(%dma_wait3A_52 : memref<10112x128xf32, #tpu.memory_space<vmem_shared>>)
        tpu.yield
      }) : () -> ()
      %add3A_43 = arith.constant 13696 : i32
      %add3A_44 = arith.addi %mul3A_18, %add3A_43 : i32
      %dma_wait3A_45 = tpu.memref_slice %arg3[%add3A_44] : memref<323712xi32, #tpu.memory_space<hbm>> -> memref<128xi32, #tpu.memory_space<hbm>>
      %dma_wait3A_46 = tpu.memref_slice %arg3[%add3A_44] : memref<323712xi32, #tpu.memory_space<hbm>> -> memref<128xi32, #tpu.memory_space<hbm>>
      tpu.wait_dma2 semaphore(%arg16 : memref<!tpu.dma_semaphore, #tpu.memory_space<semaphore_mem>>) src(%dma_wait3A_46 : memref<128xi32, #tpu.memory_space<hbm>>) dst(%arg9 : memref<128xi32, #tpu.memory_space<vmem>>)
    } else {
    }
    %eq3A_5 = arith.constant 1 : i32
    %eq3A_6 = arith.cmpi eq, %arg0, %eq3A_5 : i32
    %convert_element_type3A_7 = arith.extui %eq3A_6 : i1 to i32
    %cond3A_8 = arith.constant 0 : i32
    %cond3A_9 = arith.cmpi ne, %convert_element_type3A_7, %cond3A_8 : i32
    scf.if %cond3A_9 {
      %mul3A_15 = arith.constant 158 : i32
      %mul3A_16 = arith.muli %arg1, %mul3A_15 : i32
      %add3A = arith.constant 107 : i32
      %add3A_17 = arith.addi %mul3A_16, %add3A : i32
      %mul3A_18 = arith.constant 128 : i32
      %mul3A_19 = arith.muli %add3A_17, %mul3A_18 : i32
      "tpu.region"() ({
        %run_scoped3A = tpu.sem_alloc : memref<!tpu.dma_semaphore, #tpu.memory_space<semaphore_mem>>
        %dma_start3A_49 = arith.constant 0 : i32
        %dma_start3A_50 = tpu.memref_slice %arg7[%dma_start3A_49] : memref<13696xi32, #tpu.memory_space<vmem>> -> memref<6528xi32, #tpu.memory_space<vmem>>
        %dma_start3A_51 = tpu.memref_slice %arg2[%mul3A_19] : memref<323584xi32, #tpu.memory_space<hbm>> -> memref<6528xi32, #tpu.memory_space<hbm>>
        %dma_start3A_52 = arith.constant 0 : i32
        %dma_start3A_53 = tpu.memref_slice %arg7[%dma_start3A_52] : memref<13696xi32, #tpu.memory_space<vmem>> -> memref<6528xi32, #tpu.memory_space<vmem>>
        %dma_start3A_54 = tpu.memref_slice %arg2[%mul3A_19] : memref<323584xi32, #tpu.memory_space<hbm>> -> memref<6528xi32, #tpu.memory_space<hbm>>
        tpu.enqueue_dma source(%dma_start3A_54 : memref<6528xi32, #tpu.memory_space<hbm>>) target(%dma_start3A_53 : memref<6528xi32, #tpu.memory_space<vmem>>) target_semaphore(%run_scoped3A : memref<!tpu.dma_semaphore, #tpu.memory_space<semaphore_mem>>)
        %dma_wait3A_55 = arith.constant 0 : i32
        %dma_wait3A_56 = tpu.memref_slice %arg7[%dma_wait3A_55] : memref<13696xi32, #tpu.memory_space<vmem>> -> memref<6528xi32, #tpu.memory_space<vmem>>
        %dma_wait3A_57 = tpu.memref_slice %arg2[%mul3A_19] : memref<323584xi32, #tpu.memory_space<hbm>> -> memref<6528xi32, #tpu.memory_space<hbm>>
        %dma_wait3A_58 = arith.constant 0 : i32
        %dma_wait3A_59 = tpu.memref_slice %arg7[%dma_wait3A_58] : memref<13696xi32, #tpu.memory_space<vmem>> -> memref<6528xi32, #tpu.memory_space<vmem>>
        %dma_wait3A_60 = tpu.memref_slice %arg2[%mul3A_19] : memref<323584xi32, #tpu.memory_space<hbm>> -> memref<6528xi32, #tpu.memory_space<hbm>>
        tpu.wait_dma2 semaphore(%run_scoped3A : memref<!tpu.dma_semaphore, #tpu.memory_space<semaphore_mem>>) src(%dma_wait3A_60 : memref<6528xi32, #tpu.memory_space<hbm>>) dst(%dma_wait3A_59 : memref<6528xi32, #tpu.memory_space<vmem>>)
        tpu.yield
      }) : () -> ()
      %add3A_20 = arith.constant 0 : i32
      %add3A_21 = arith.addi %mul3A_19, %add3A_20 : i32
      %dma_start3A = tpu.memref_slice %arg3[%add3A_21] : memref<323712xi32, #tpu.memory_space<hbm>> -> memref<128xi32, #tpu.memory_space<hbm>>
      %dma_start3A_22 = tpu.memref_slice %arg3[%add3A_21] : memref<323712xi32, #tpu.memory_space<hbm>> -> memref<128xi32, #tpu.memory_space<hbm>>
      tpu.enqueue_dma source(%dma_start3A_22 : memref<128xi32, #tpu.memory_space<hbm>>) target(%arg8 : memref<128xi32, #tpu.memory_space<vmem>>) target_semaphore(%arg15 : memref<!tpu.dma_semaphore, #tpu.memory_space<semaphore_mem>>)
      %dma_start3A_23 = arith.constant 0 : i32
      %dma_start3A_24 = tpu.memref_slice %arg7[%dma_start3A_23] : memref<13696xi32, #tpu.memory_space<vmem>> -> memref<128xi32, #tpu.memory_space<vmem>>
      %dma_start3A_25 = arith.constant 0 : i32
      %dma_start3A_26 = arith.constant 0 : i32
      %dma_start3A_27 = tpu.memref_slice %arg4[%dma_start3A_25, %dma_start3A_26] : memref<10000x128xf32, #tpu.memory_space<hbm>> -> memref<10000x128xf32, #tpu.memory_space<hbm>>
      tpu.enqueue_indirect_dma source(%dma_start3A_27 : memref<10000x128xf32, #tpu.memory_space<hbm>>) target(%arg10 : memref<128x128xf32, #tpu.memory_space<vmem>>) offsets(%dma_start3A_24 : memref<128xi32, #tpu.memory_space<vmem>>) semaphore(%arg13 : memref<!tpu.dma_semaphore, #tpu.memory_space<semaphore_mem>>)
      %add3A_28 = arith.constant 128 : i32
      %add3A_29 = arith.addi %mul3A_19, %add3A_28 : i32
      %dma_start3A_30 = tpu.memref_slice %arg3[%add3A_29] : memref<323712xi32, #tpu.memory_space<hbm>> -> memref<128xi32, #tpu.memory_space<hbm>>
      %dma_start3A_31 = tpu.memref_slice %arg3[%add3A_29] : memref<323712xi32, #tpu.memory_space<hbm>> -> memref<128xi32, #tpu.memory_space<hbm>>
      tpu.enqueue_dma source(%dma_start3A_31 : memref<128xi32, #tpu.memory_space<hbm>>) target(%arg9 : memref<128xi32, #tpu.memory_space<vmem>>) target_semaphore(%arg16 : memref<!tpu.dma_semaphore, #tpu.memory_space<semaphore_mem>>)
      %scan3A = arith.constant 0 : i32
      %scan3A_32 = arith.constant 0 : i32
      %scan3A_33 = arith.constant 25 : i32
      %scan3A_34 = arith.addi %scan3A_32, %scan3A_33 : i32
      %scan3A_35 = arith.constant 1 : i32
      scf.for %scan3A_49 = %scan3A_32 to %scan3A_34 step %scan3A_35  : i32 {
        %mul3A_50 = arith.constant 2 : i32
        %mul3A_51 = arith.muli %mul3A_50, %scan3A_49 : i32
        %add3A_52 = arith.constant 1 : i32
        %add3A_53 = arith.addi %mul3A_51, %add3A_52 : i32
        %mul3A_54 = arith.constant 128 : i32
        %mul3A_55 = arith.muli %add3A_53, %mul3A_54 : i32
        %dma_start3A_56 = tpu.memref_slice %arg7[%mul3A_55] : memref<13696xi32, #tpu.memory_space<vmem>> -> memref<128xi32, #tpu.memory_space<vmem>>
        %dma_start3A_57 = arith.constant 0 : i32
        %dma_start3A_58 = arith.constant 0 : i32
        %dma_start3A_59 = tpu.memref_slice %arg4[%dma_start3A_57, %dma_start3A_58] : memref<10000x128xf32, #tpu.memory_space<hbm>> -> memref<10000x128xf32, #tpu.memory_space<hbm>>
        tpu.enqueue_indirect_dma source(%dma_start3A_59 : memref<10000x128xf32, #tpu.memory_space<hbm>>) target(%arg11 : memref<128x128xf32, #tpu.memory_space<vmem>>) offsets(%dma_start3A_56 : memref<128xi32, #tpu.memory_space<vmem>>) semaphore(%arg14 : memref<!tpu.dma_semaphore, #tpu.memory_space<semaphore_mem>>)
        %mul3A_60 = arith.constant 128 : i32
        %mul3A_61 = arith.muli %mul3A_51, %mul3A_60 : i32
        %dma_wait3A_62 = tpu.memref_slice %arg7[%mul3A_61] : memref<13696xi32, #tpu.memory_space<vmem>> -> memref<128xi32, #tpu.memory_space<vmem>>
        %dma_wait3A_63 = arith.constant 0 : i32
        %dma_wait3A_64 = arith.constant 0 : i32
        %dma_wait3A_65 = tpu.memref_slice %arg4[%dma_wait3A_63, %dma_wait3A_64] : memref<10000x128xf32, #tpu.memory_space<hbm>> -> memref<10000x128xf32, #tpu.memory_space<hbm>>
        tpu.wait_indirect_dma semaphore(%arg13 : memref<!tpu.dma_semaphore, #tpu.memory_space<semaphore_mem>>) src(%dma_wait3A_65 : memref<10000x128xf32, #tpu.memory_space<hbm>>) dst(%arg10 : memref<128x128xf32, #tpu.memory_space<vmem>>)
        %mul3A_66 = arith.constant 128 : i32
        %mul3A_67 = arith.muli %mul3A_51, %mul3A_66 : i32
        %add3A_68 = arith.addi %mul3A_19, %mul3A_67 : i32
        %dma_wait3A_69 = tpu.memref_slice %arg3[%add3A_68] : memref<323712xi32, #tpu.memory_space<hbm>> -> memref<128xi32, #tpu.memory_space<hbm>>
        %dma_wait3A_70 = tpu.memref_slice %arg3[%add3A_68] : memref<323712xi32, #tpu.memory_space<hbm>> -> memref<128xi32, #tpu.memory_space<hbm>>
        tpu.wait_dma2 semaphore(%arg15 : memref<!tpu.dma_semaphore, #tpu.memory_space<semaphore_mem>>) src(%dma_wait3A_70 : memref<128xi32, #tpu.memory_space<hbm>>) dst(%arg8 : memref<128xi32, #tpu.memory_space<vmem>>)
        "tpu.region"() ({
          %run_scoped3A = tpu.sem_alloc : memref<!tpu.dma_semaphore, #tpu.memory_space<semaphore_mem>>
          %dma_start3A_108 = arith.constant 0 : i32
          %dma_start3A_109 = arith.constant 0 : i32
          %dma_start3A_110 = tpu.memref_slice %arg12[%dma_start3A_108, %dma_start3A_109] : memref<10112x128xf32, #tpu.memory_space<vmem_shared>> -> memref<10112x128xf32, #tpu.memory_space<vmem_shared>>
          tpu.enqueue_indirect_dma source(%arg10 : memref<128x128xf32, #tpu.memory_space<vmem>>) target(%dma_start3A_110 : memref<10112x128xf32, #tpu.memory_space<vmem_shared>>) offsets(%arg8 : memref<128xi32, #tpu.memory_space<vmem>>) semaphore(%run_scoped3A : memref<!tpu.dma_semaphore, #tpu.memory_space<semaphore_mem>>) {add = true}
          %dma_wait3A_111 = arith.constant 0 : i32
          %dma_wait3A_112 = arith.constant 0 : i32
          %dma_wait3A_113 = tpu.memref_slice %arg12[%dma_wait3A_111, %dma_wait3A_112] : memref<10112x128xf32, #tpu.memory_space<vmem_shared>> -> memref<10112x128xf32, #tpu.memory_space<vmem_shared>>
          tpu.wait_indirect_dma semaphore(%run_scoped3A : memref<!tpu.dma_semaphore, #tpu.memory_space<semaphore_mem>>) src(%arg10 : memref<128x128xf32, #tpu.memory_space<vmem>>) dst(%dma_wait3A_113 : memref<10112x128xf32, #tpu.memory_space<vmem_shared>>)
          tpu.yield
        }) : () -> ()
        %add3A_71 = arith.constant 2 : i32
        %add3A_72 = arith.addi %mul3A_51, %add3A_71 : i32
        %mul3A_73 = arith.constant 128 : i32
        %mul3A_74 = arith.muli %add3A_72, %mul3A_73 : i32
        %add3A_75 = arith.addi %mul3A_19, %mul3A_74 : i32
        %dma_start3A_76 = tpu.memref_slice %arg3[%add3A_75] : memref<323712xi32, #tpu.memory_space<hbm>> -> memref<128xi32, #tpu.memory_space<hbm>>
        %dma_start3A_77 = tpu.memref_slice %arg3[%add3A_75] : memref<323712xi32, #tpu.memory_space<hbm>> -> memref<128xi32, #tpu.memory_space<hbm>>
        tpu.enqueue_dma source(%dma_start3A_77 : memref<128xi32, #tpu.memory_space<hbm>>) target(%arg8 : memref<128xi32, #tpu.memory_space<vmem>>) target_semaphore(%arg15 : memref<!tpu.dma_semaphore, #tpu.memory_space<semaphore_mem>>)
        %add3A_78 = arith.constant 2 : i32
        %add3A_79 = arith.addi %mul3A_51, %add3A_78 : i32
        %mul3A_80 = arith.constant 128 : i32
        %mul3A_81 = arith.muli %add3A_79, %mul3A_80 : i32
        %dma_start3A_82 = tpu.memref_slice %arg7[%mul3A_81] : memref<13696xi32, #tpu.memory_space<vmem>> -> memref<128xi32, #tpu.memory_space<vmem>>
        %dma_start3A_83 = arith.constant 0 : i32
        %dma_start3A_84 = arith.constant 0 : i32
        %dma_start3A_85 = tpu.memref_slice %arg4[%dma_start3A_83, %dma_start3A_84] : memref<10000x128xf32, #tpu.memory_space<hbm>> -> memref<10000x128xf32, #tpu.memory_space<hbm>>
        tpu.enqueue_indirect_dma source(%dma_start3A_85 : memref<10000x128xf32, #tpu.memory_space<hbm>>) target(%arg10 : memref<128x128xf32, #tpu.memory_space<vmem>>) offsets(%dma_start3A_82 : memref<128xi32, #tpu.memory_space<vmem>>) semaphore(%arg13 : memref<!tpu.dma_semaphore, #tpu.memory_space<semaphore_mem>>)
        %add3A_86 = arith.constant 1 : i32
        %add3A_87 = arith.addi %mul3A_51, %add3A_86 : i32
        %mul3A_88 = arith.constant 128 : i32
        %mul3A_89 = arith.muli %add3A_87, %mul3A_88 : i32
        %dma_wait3A_90 = tpu.memref_slice %arg7[%mul3A_89] : memref<13696xi32, #tpu.memory_space<vmem>> -> memref<128xi32, #tpu.memory_space<vmem>>
        %dma_wait3A_91 = arith.constant 0 : i32
        %dma_wait3A_92 = arith.constant 0 : i32
        %dma_wait3A_93 = tpu.memref_slice %arg4[%dma_wait3A_91, %dma_wait3A_92] : memref<10000x128xf32, #tpu.memory_space<hbm>> -> memref<10000x128xf32, #tpu.memory_space<hbm>>
        tpu.wait_indirect_dma semaphore(%arg14 : memref<!tpu.dma_semaphore, #tpu.memory_space<semaphore_mem>>) src(%dma_wait3A_93 : memref<10000x128xf32, #tpu.memory_space<hbm>>) dst(%arg11 : memref<128x128xf32, #tpu.memory_space<vmem>>)
        %add3A_94 = arith.constant 1 : i32
        %add3A_95 = arith.addi %mul3A_51, %add3A_94 : i32
        %mul3A_96 = arith.constant 128 : i32
        %mul3A_97 = arith.muli %add3A_95, %mul3A_96 : i32
        %add3A_98 = arith.addi %mul3A_19, %mul3A_97 : i32
        %dma_wait3A_99 = tpu.memref_slice %arg3[%add3A_98] : memref<323712xi32, #tpu.memory_space<hbm>> -> memref<128xi32, #tpu.memory_space<hbm>>
        %dma_wait3A_100 = tpu.memref_slice %arg3[%add3A_98] : memref<323712xi32, #tpu.memory_space<hbm>> -> memref<128xi32, #tpu.memory_space<hbm>>
        tpu.wait_dma2 semaphore(%arg16 : memref<!tpu.dma_semaphore, #tpu.memory_space<semaphore_mem>>) src(%dma_wait3A_100 : memref<128xi32, #tpu.memory_space<hbm>>) dst(%arg9 : memref<128xi32, #tpu.memory_space<vmem>>)
        "tpu.region"() ({
          %run_scoped3A = tpu.sem_alloc : memref<!tpu.dma_semaphore, #tpu.memory_space<semaphore_mem>>
          %dma_start3A_108 = arith.constant 0 : i32
          %dma_start3A_109 = arith.constant 0 : i32
          %dma_start3A_110 = tpu.memref_slice %arg12[%dma_start3A_108, %dma_start3A_109] : memref<10112x128xf32, #tpu.memory_space<vmem_shared>> -> memref<10112x128xf32, #tpu.memory_space<vmem_shared>>
          tpu.enqueue_indirect_dma source(%arg11 : memref<128x128xf32, #tpu.memory_space<vmem>>) target(%dma_start3A_110 : memref<10112x128xf32, #tpu.memory_space<vmem_shared>>) offsets(%arg9 : memref<128xi32, #tpu.memory_space<vmem>>) semaphore(%run_scoped3A : memref<!tpu.dma_semaphore, #tpu.memory_space<semaphore_mem>>) {add = true}
          %dma_wait3A_111 = arith.constant 0 : i32
          %dma_wait3A_112 = arith.constant 0 : i32
          %dma_wait3A_113 = tpu.memref_slice %arg12[%dma_wait3A_111, %dma_wait3A_112] : memref<10112x128xf32, #tpu.memory_space<vmem_shared>> -> memref<10112x128xf32, #tpu.memory_space<vmem_shared>>
          tpu.wait_indirect_dma semaphore(%run_scoped3A : memref<!tpu.dma_semaphore, #tpu.memory_space<semaphore_mem>>) src(%arg11 : memref<128x128xf32, #tpu.memory_space<vmem>>) dst(%dma_wait3A_113 : memref<10112x128xf32, #tpu.memory_space<vmem_shared>>)
          tpu.yield
        }) : () -> ()
        %add3A_101 = arith.constant 3 : i32
        %add3A_102 = arith.addi %mul3A_51, %add3A_101 : i32
        %mul3A_103 = arith.constant 128 : i32
        %mul3A_104 = arith.muli %add3A_102, %mul3A_103 : i32
        %add3A_105 = arith.addi %mul3A_19, %mul3A_104 : i32
        %dma_start3A_106 = tpu.memref_slice %arg3[%add3A_105] : memref<323712xi32, #tpu.memory_space<hbm>> -> memref<128xi32, #tpu.memory_space<hbm>>
        %dma_start3A_107 = tpu.memref_slice %arg3[%add3A_105] : memref<323712xi32, #tpu.memory_space<hbm>> -> memref<128xi32, #tpu.memory_space<hbm>>
        tpu.enqueue_dma source(%dma_start3A_107 : memref<128xi32, #tpu.memory_space<hbm>>) target(%arg9 : memref<128xi32, #tpu.memory_space<vmem>>) target_semaphore(%arg16 : memref<!tpu.dma_semaphore, #tpu.memory_space<semaphore_mem>>)
      }
      %scan3A_36 = arith.constant 25 : i32
      %dma_wait3A = arith.constant 6400 : i32
      %dma_wait3A_37 = tpu.memref_slice %arg7[%dma_wait3A] : memref<13696xi32, #tpu.memory_space<vmem>> -> memref<128xi32, #tpu.memory_space<vmem>>
      %dma_wait3A_38 = arith.constant 0 : i32
      %dma_wait3A_39 = arith.constant 0 : i32
      %dma_wait3A_40 = tpu.memref_slice %arg4[%dma_wait3A_38, %dma_wait3A_39] : memref<10000x128xf32, #tpu.memory_space<hbm>> -> memref<10000x128xf32, #tpu.memory_space<hbm>>
      tpu.wait_indirect_dma semaphore(%arg13 : memref<!tpu.dma_semaphore, #tpu.memory_space<semaphore_mem>>) src(%dma_wait3A_40 : memref<10000x128xf32, #tpu.memory_space<hbm>>) dst(%arg10 : memref<128x128xf32, #tpu.memory_space<vmem>>)
      %add3A_41 = arith.constant 6400 : i32
      %add3A_42 = arith.addi %mul3A_19, %add3A_41 : i32
      %dma_wait3A_43 = tpu.memref_slice %arg3[%add3A_42] : memref<323712xi32, #tpu.memory_space<hbm>> -> memref<128xi32, #tpu.memory_space<hbm>>
      %dma_wait3A_44 = tpu.memref_slice %arg3[%add3A_42] : memref<323712xi32, #tpu.memory_space<hbm>> -> memref<128xi32, #tpu.memory_space<hbm>>
      tpu.wait_dma2 semaphore(%arg15 : memref<!tpu.dma_semaphore, #tpu.memory_space<semaphore_mem>>) src(%dma_wait3A_44 : memref<128xi32, #tpu.memory_space<hbm>>) dst(%arg8 : memref<128xi32, #tpu.memory_space<vmem>>)
      "tpu.region"() ({
        %run_scoped3A = tpu.sem_alloc : memref<!tpu.dma_semaphore, #tpu.memory_space<semaphore_mem>>
        %dma_start3A_49 = arith.constant 0 : i32
        %dma_start3A_50 = arith.constant 0 : i32
        %dma_start3A_51 = tpu.memref_slice %arg12[%dma_start3A_49, %dma_start3A_50] : memref<10112x128xf32, #tpu.memory_space<vmem_shared>> -> memref<10112x128xf32, #tpu.memory_space<vmem_shared>>
        tpu.enqueue_indirect_dma source(%arg10 : memref<128x128xf32, #tpu.memory_space<vmem>>) target(%dma_start3A_51 : memref<10112x128xf32, #tpu.memory_space<vmem_shared>>) offsets(%arg8 : memref<128xi32, #tpu.memory_space<vmem>>) semaphore(%run_scoped3A : memref<!tpu.dma_semaphore, #tpu.memory_space<semaphore_mem>>) {add = true}
        %dma_wait3A_52 = arith.constant 0 : i32
        %dma_wait3A_53 = arith.constant 0 : i32
        %dma_wait3A_54 = tpu.memref_slice %arg12[%dma_wait3A_52, %dma_wait3A_53] : memref<10112x128xf32, #tpu.memory_space<vmem_shared>> -> memref<10112x128xf32, #tpu.memory_space<vmem_shared>>
        tpu.wait_indirect_dma semaphore(%run_scoped3A : memref<!tpu.dma_semaphore, #tpu.memory_space<semaphore_mem>>) src(%arg10 : memref<128x128xf32, #tpu.memory_space<vmem>>) dst(%dma_wait3A_54 : memref<10112x128xf32, #tpu.memory_space<vmem_shared>>)
        tpu.yield
      }) : () -> ()
      %add3A_45 = arith.constant 6528 : i32
      %add3A_46 = arith.addi %mul3A_19, %add3A_45 : i32
      %dma_wait3A_47 = tpu.memref_slice %arg3[%add3A_46] : memref<323712xi32, #tpu.memory_space<hbm>> -> memref<128xi32, #tpu.memory_space<hbm>>
      %dma_wait3A_48 = tpu.memref_slice %arg3[%add3A_46] : memref<323712xi32, #tpu.memory_space<hbm>> -> memref<128xi32, #tpu.memory_space<hbm>>
      tpu.wait_dma2 semaphore(%arg16 : memref<!tpu.dma_semaphore, #tpu.memory_space<semaphore_mem>>) src(%dma_wait3A_48 : memref<128xi32, #tpu.memory_space<hbm>>) dst(%arg9 : memref<128xi32, #tpu.memory_space<vmem>>)
    } else {
    }
    %barrier3A_10 = arith.constant 0 : index
    tpu.barrier barrier_id(%barrier3A_10)
    %mul3A_11 = arith.constant 632 : i32
    %mul3A_12 = arith.muli %arg1, %mul3A_11 : i32
    %mul3A_13 = arith.constant 632 : i32
    %mul3A_14 = arith.muli %arg1, %mul3A_13 : i32
    "tpu.region"() ({
      %run_scoped3A = tpu.sem_alloc : memref<!tpu.dma_semaphore, #tpu.memory_space<semaphore_mem>>
      %dma_start3A = arith.constant 0 : i32
      %dma_start3A_15 = tpu.memref_slice %arg6[%arg0, %mul3A_14, %dma_start3A] : memref<2x10112x128xf32, #tpu.memory_space<hbm>> -> memref<1x632x128xf32, #tpu.memory_space<hbm>>
      %dma_start3A_16 = tpu.memref_squeeze %dma_start3A_15 : memref<1x632x128xf32, #tpu.memory_space<hbm>> -> memref<632x128xf32, #tpu.memory_space<hbm>>
      %dma_start3A_17 = arith.constant 0 : i32
      %dma_start3A_18 = tpu.memref_slice %arg12[%mul3A_12, %dma_start3A_17] : memref<10112x128xf32, #tpu.memory_space<vmem_shared>> -> memref<632x128xf32, #tpu.memory_space<vmem_shared>>
      tpu.enqueue_dma source(%dma_start3A_18 : memref<632x128xf32, #tpu.memory_space<vmem_shared>>) target(%dma_start3A_16 : memref<632x128xf32, #tpu.memory_space<hbm>>) target_semaphore(%run_scoped3A : memref<!tpu.dma_semaphore, #tpu.memory_space<semaphore_mem>>)
      %dma_wait3A = arith.constant 0 : i32
      %dma_wait3A_19 = tpu.memref_slice %arg6[%arg0, %mul3A_14, %dma_wait3A] : memref<2x10112x128xf32, #tpu.memory_space<hbm>> -> memref<1x632x128xf32, #tpu.memory_space<hbm>>
      %dma_wait3A_20 = tpu.memref_squeeze %dma_wait3A_19 : memref<1x632x128xf32, #tpu.memory_space<hbm>> -> memref<632x128xf32, #tpu.memory_space<hbm>>
      %dma_wait3A_21 = arith.constant 0 : i32
      %dma_wait3A_22 = tpu.memref_slice %arg12[%mul3A_12, %dma_wait3A_21] : memref<10112x128xf32, #tpu.memory_space<vmem_shared>> -> memref<632x128xf32, #tpu.memory_space<vmem_shared>>
      tpu.wait_dma2 semaphore(%run_scoped3A : memref<!tpu.dma_semaphore, #tpu.memory_space<semaphore_mem>>) src(%dma_wait3A_22 : memref<632x128xf32, #tpu.memory_space<vmem_shared>>) dst(%dma_wait3A_20 : memref<632x128xf32, #tpu.memory_space<hbm>>)
      tpu.yield
    }) : () -> ()
    return
  }
}

#map = affine_map<(d0, d1) -> (0)>
#map1 = affine_map<(d0, d1) -> (0, 0)>
#map2 = affine_map<(d0, d1) -> (0, 0, 0)>
module attributes {stable_mosaic.version = 14 : i64} {
  func.func @_sc_spmm_body(%arg0: i32, %arg1: i32, %arg2: memref<323584xi32, #tpu.memory_space<hbm>>, %arg3: memref<323712xi32, #tpu.memory_space<hbm>>, %arg4: memref<10000x128xf32, #tpu.memory_space<hbm>>, %arg5: memref<10112x128xf32, #tpu.memory_space<hbm>>, %arg6: memref<2x10112x128xf32, #tpu.memory_space<hbm>>, %arg7: memref<13696xi32, #tpu.memory_space<vmem>>, %arg8: memref<128xi32, #tpu.memory_space<vmem>>, %arg9: memref<128xi32, #tpu.memory_space<vmem>>, %arg10: memref<128x128xf32, #tpu.memory_space<vmem>>, %arg11: memref<128x128xf32, #tpu.memory_space<vmem>>, %arg12: memref<10112x128xf32, #tpu.memory_space<vmem_shared>>, %arg13: memref<!tpu.dma_semaphore, #tpu.memory_space<semaphore_mem>>, %arg14: memref<!tpu.dma_semaphore, #tpu.memory_space<semaphore_mem>>, %arg15: memref<!tpu.dma_semaphore, #tpu.memory_space<semaphore_mem>>, %arg16: memref<!tpu.dma_semaphore, #tpu.memory_space<semaphore_mem>>) attributes {dimension_semantics = [#tpu.dimension_semantics<core_parallel>, #tpu.dimension_semantics<subcore_parallel>], iteration_bounds = array<i64: 2, 16>, scalar_prefetch = 0 : i64, scratch_operands = 10 : i64, tpu.core_type = #tpu.core_type<sc_vector_subcore>, window_params = [{transform_indices = #map}, {transform_indices = #map}, {transform_indices = #map1}, {transform_indices = #map1}, {transform_indices = #map2}]} {
    %mul3A = arith.constant 632 : i32
    %mul3A_0 = arith.muli %arg1, %mul3A : i32
    %mul3A_1 = arith.constant 632 : i32
    %mul3A_2 = arith.muli %arg1, %mul3A_1 : i32
    "tpu.region"() ({
      %run_scoped3A = tpu.sem_alloc : memref<!tpu.dma_semaphore, #tpu.memory_space<semaphore_mem>>
      %dma_start3A = arith.constant 0 : i32
      %dma_start3A_15 = tpu.memref_slice %arg12[%mul3A_2, %dma_start3A] : memref<10112x128xf32, #tpu.memory_space<vmem_shared>> -> memref<632x128xf32, #tpu.memory_space<vmem_shared>>
      %dma_start3A_16 = arith.constant 0 : i32
      %dma_start3A_17 = tpu.memref_slice %arg5[%mul3A_0, %dma_start3A_16] : memref<10112x128xf32, #tpu.memory_space<hbm>> -> memref<632x128xf32, #tpu.memory_space<hbm>>
      tpu.enqueue_dma source(%dma_start3A_17 : memref<632x128xf32, #tpu.memory_space<hbm>>) target(%dma_start3A_15 : memref<632x128xf32, #tpu.memory_space<vmem_shared>>) target_semaphore(%run_scoped3A : memref<!tpu.dma_semaphore, #tpu.memory_space<semaphore_mem>>)
      %dma_wait3A = arith.constant 0 : i32
      %dma_wait3A_18 = tpu.memref_slice %arg12[%mul3A_2, %dma_wait3A] : memref<10112x128xf32, #tpu.memory_space<vmem_shared>> -> memref<632x128xf32, #tpu.memory_space<vmem_shared>>
      %dma_wait3A_19 = arith.constant 0 : i32
      %dma_wait3A_20 = tpu.memref_slice %arg5[%mul3A_0, %dma_wait3A_19] : memref<10112x128xf32, #tpu.memory_space<hbm>> -> memref<632x128xf32, #tpu.memory_space<hbm>>
      tpu.wait_dma2 semaphore(%run_scoped3A : memref<!tpu.dma_semaphore, #tpu.memory_space<semaphore_mem>>) src(%dma_wait3A_20 : memref<632x128xf32, #tpu.memory_space<hbm>>) dst(%dma_wait3A_18 : memref<632x128xf32, #tpu.memory_space<vmem_shared>>)
      tpu.yield
    }) : () -> ()
    %barrier3A = arith.constant 0 : index
    tpu.barrier barrier_id(%barrier3A)
    %eq3A = arith.constant 0 : i32
    %eq3A_3 = arith.cmpi eq, %arg0, %eq3A : i32
    %convert_element_type3A = arith.extui %eq3A_3 : i1 to i32
    %cond3A = arith.constant 0 : i32
    %cond3A_4 = arith.cmpi ne, %convert_element_type3A, %cond3A : i32
    scf.if %cond3A_4 {
      %mul3A_15 = arith.constant 158 : i32
      %mul3A_16 = arith.muli %arg1, %mul3A_15 : i32
      %mul3A_17 = arith.constant 128 : i32
      %mul3A_18 = arith.muli %mul3A_16, %mul3A_17 : i32
      "tpu.region"() ({
        %run_scoped3A = tpu.sem_alloc : memref<!tpu.dma_semaphore, #tpu.memory_space<semaphore_mem>>
        %dma_start3A_47 = arith.constant 0 : i32
        %dma_start3A_48 = tpu.memref_slice %arg7[%dma_start3A_47] : memref<13696xi32, #tpu.memory_space<vmem>> -> memref<13696xi32, #tpu.memory_space<vmem>>
        %dma_start3A_49 = tpu.memref_slice %arg2[%mul3A_18] : memref<323584xi32, #tpu.memory_space<hbm>> -> memref<13696xi32, #tpu.memory_space<hbm>>
        %dma_start3A_50 = arith.constant 0 : i32
        %dma_start3A_51 = tpu.memref_slice %arg7[%dma_start3A_50] : memref<13696xi32, #tpu.memory_space<vmem>> -> memref<13696xi32, #tpu.memory_space<vmem>>
        %dma_start3A_52 = tpu.memref_slice %arg2[%mul3A_18] : memref<323584xi32, #tpu.memory_space<hbm>> -> memref<13696xi32, #tpu.memory_space<hbm>>
        tpu.enqueue_dma source(%dma_start3A_52 : memref<13696xi32, #tpu.memory_space<hbm>>) target(%dma_start3A_51 : memref<13696xi32, #tpu.memory_space<vmem>>) target_semaphore(%run_scoped3A : memref<!tpu.dma_semaphore, #tpu.memory_space<semaphore_mem>>)
        %dma_wait3A_53 = arith.constant 0 : i32
        %dma_wait3A_54 = tpu.memref_slice %arg7[%dma_wait3A_53] : memref<13696xi32, #tpu.memory_space<vmem>> -> memref<13696xi32, #tpu.memory_space<vmem>>
        %dma_wait3A_55 = tpu.memref_slice %arg2[%mul3A_18] : memref<323584xi32, #tpu.memory_space<hbm>> -> memref<13696xi32, #tpu.memory_space<hbm>>
        %dma_wait3A_56 = arith.constant 0 : i32
        %dma_wait3A_57 = tpu.memref_slice %arg7[%dma_wait3A_56] : memref<13696xi32, #tpu.memory_space<vmem>> -> memref<13696xi32, #tpu.memory_space<vmem>>
        %dma_wait3A_58 = tpu.memref_slice %arg2[%mul3A_18] : memref<323584xi32, #tpu.memory_space<hbm>> -> memref<13696xi32, #tpu.memory_space<hbm>>
        tpu.wait_dma2 semaphore(%run_scoped3A : memref<!tpu.dma_semaphore, #tpu.memory_space<semaphore_mem>>) src(%dma_wait3A_58 : memref<13696xi32, #tpu.memory_space<hbm>>) dst(%dma_wait3A_57 : memref<13696xi32, #tpu.memory_space<vmem>>)
        tpu.yield
      }) : () -> ()
      %add3A = arith.constant 0 : i32
      %add3A_19 = arith.addi %mul3A_18, %add3A : i32
      %dma_start3A = tpu.memref_slice %arg3[%add3A_19] : memref<323712xi32, #tpu.memory_space<hbm>> -> memref<128xi32, #tpu.memory_space<hbm>>
      %dma_start3A_20 = tpu.memref_slice %arg3[%add3A_19] : memref<323712xi32, #tpu.memory_space<hbm>> -> memref<128xi32, #tpu.memory_space<hbm>>
      tpu.enqueue_dma source(%dma_start3A_20 : memref<128xi32, #tpu.memory_space<hbm>>) target(%arg8 : memref<128xi32, #tpu.memory_space<vmem>>) target_semaphore(%arg15 : memref<!tpu.dma_semaphore, #tpu.memory_space<semaphore_mem>>)
      %dma_start3A_21 = arith.constant 0 : i32
      %dma_start3A_22 = tpu.memref_slice %arg7[%dma_start3A_21] : memref<13696xi32, #tpu.memory_space<vmem>> -> memref<128xi32, #tpu.memory_space<vmem>>
      %dma_start3A_23 = arith.constant 0 : i32
      %dma_start3A_24 = arith.constant 0 : i32
      %dma_start3A_25 = tpu.memref_slice %arg4[%dma_start3A_23, %dma_start3A_24] : memref<10000x128xf32, #tpu.memory_space<hbm>> -> memref<10000x128xf32, #tpu.memory_space<hbm>>
      tpu.enqueue_indirect_dma source(%dma_start3A_25 : memref<10000x128xf32, #tpu.memory_space<hbm>>) target(%arg10 : memref<128x128xf32, #tpu.memory_space<vmem>>) offsets(%dma_start3A_22 : memref<128xi32, #tpu.memory_space<vmem>>) semaphore(%arg13 : memref<!tpu.dma_semaphore, #tpu.memory_space<semaphore_mem>>)
      %add3A_26 = arith.constant 128 : i32
      %add3A_27 = arith.addi %mul3A_18, %add3A_26 : i32
      %dma_start3A_28 = tpu.memref_slice %arg3[%add3A_27] : memref<323712xi32, #tpu.memory_space<hbm>> -> memref<128xi32, #tpu.memory_space<hbm>>
      %dma_start3A_29 = tpu.memref_slice %arg3[%add3A_27] : memref<323712xi32, #tpu.memory_space<hbm>> -> memref<128xi32, #tpu.memory_space<hbm>>
      tpu.enqueue_dma source(%dma_start3A_29 : memref<128xi32, #tpu.memory_space<hbm>>) target(%arg9 : memref<128xi32, #tpu.memory_space<vmem>>) target_semaphore(%arg16 : memref<!tpu.dma_semaphore, #tpu.memory_space<semaphore_mem>>)
      %scan3A = arith.constant 0 : i32
      %scan3A_30 = arith.constant 0 : i32
      %scan3A_31 = arith.constant 53 : i32
      %scan3A_32 = arith.addi %scan3A_30, %scan3A_31 : i32
      %scan3A_33 = arith.constant 1 : i32
      scf.for %scan3A_47 = %scan3A_30 to %scan3A_32 step %scan3A_33  : i32 {
        %mul3A_48 = arith.constant 2 : i32
        %mul3A_49 = arith.muli %mul3A_48, %scan3A_47 : i32
        %add3A_50 = arith.constant 1 : i32
        %add3A_51 = arith.addi %mul3A_49, %add3A_50 : i32
        %mul3A_52 = arith.constant 128 : i32
        %mul3A_53 = arith.muli %add3A_51, %mul3A_52 : i32
        %dma_start3A_54 = tpu.memref_slice %arg7[%mul3A_53] : memref<13696xi32, #tpu.memory_space<vmem>> -> memref<128xi32, #tpu.memory_space<vmem>>
        %dma_start3A_55 = arith.constant 0 : i32
        %dma_start3A_56 = arith.constant 0 : i32
        %dma_start3A_57 = tpu.memref_slice %arg4[%dma_start3A_55, %dma_start3A_56] : memref<10000x128xf32, #tpu.memory_space<hbm>> -> memref<10000x128xf32, #tpu.memory_space<hbm>>
        tpu.enqueue_indirect_dma source(%dma_start3A_57 : memref<10000x128xf32, #tpu.memory_space<hbm>>) target(%arg11 : memref<128x128xf32, #tpu.memory_space<vmem>>) offsets(%dma_start3A_54 : memref<128xi32, #tpu.memory_space<vmem>>) semaphore(%arg14 : memref<!tpu.dma_semaphore, #tpu.memory_space<semaphore_mem>>)
        %mul3A_58 = arith.constant 128 : i32
        %mul3A_59 = arith.muli %mul3A_49, %mul3A_58 : i32
        %dma_wait3A_60 = tpu.memref_slice %arg7[%mul3A_59] : memref<13696xi32, #tpu.memory_space<vmem>> -> memref<128xi32, #tpu.memory_space<vmem>>
        %dma_wait3A_61 = arith.constant 0 : i32
        %dma_wait3A_62 = arith.constant 0 : i32
        %dma_wait3A_63 = tpu.memref_slice %arg4[%dma_wait3A_61, %dma_wait3A_62] : memref<10000x128xf32, #tpu.memory_space<hbm>> -> memref<10000x128xf32, #tpu.memory_space<hbm>>
        tpu.wait_indirect_dma semaphore(%arg13 : memref<!tpu.dma_semaphore, #tpu.memory_space<semaphore_mem>>) src(%dma_wait3A_63 : memref<10000x128xf32, #tpu.memory_space<hbm>>) dst(%arg10 : memref<128x128xf32, #tpu.memory_space<vmem>>)
        %mul3A_64 = arith.constant 128 : i32
        %mul3A_65 = arith.muli %mul3A_49, %mul3A_64 : i32
        %add3A_66 = arith.addi %mul3A_18, %mul3A_65 : i32
        %dma_wait3A_67 = tpu.memref_slice %arg3[%add3A_66] : memref<323712xi32, #tpu.memory_space<hbm>> -> memref<128xi32, #tpu.memory_space<hbm>>
        %dma_wait3A_68 = tpu.memref_slice %arg3[%add3A_66] : memref<323712xi32, #tpu.memory_space<hbm>> -> memref<128xi32, #tpu.memory_space<hbm>>
        tpu.wait_dma2 semaphore(%arg15 : memref<!tpu.dma_semaphore, #tpu.memory_space<semaphore_mem>>) src(%dma_wait3A_68 : memref<128xi32, #tpu.memory_space<hbm>>) dst(%arg8 : memref<128xi32, #tpu.memory_space<vmem>>)
        "tpu.region"() ({
          %run_scoped3A = tpu.sem_alloc : memref<!tpu.dma_semaphore, #tpu.memory_space<semaphore_mem>>
          %dma_start3A_106 = arith.constant 0 : i32
          %dma_start3A_107 = arith.constant 0 : i32
          %dma_start3A_108 = tpu.memref_slice %arg12[%dma_start3A_106, %dma_start3A_107] : memref<10112x128xf32, #tpu.memory_space<vmem_shared>> -> memref<10112x128xf32, #tpu.memory_space<vmem_shared>>
          tpu.enqueue_indirect_dma source(%arg10 : memref<128x128xf32, #tpu.memory_space<vmem>>) target(%dma_start3A_108 : memref<10112x128xf32, #tpu.memory_space<vmem_shared>>) offsets(%arg8 : memref<128xi32, #tpu.memory_space<vmem>>) semaphore(%run_scoped3A : memref<!tpu.dma_semaphore, #tpu.memory_space<semaphore_mem>>) {add = true}
          %dma_wait3A_109 = arith.constant 0 : i32
          %dma_wait3A_110 = arith.constant 0 : i32
          %dma_wait3A_111 = tpu.memref_slice %arg12[%dma_wait3A_109, %dma_wait3A_110] : memref<10112x128xf32, #tpu.memory_space<vmem_shared>> -> memref<10112x128xf32, #tpu.memory_space<vmem_shared>>
          tpu.wait_indirect_dma semaphore(%run_scoped3A : memref<!tpu.dma_semaphore, #tpu.memory_space<semaphore_mem>>) src(%arg10 : memref<128x128xf32, #tpu.memory_space<vmem>>) dst(%dma_wait3A_111 : memref<10112x128xf32, #tpu.memory_space<vmem_shared>>)
          tpu.yield
        }) : () -> ()
        %add3A_69 = arith.constant 2 : i32
        %add3A_70 = arith.addi %mul3A_49, %add3A_69 : i32
        %mul3A_71 = arith.constant 128 : i32
        %mul3A_72 = arith.muli %add3A_70, %mul3A_71 : i32
        %add3A_73 = arith.addi %mul3A_18, %mul3A_72 : i32
        %dma_start3A_74 = tpu.memref_slice %arg3[%add3A_73] : memref<323712xi32, #tpu.memory_space<hbm>> -> memref<128xi32, #tpu.memory_space<hbm>>
        %dma_start3A_75 = tpu.memref_slice %arg3[%add3A_73] : memref<323712xi32, #tpu.memory_space<hbm>> -> memref<128xi32, #tpu.memory_space<hbm>>
        tpu.enqueue_dma source(%dma_start3A_75 : memref<128xi32, #tpu.memory_space<hbm>>) target(%arg8 : memref<128xi32, #tpu.memory_space<vmem>>) target_semaphore(%arg15 : memref<!tpu.dma_semaphore, #tpu.memory_space<semaphore_mem>>)
        %add3A_76 = arith.constant 2 : i32
        %add3A_77 = arith.addi %mul3A_49, %add3A_76 : i32
        %mul3A_78 = arith.constant 128 : i32
        %mul3A_79 = arith.muli %add3A_77, %mul3A_78 : i32
        %dma_start3A_80 = tpu.memref_slice %arg7[%mul3A_79] : memref<13696xi32, #tpu.memory_space<vmem>> -> memref<128xi32, #tpu.memory_space<vmem>>
        %dma_start3A_81 = arith.constant 0 : i32
        %dma_start3A_82 = arith.constant 0 : i32
        %dma_start3A_83 = tpu.memref_slice %arg4[%dma_start3A_81, %dma_start3A_82] : memref<10000x128xf32, #tpu.memory_space<hbm>> -> memref<10000x128xf32, #tpu.memory_space<hbm>>
        tpu.enqueue_indirect_dma source(%dma_start3A_83 : memref<10000x128xf32, #tpu.memory_space<hbm>>) target(%arg10 : memref<128x128xf32, #tpu.memory_space<vmem>>) offsets(%dma_start3A_80 : memref<128xi32, #tpu.memory_space<vmem>>) semaphore(%arg13 : memref<!tpu.dma_semaphore, #tpu.memory_space<semaphore_mem>>)
        %add3A_84 = arith.constant 1 : i32
        %add3A_85 = arith.addi %mul3A_49, %add3A_84 : i32
        %mul3A_86 = arith.constant 128 : i32
        %mul3A_87 = arith.muli %add3A_85, %mul3A_86 : i32
        %dma_wait3A_88 = tpu.memref_slice %arg7[%mul3A_87] : memref<13696xi32, #tpu.memory_space<vmem>> -> memref<128xi32, #tpu.memory_space<vmem>>
        %dma_wait3A_89 = arith.constant 0 : i32
        %dma_wait3A_90 = arith.constant 0 : i32
        %dma_wait3A_91 = tpu.memref_slice %arg4[%dma_wait3A_89, %dma_wait3A_90] : memref<10000x128xf32, #tpu.memory_space<hbm>> -> memref<10000x128xf32, #tpu.memory_space<hbm>>
        tpu.wait_indirect_dma semaphore(%arg14 : memref<!tpu.dma_semaphore, #tpu.memory_space<semaphore_mem>>) src(%dma_wait3A_91 : memref<10000x128xf32, #tpu.memory_space<hbm>>) dst(%arg11 : memref<128x128xf32, #tpu.memory_space<vmem>>)
        %add3A_92 = arith.constant 1 : i32
        %add3A_93 = arith.addi %mul3A_49, %add3A_92 : i32
        %mul3A_94 = arith.constant 128 : i32
        %mul3A_95 = arith.muli %add3A_93, %mul3A_94 : i32
        %add3A_96 = arith.addi %mul3A_18, %mul3A_95 : i32
        %dma_wait3A_97 = tpu.memref_slice %arg3[%add3A_96] : memref<323712xi32, #tpu.memory_space<hbm>> -> memref<128xi32, #tpu.memory_space<hbm>>
        %dma_wait3A_98 = tpu.memref_slice %arg3[%add3A_96] : memref<323712xi32, #tpu.memory_space<hbm>> -> memref<128xi32, #tpu.memory_space<hbm>>
        tpu.wait_dma2 semaphore(%arg16 : memref<!tpu.dma_semaphore, #tpu.memory_space<semaphore_mem>>) src(%dma_wait3A_98 : memref<128xi32, #tpu.memory_space<hbm>>) dst(%arg9 : memref<128xi32, #tpu.memory_space<vmem>>)
        "tpu.region"() ({
          %run_scoped3A = tpu.sem_alloc : memref<!tpu.dma_semaphore, #tpu.memory_space<semaphore_mem>>
          %dma_start3A_106 = arith.constant 0 : i32
          %dma_start3A_107 = arith.constant 0 : i32
          %dma_start3A_108 = tpu.memref_slice %arg12[%dma_start3A_106, %dma_start3A_107] : memref<10112x128xf32, #tpu.memory_space<vmem_shared>> -> memref<10112x128xf32, #tpu.memory_space<vmem_shared>>
          tpu.enqueue_indirect_dma source(%arg11 : memref<128x128xf32, #tpu.memory_space<vmem>>) target(%dma_start3A_108 : memref<10112x128xf32, #tpu.memory_space<vmem_shared>>) offsets(%arg9 : memref<128xi32, #tpu.memory_space<vmem>>) semaphore(%run_scoped3A : memref<!tpu.dma_semaphore, #tpu.memory_space<semaphore_mem>>) {add = true}
          %dma_wait3A_109 = arith.constant 0 : i32
          %dma_wait3A_110 = arith.constant 0 : i32
          %dma_wait3A_111 = tpu.memref_slice %arg12[%dma_wait3A_109, %dma_wait3A_110] : memref<10112x128xf32, #tpu.memory_space<vmem_shared>> -> memref<10112x128xf32, #tpu.memory_space<vmem_shared>>
          tpu.wait_indirect_dma semaphore(%run_scoped3A : memref<!tpu.dma_semaphore, #tpu.memory_space<semaphore_mem>>) src(%arg11 : memref<128x128xf32, #tpu.memory_space<vmem>>) dst(%dma_wait3A_111 : memref<10112x128xf32, #tpu.memory_space<vmem_shared>>)
          tpu.yield
        }) : () -> ()
        %add3A_99 = arith.constant 3 : i32
        %add3A_100 = arith.addi %mul3A_49, %add3A_99 : i32
        %mul3A_101 = arith.constant 128 : i32
        %mul3A_102 = arith.muli %add3A_100, %mul3A_101 : i32
        %add3A_103 = arith.addi %mul3A_18, %mul3A_102 : i32
        %dma_start3A_104 = tpu.memref_slice %arg3[%add3A_103] : memref<323712xi32, #tpu.memory_space<hbm>> -> memref<128xi32, #tpu.memory_space<hbm>>
        %dma_start3A_105 = tpu.memref_slice %arg3[%add3A_103] : memref<323712xi32, #tpu.memory_space<hbm>> -> memref<128xi32, #tpu.memory_space<hbm>>
        tpu.enqueue_dma source(%dma_start3A_105 : memref<128xi32, #tpu.memory_space<hbm>>) target(%arg9 : memref<128xi32, #tpu.memory_space<vmem>>) target_semaphore(%arg16 : memref<!tpu.dma_semaphore, #tpu.memory_space<semaphore_mem>>)
      }
      %scan3A_34 = arith.constant 53 : i32
      %dma_wait3A = arith.constant 13568 : i32
      %dma_wait3A_35 = tpu.memref_slice %arg7[%dma_wait3A] : memref<13696xi32, #tpu.memory_space<vmem>> -> memref<128xi32, #tpu.memory_space<vmem>>
      %dma_wait3A_36 = arith.constant 0 : i32
      %dma_wait3A_37 = arith.constant 0 : i32
      %dma_wait3A_38 = tpu.memref_slice %arg4[%dma_wait3A_36, %dma_wait3A_37] : memref<10000x128xf32, #tpu.memory_space<hbm>> -> memref<10000x128xf32, #tpu.memory_space<hbm>>
      tpu.wait_indirect_dma semaphore(%arg13 : memref<!tpu.dma_semaphore, #tpu.memory_space<semaphore_mem>>) src(%dma_wait3A_38 : memref<10000x128xf32, #tpu.memory_space<hbm>>) dst(%arg10 : memref<128x128xf32, #tpu.memory_space<vmem>>)
      %add3A_39 = arith.constant 13568 : i32
      %add3A_40 = arith.addi %mul3A_18, %add3A_39 : i32
      %dma_wait3A_41 = tpu.memref_slice %arg3[%add3A_40] : memref<323712xi32, #tpu.memory_space<hbm>> -> memref<128xi32, #tpu.memory_space<hbm>>
      %dma_wait3A_42 = tpu.memref_slice %arg3[%add3A_40] : memref<323712xi32, #tpu.memory_space<hbm>> -> memref<128xi32, #tpu.memory_space<hbm>>
      tpu.wait_dma2 semaphore(%arg15 : memref<!tpu.dma_semaphore, #tpu.memory_space<semaphore_mem>>) src(%dma_wait3A_42 : memref<128xi32, #tpu.memory_space<hbm>>) dst(%arg8 : memref<128xi32, #tpu.memory_space<vmem>>)
      "tpu.region"() ({
        %run_scoped3A = tpu.sem_alloc : memref<!tpu.dma_semaphore, #tpu.memory_space<semaphore_mem>>
        %dma_start3A_47 = arith.constant 0 : i32
        %dma_start3A_48 = arith.constant 0 : i32
        %dma_start3A_49 = tpu.memref_slice %arg12[%dma_start3A_47, %dma_start3A_48] : memref<10112x128xf32, #tpu.memory_space<vmem_shared>> -> memref<10112x128xf32, #tpu.memory_space<vmem_shared>>
        tpu.enqueue_indirect_dma source(%arg10 : memref<128x128xf32, #tpu.memory_space<vmem>>) target(%dma_start3A_49 : memref<10112x128xf32, #tpu.memory_space<vmem_shared>>) offsets(%arg8 : memref<128xi32, #tpu.memory_space<vmem>>) semaphore(%run_scoped3A : memref<!tpu.dma_semaphore, #tpu.memory_space<semaphore_mem>>) {add = true}
        %dma_wait3A_50 = arith.constant 0 : i32
        %dma_wait3A_51 = arith.constant 0 : i32
        %dma_wait3A_52 = tpu.memref_slice %arg12[%dma_wait3A_50, %dma_wait3A_51] : memref<10112x128xf32, #tpu.memory_space<vmem_shared>> -> memref<10112x128xf32, #tpu.memory_space<vmem_shared>>
        tpu.wait_indirect_dma semaphore(%run_scoped3A : memref<!tpu.dma_semaphore, #tpu.memory_space<semaphore_mem>>) src(%arg10 : memref<128x128xf32, #tpu.memory_space<vmem>>) dst(%dma_wait3A_52 : memref<10112x128xf32, #tpu.memory_space<vmem_shared>>)
        tpu.yield
      }) : () -> ()
      %add3A_43 = arith.constant 13696 : i32
      %add3A_44 = arith.addi %mul3A_18, %add3A_43 : i32
      %dma_wait3A_45 = tpu.memref_slice %arg3[%add3A_44] : memref<323712xi32, #tpu.memory_space<hbm>> -> memref<128xi32, #tpu.memory_space<hbm>>
      %dma_wait3A_46 = tpu.memref_slice %arg3[%add3A_44] : memref<323712xi32, #tpu.memory_space<hbm>> -> memref<128xi32, #tpu.memory_space<hbm>>
      tpu.wait_dma2 semaphore(%arg16 : memref<!tpu.dma_semaphore, #tpu.memory_space<semaphore_mem>>) src(%dma_wait3A_46 : memref<128xi32, #tpu.memory_space<hbm>>) dst(%arg9 : memref<128xi32, #tpu.memory_space<vmem>>)
    } else {
    }
    %eq3A_5 = arith.constant 1 : i32
    %eq3A_6 = arith.cmpi eq, %arg0, %eq3A_5 : i32
    %convert_element_type3A_7 = arith.extui %eq3A_6 : i1 to i32
    %cond3A_8 = arith.constant 0 : i32
    %cond3A_9 = arith.cmpi ne, %convert_element_type3A_7, %cond3A_8 : i32
    scf.if %cond3A_9 {
      %mul3A_15 = arith.constant 158 : i32
      %mul3A_16 = arith.muli %arg1, %mul3A_15 : i32
      %add3A = arith.constant 107 : i32
      %add3A_17 = arith.addi %mul3A_16, %add3A : i32
      %mul3A_18 = arith.constant 128 : i32
      %mul3A_19 = arith.muli %add3A_17, %mul3A_18 : i32
      "tpu.region"() ({
        %run_scoped3A = tpu.sem_alloc : memref<!tpu.dma_semaphore, #tpu.memory_space<semaphore_mem>>
        %dma_start3A_49 = arith.constant 0 : i32
        %dma_start3A_50 = tpu.memref_slice %arg7[%dma_start3A_49] : memref<13696xi32, #tpu.memory_space<vmem>> -> memref<6528xi32, #tpu.memory_space<vmem>>
        %dma_start3A_51 = tpu.memref_slice %arg2[%mul3A_19] : memref<323584xi32, #tpu.memory_space<hbm>> -> memref<6528xi32, #tpu.memory_space<hbm>>
        %dma_start3A_52 = arith.constant 0 : i32
        %dma_start3A_53 = tpu.memref_slice %arg7[%dma_start3A_52] : memref<13696xi32, #tpu.memory_space<vmem>> -> memref<6528xi32, #tpu.memory_space<vmem>>
        %dma_start3A_54 = tpu.memref_slice %arg2[%mul3A_19] : memref<323584xi32, #tpu.memory_space<hbm>> -> memref<6528xi32, #tpu.memory_space<hbm>>
        tpu.enqueue_dma source(%dma_start3A_54 : memref<6528xi32, #tpu.memory_space<hbm>>) target(%dma_start3A_53 : memref<6528xi32, #tpu.memory_space<vmem>>) target_semaphore(%run_scoped3A : memref<!tpu.dma_semaphore, #tpu.memory_space<semaphore_mem>>)
        %dma_wait3A_55 = arith.constant 0 : i32
        %dma_wait3A_56 = tpu.memref_slice %arg7[%dma_wait3A_55] : memref<13696xi32, #tpu.memory_space<vmem>> -> memref<6528xi32, #tpu.memory_space<vmem>>
        %dma_wait3A_57 = tpu.memref_slice %arg2[%mul3A_19] : memref<323584xi32, #tpu.memory_space<hbm>> -> memref<6528xi32, #tpu.memory_space<hbm>>
        %dma_wait3A_58 = arith.constant 0 : i32
        %dma_wait3A_59 = tpu.memref_slice %arg7[%dma_wait3A_58] : memref<13696xi32, #tpu.memory_space<vmem>> -> memref<6528xi32, #tpu.memory_space<vmem>>
        %dma_wait3A_60 = tpu.memref_slice %arg2[%mul3A_19] : memref<323584xi32, #tpu.memory_space<hbm>> -> memref<6528xi32, #tpu.memory_space<hbm>>
        tpu.wait_dma2 semaphore(%run_scoped3A : memref<!tpu.dma_semaphore, #tpu.memory_space<semaphore_mem>>) src(%dma_wait3A_60 : memref<6528xi32, #tpu.memory_space<hbm>>) dst(%dma_wait3A_59 : memref<6528xi32, #tpu.memory_space<vmem>>)
        tpu.yield
      }) : () -> ()
      %add3A_20 = arith.constant 0 : i32
      %add3A_21 = arith.addi %mul3A_19, %add3A_20 : i32
      %dma_start3A = tpu.memref_slice %arg3[%add3A_21] : memref<323712xi32, #tpu.memory_space<hbm>> -> memref<128xi32, #tpu.memory_space<hbm>>
      %dma_start3A_22 = tpu.memref_slice %arg3[%add3A_21] : memref<323712xi32, #tpu.memory_space<hbm>> -> memref<128xi32, #tpu.memory_space<hbm>>
      tpu.enqueue_dma source(%dma_start3A_22 : memref<128xi32, #tpu.memory_space<hbm>>) target(%arg8 : memref<128xi32, #tpu.memory_space<vmem>>) target_semaphore(%arg15 : memref<!tpu.dma_semaphore, #tpu.memory_space<semaphore_mem>>)
      %dma_start3A_23 = arith.constant 0 : i32
      %dma_start3A_24 = tpu.memref_slice %arg7[%dma_start3A_23] : memref<13696xi32, #tpu.memory_space<vmem>> -> memref<128xi32, #tpu.memory_space<vmem>>
      %dma_start3A_25 = arith.constant 0 : i32
      %dma_start3A_26 = arith.constant 0 : i32
      %dma_start3A_27 = tpu.memref_slice %arg4[%dma_start3A_25, %dma_start3A_26] : memref<10000x128xf32, #tpu.memory_space<hbm>> -> memref<10000x128xf32, #tpu.memory_space<hbm>>
      tpu.enqueue_indirect_dma source(%dma_start3A_27 : memref<10000x128xf32, #tpu.memory_space<hbm>>) target(%arg10 : memref<128x128xf32, #tpu.memory_space<vmem>>) offsets(%dma_start3A_24 : memref<128xi32, #tpu.memory_space<vmem>>) semaphore(%arg13 : memref<!tpu.dma_semaphore, #tpu.memory_space<semaphore_mem>>)
      %add3A_28 = arith.constant 128 : i32
      %add3A_29 = arith.addi %mul3A_19, %add3A_28 : i32
      %dma_start3A_30 = tpu.memref_slice %arg3[%add3A_29] : memref<323712xi32, #tpu.memory_space<hbm>> -> memref<128xi32, #tpu.memory_space<hbm>>
      %dma_start3A_31 = tpu.memref_slice %arg3[%add3A_29] : memref<323712xi32, #tpu.memory_space<hbm>> -> memref<128xi32, #tpu.memory_space<hbm>>
      tpu.enqueue_dma source(%dma_start3A_31 : memref<128xi32, #tpu.memory_space<hbm>>) target(%arg9 : memref<128xi32, #tpu.memory_space<vmem>>) target_semaphore(%arg16 : memref<!tpu.dma_semaphore, #tpu.memory_space<semaphore_mem>>)
      %scan3A = arith.constant 0 : i32
      %scan3A_32 = arith.constant 0 : i32
      %scan3A_33 = arith.constant 25 : i32
      %scan3A_34 = arith.addi %scan3A_32, %scan3A_33 : i32
      %scan3A_35 = arith.constant 1 : i32
      scf.for %scan3A_49 = %scan3A_32 to %scan3A_34 step %scan3A_35  : i32 {
        %mul3A_50 = arith.constant 2 : i32
        %mul3A_51 = arith.muli %mul3A_50, %scan3A_49 : i32
        %add3A_52 = arith.constant 1 : i32
        %add3A_53 = arith.addi %mul3A_51, %add3A_52 : i32
        %mul3A_54 = arith.constant 128 : i32
        %mul3A_55 = arith.muli %add3A_53, %mul3A_54 : i32
        %dma_start3A_56 = tpu.memref_slice %arg7[%mul3A_55] : memref<13696xi32, #tpu.memory_space<vmem>> -> memref<128xi32, #tpu.memory_space<vmem>>
        %dma_start3A_57 = arith.constant 0 : i32
        %dma_start3A_58 = arith.constant 0 : i32
        %dma_start3A_59 = tpu.memref_slice %arg4[%dma_start3A_57, %dma_start3A_58] : memref<10000x128xf32, #tpu.memory_space<hbm>> -> memref<10000x128xf32, #tpu.memory_space<hbm>>
        tpu.enqueue_indirect_dma source(%dma_start3A_59 : memref<10000x128xf32, #tpu.memory_space<hbm>>) target(%arg11 : memref<128x128xf32, #tpu.memory_space<vmem>>) offsets(%dma_start3A_56 : memref<128xi32, #tpu.memory_space<vmem>>) semaphore(%arg14 : memref<!tpu.dma_semaphore, #tpu.memory_space<semaphore_mem>>)
        %mul3A_60 = arith.constant 128 : i32
        %mul3A_61 = arith.muli %mul3A_51, %mul3A_60 : i32
        %dma_wait3A_62 = tpu.memref_slice %arg7[%mul3A_61] : memref<13696xi32, #tpu.memory_space<vmem>> -> memref<128xi32, #tpu.memory_space<vmem>>
        %dma_wait3A_63 = arith.constant 0 : i32
        %dma_wait3A_64 = arith.constant 0 : i32
        %dma_wait3A_65 = tpu.memref_slice %arg4[%dma_wait3A_63, %dma_wait3A_64] : memref<10000x128xf32, #tpu.memory_space<hbm>> -> memref<10000x128xf32, #tpu.memory_space<hbm>>
        tpu.wait_indirect_dma semaphore(%arg13 : memref<!tpu.dma_semaphore, #tpu.memory_space<semaphore_mem>>) src(%dma_wait3A_65 : memref<10000x128xf32, #tpu.memory_space<hbm>>) dst(%arg10 : memref<128x128xf32, #tpu.memory_space<vmem>>)
        %mul3A_66 = arith.constant 128 : i32
        %mul3A_67 = arith.muli %mul3A_51, %mul3A_66 : i32
        %add3A_68 = arith.addi %mul3A_19, %mul3A_67 : i32
        %dma_wait3A_69 = tpu.memref_slice %arg3[%add3A_68] : memref<323712xi32, #tpu.memory_space<hbm>> -> memref<128xi32, #tpu.memory_space<hbm>>
        %dma_wait3A_70 = tpu.memref_slice %arg3[%add3A_68] : memref<323712xi32, #tpu.memory_space<hbm>> -> memref<128xi32, #tpu.memory_space<hbm>>
        tpu.wait_dma2 semaphore(%arg15 : memref<!tpu.dma_semaphore, #tpu.memory_space<semaphore_mem>>) src(%dma_wait3A_70 : memref<128xi32, #tpu.memory_space<hbm>>) dst(%arg8 : memref<128xi32, #tpu.memory_space<vmem>>)
        "tpu.region"() ({
          %run_scoped3A = tpu.sem_alloc : memref<!tpu.dma_semaphore, #tpu.memory_space<semaphore_mem>>
          %dma_start3A_108 = arith.constant 0 : i32
          %dma_start3A_109 = arith.constant 0 : i32
          %dma_start3A_110 = tpu.memref_slice %arg12[%dma_start3A_108, %dma_start3A_109] : memref<10112x128xf32, #tpu.memory_space<vmem_shared>> -> memref<10112x128xf32, #tpu.memory_space<vmem_shared>>
          tpu.enqueue_indirect_dma source(%arg10 : memref<128x128xf32, #tpu.memory_space<vmem>>) target(%dma_start3A_110 : memref<10112x128xf32, #tpu.memory_space<vmem_shared>>) offsets(%arg8 : memref<128xi32, #tpu.memory_space<vmem>>) semaphore(%run_scoped3A : memref<!tpu.dma_semaphore, #tpu.memory_space<semaphore_mem>>) {add = true}
          %dma_wait3A_111 = arith.constant 0 : i32
          %dma_wait3A_112 = arith.constant 0 : i32
          %dma_wait3A_113 = tpu.memref_slice %arg12[%dma_wait3A_111, %dma_wait3A_112] : memref<10112x128xf32, #tpu.memory_space<vmem_shared>> -> memref<10112x128xf32, #tpu.memory_space<vmem_shared>>
          tpu.wait_indirect_dma semaphore(%run_scoped3A : memref<!tpu.dma_semaphore, #tpu.memory_space<semaphore_mem>>) src(%arg10 : memref<128x128xf32, #tpu.memory_space<vmem>>) dst(%dma_wait3A_113 : memref<10112x128xf32, #tpu.memory_space<vmem_shared>>)
          tpu.yield
        }) : () -> ()
        %add3A_71 = arith.constant 2 : i32
        %add3A_72 = arith.addi %mul3A_51, %add3A_71 : i32
        %mul3A_73 = arith.constant 128 : i32
        %mul3A_74 = arith.muli %add3A_72, %mul3A_73 : i32
        %add3A_75 = arith.addi %mul3A_19, %mul3A_74 : i32
        %dma_start3A_76 = tpu.memref_slice %arg3[%add3A_75] : memref<323712xi32, #tpu.memory_space<hbm>> -> memref<128xi32, #tpu.memory_space<hbm>>
        %dma_start3A_77 = tpu.memref_slice %arg3[%add3A_75] : memref<323712xi32, #tpu.memory_space<hbm>> -> memref<128xi32, #tpu.memory_space<hbm>>
        tpu.enqueue_dma source(%dma_start3A_77 : memref<128xi32, #tpu.memory_space<hbm>>) target(%arg8 : memref<128xi32, #tpu.memory_space<vmem>>) target_semaphore(%arg15 : memref<!tpu.dma_semaphore, #tpu.memory_space<semaphore_mem>>)
        %add3A_78 = arith.constant 2 : i32
        %add3A_79 = arith.addi %mul3A_51, %add3A_78 : i32
        %mul3A_80 = arith.constant 128 : i32
        %mul3A_81 = arith.muli %add3A_79, %mul3A_80 : i32
        %dma_start3A_82 = tpu.memref_slice %arg7[%mul3A_81] : memref<13696xi32, #tpu.memory_space<vmem>> -> memref<128xi32, #tpu.memory_space<vmem>>
        %dma_start3A_83 = arith.constant 0 : i32
        %dma_start3A_84 = arith.constant 0 : i32
        %dma_start3A_85 = tpu.memref_slice %arg4[%dma_start3A_83, %dma_start3A_84] : memref<10000x128xf32, #tpu.memory_space<hbm>> -> memref<10000x128xf32, #tpu.memory_space<hbm>>
        tpu.enqueue_indirect_dma source(%dma_start3A_85 : memref<10000x128xf32, #tpu.memory_space<hbm>>) target(%arg10 : memref<128x128xf32, #tpu.memory_space<vmem>>) offsets(%dma_start3A_82 : memref<128xi32, #tpu.memory_space<vmem>>) semaphore(%arg13 : memref<!tpu.dma_semaphore, #tpu.memory_space<semaphore_mem>>)
        %add3A_86 = arith.constant 1 : i32
        %add3A_87 = arith.addi %mul3A_51, %add3A_86 : i32
        %mul3A_88 = arith.constant 128 : i32
        %mul3A_89 = arith.muli %add3A_87, %mul3A_88 : i32
        %dma_wait3A_90 = tpu.memref_slice %arg7[%mul3A_89] : memref<13696xi32, #tpu.memory_space<vmem>> -> memref<128xi32, #tpu.memory_space<vmem>>
        %dma_wait3A_91 = arith.constant 0 : i32
        %dma_wait3A_92 = arith.constant 0 : i32
        %dma_wait3A_93 = tpu.memref_slice %arg4[%dma_wait3A_91, %dma_wait3A_92] : memref<10000x128xf32, #tpu.memory_space<hbm>> -> memref<10000x128xf32, #tpu.memory_space<hbm>>
        tpu.wait_indirect_dma semaphore(%arg14 : memref<!tpu.dma_semaphore, #tpu.memory_space<semaphore_mem>>) src(%dma_wait3A_93 : memref<10000x128xf32, #tpu.memory_space<hbm>>) dst(%arg11 : memref<128x128xf32, #tpu.memory_space<vmem>>)
        %add3A_94 = arith.constant 1 : i32
        %add3A_95 = arith.addi %mul3A_51, %add3A_94 : i32
        %mul3A_96 = arith.constant 128 : i32
        %mul3A_97 = arith.muli %add3A_95, %mul3A_96 : i32
        %add3A_98 = arith.addi %mul3A_19, %mul3A_97 : i32
        %dma_wait3A_99 = tpu.memref_slice %arg3[%add3A_98] : memref<323712xi32, #tpu.memory_space<hbm>> -> memref<128xi32, #tpu.memory_space<hbm>>
        %dma_wait3A_100 = tpu.memref_slice %arg3[%add3A_98] : memref<323712xi32, #tpu.memory_space<hbm>> -> memref<128xi32, #tpu.memory_space<hbm>>
        tpu.wait_dma2 semaphore(%arg16 : memref<!tpu.dma_semaphore, #tpu.memory_space<semaphore_mem>>) src(%dma_wait3A_100 : memref<128xi32, #tpu.memory_space<hbm>>) dst(%arg9 : memref<128xi32, #tpu.memory_space<vmem>>)
        "tpu.region"() ({
          %run_scoped3A = tpu.sem_alloc : memref<!tpu.dma_semaphore, #tpu.memory_space<semaphore_mem>>
          %dma_start3A_108 = arith.constant 0 : i32
          %dma_start3A_109 = arith.constant 0 : i32
          %dma_start3A_110 = tpu.memref_slice %arg12[%dma_start3A_108, %dma_start3A_109] : memref<10112x128xf32, #tpu.memory_space<vmem_shared>> -> memref<10112x128xf32, #tpu.memory_space<vmem_shared>>
          tpu.enqueue_indirect_dma source(%arg11 : memref<128x128xf32, #tpu.memory_space<vmem>>) target(%dma_start3A_110 : memref<10112x128xf32, #tpu.memory_space<vmem_shared>>) offsets(%arg9 : memref<128xi32, #tpu.memory_space<vmem>>) semaphore(%run_scoped3A : memref<!tpu.dma_semaphore, #tpu.memory_space<semaphore_mem>>) {add = true}
          %dma_wait3A_111 = arith.constant 0 : i32
          %dma_wait3A_112 = arith.constant 0 : i32
          %dma_wait3A_113 = tpu.memref_slice %arg12[%dma_wait3A_111, %dma_wait3A_112] : memref<10112x128xf32, #tpu.memory_space<vmem_shared>> -> memref<10112x128xf32, #tpu.memory_space<vmem_shared>>
          tpu.wait_indirect_dma semaphore(%run_scoped3A : memref<!tpu.dma_semaphore, #tpu.memory_space<semaphore_mem>>) src(%arg11 : memref<128x128xf32, #tpu.memory_space<vmem>>) dst(%dma_wait3A_113 : memref<10112x128xf32, #tpu.memory_space<vmem_shared>>)
          tpu.yield
        }) : () -> ()
        %add3A_101 = arith.constant 3 : i32
        %add3A_102 = arith.addi %mul3A_51, %add3A_101 : i32
        %mul3A_103 = arith.constant 128 : i32
        %mul3A_104 = arith.muli %add3A_102, %mul3A_103 : i32
        %add3A_105 = arith.addi %mul3A_19, %mul3A_104 : i32
        %dma_start3A_106 = tpu.memref_slice %arg3[%add3A_105] : memref<323712xi32, #tpu.memory_space<hbm>> -> memref<128xi32, #tpu.memory_space<hbm>>
        %dma_start3A_107 = tpu.memref_slice %arg3[%add3A_105] : memref<323712xi32, #tpu.memory_space<hbm>> -> memref<128xi32, #tpu.memory_space<hbm>>
        tpu.enqueue_dma source(%dma_start3A_107 : memref<128xi32, #tpu.memory_space<hbm>>) target(%arg9 : memref<128xi32, #tpu.memory_space<vmem>>) target_semaphore(%arg16 : memref<!tpu.dma_semaphore, #tpu.memory_space<semaphore_mem>>)
      }
      %scan3A_36 = arith.constant 25 : i32
      %dma_wait3A = arith.constant 6400 : i32
      %dma_wait3A_37 = tpu.memref_slice %arg7[%dma_wait3A] : memref<13696xi32, #tpu.memory_space<vmem>> -> memref<128xi32, #tpu.memory_space<vmem>>
      %dma_wait3A_38 = arith.constant 0 : i32
      %dma_wait3A_39 = arith.constant 0 : i32
      %dma_wait3A_40 = tpu.memref_slice %arg4[%dma_wait3A_38, %dma_wait3A_39] : memref<10000x128xf32, #tpu.memory_space<hbm>> -> memref<10000x128xf32, #tpu.memory_space<hbm>>
      tpu.wait_indirect_dma semaphore(%arg13 : memref<!tpu.dma_semaphore, #tpu.memory_space<semaphore_mem>>) src(%dma_wait3A_40 : memref<10000x128xf32, #tpu.memory_space<hbm>>) dst(%arg10 : memref<128x128xf32, #tpu.memory_space<vmem>>)
      %add3A_41 = arith.constant 6400 : i32
      %add3A_42 = arith.addi %mul3A_19, %add3A_41 : i32
      %dma_wait3A_43 = tpu.memref_slice %arg3[%add3A_42] : memref<323712xi32, #tpu.memory_space<hbm>> -> memref<128xi32, #tpu.memory_space<hbm>>
      %dma_wait3A_44 = tpu.memref_slice %arg3[%add3A_42] : memref<323712xi32, #tpu.memory_space<hbm>> -> memref<128xi32, #tpu.memory_space<hbm>>
      tpu.wait_dma2 semaphore(%arg15 : memref<!tpu.dma_semaphore, #tpu.memory_space<semaphore_mem>>) src(%dma_wait3A_44 : memref<128xi32, #tpu.memory_space<hbm>>) dst(%arg8 : memref<128xi32, #tpu.memory_space<vmem>>)
      "tpu.region"() ({
        %run_scoped3A = tpu.sem_alloc : memref<!tpu.dma_semaphore, #tpu.memory_space<semaphore_mem>>
        %dma_start3A_49 = arith.constant 0 : i32
        %dma_start3A_50 = arith.constant 0 : i32
        %dma_start3A_51 = tpu.memref_slice %arg12[%dma_start3A_49, %dma_start3A_50] : memref<10112x128xf32, #tpu.memory_space<vmem_shared>> -> memref<10112x128xf32, #tpu.memory_space<vmem_shared>>
        tpu.enqueue_indirect_dma source(%arg10 : memref<128x128xf32, #tpu.memory_space<vmem>>) target(%dma_start3A_51 : memref<10112x128xf32, #tpu.memory_space<vmem_shared>>) offsets(%arg8 : memref<128xi32, #tpu.memory_space<vmem>>) semaphore(%run_scoped3A : memref<!tpu.dma_semaphore, #tpu.memory_space<semaphore_mem>>) {add = true}
        %dma_wait3A_52 = arith.constant 0 : i32
        %dma_wait3A_53 = arith.constant 0 : i32
        %dma_wait3A_54 = tpu.memref_slice %arg12[%dma_wait3A_52, %dma_wait3A_53] : memref<10112x128xf32, #tpu.memory_space<vmem_shared>> -> memref<10112x128xf32, #tpu.memory_space<vmem_shared>>
        tpu.wait_indirect_dma semaphore(%run_scoped3A : memref<!tpu.dma_semaphore, #tpu.memory_space<semaphore_mem>>) src(%arg10 : memref<128x128xf32, #tpu.memory_space<vmem>>) dst(%dma_wait3A_54 : memref<10112x128xf32, #tpu.memory_space<vmem_shared>>)
        tpu.yield
      }) : () -> ()
      %add3A_45 = arith.constant 6528 : i32
      %add3A_46 = arith.addi %mul3A_19, %add3A_45 : i32
      %dma_wait3A_47 = tpu.memref_slice %arg3[%add3A_46] : memref<323712xi32, #tpu.memory_space<hbm>> -> memref<128xi32, #tpu.memory_space<hbm>>
      %dma_wait3A_48 = tpu.memref_slice %arg3[%add3A_46] : memref<323712xi32, #tpu.memory_space<hbm>> -> memref<128xi32, #tpu.memory_space<hbm>>
      tpu.wait_dma2 semaphore(%arg16 : memref<!tpu.dma_semaphore, #tpu.memory_space<semaphore_mem>>) src(%dma_wait3A_48 : memref<128xi32, #tpu.memory_space<hbm>>) dst(%arg9 : memref<128xi32, #tpu.memory_space<vmem>>)
    } else {
    }
    %barrier3A_10 = arith.constant 0 : index
    tpu.barrier barrier_id(%barrier3A_10)
    %mul3A_11 = arith.constant 632 : i32
    %mul3A_12 = arith.muli %arg1, %mul3A_11 : i32
    %mul3A_13 = arith.constant 632 : i32
    %mul3A_14 = arith.muli %arg1, %mul3A_13 : i32
    "tpu.region"() ({
      %run_scoped3A = tpu.sem_alloc : memref<!tpu.dma_semaphore, #tpu.memory_space<semaphore_mem>>
      %dma_start3A = arith.constant 0 : i32
      %dma_start3A_15 = tpu.memref_slice %arg6[%arg0, %mul3A_14, %dma_start3A] : memref<2x10112x128xf32, #tpu.memory_space<hbm>> -> memref<1x632x128xf32, #tpu.memory_space<hbm>>
      %dma_start3A_16 = tpu.memref_squeeze %dma_start3A_15 : memref<1x632x128xf32, #tpu.memory_space<hbm>> -> memref<632x128xf32, #tpu.memory_space<hbm>>
      %dma_start3A_17 = arith.constant 0 : i32
      %dma_start3A_18 = tpu.memref_slice %arg12[%mul3A_12, %dma_start3A_17] : memref<10112x128xf32, #tpu.memory_space<vmem_shared>> -> memref<632x128xf32, #tpu.memory_space<vmem_shared>>
      tpu.enqueue_dma source(%dma_start3A_18 : memref<632x128xf32, #tpu.memory_space<vmem_shared>>) target(%dma_start3A_16 : memref<632x128xf32, #tpu.memory_space<hbm>>) target_semaphore(%run_scoped3A : memref<!tpu.dma_semaphore, #tpu.memory_space<semaphore_mem>>)
      %dma_wait3A = arith.constant 0 : i32
      %dma_wait3A_19 = tpu.memref_slice %arg6[%arg0, %mul3A_14, %dma_wait3A] : memref<2x10112x128xf32, #tpu.memory_space<hbm>> -> memref<1x632x128xf32, #tpu.memory_space<hbm>>
      %dma_wait3A_20 = tpu.memref_squeeze %dma_wait3A_19 : memref<1x632x128xf32, #tpu.memory_space<hbm>> -> memref<632x128xf32, #tpu.memory_space<hbm>>
      %dma_wait3A_21 = arith.constant 0 : i32
      %dma_wait3A_22 = tpu.memref_slice %arg12[%mul3A_12, %dma_wait3A_21] : memref<10112x128xf32, #tpu.memory_space<vmem_shared>> -> memref<632x128xf32, #tpu.memory_space<vmem_shared>>
      tpu.wait_dma2 semaphore(%run_scoped3A : memref<!tpu.dma_semaphore, #tpu.memory_space<semaphore_mem>>) src(%dma_wait3A_22 : memref<632x128xf32, #tpu.memory_space<vmem_shared>>) dst(%dma_wait3A_20 : memref<632x128xf32, #tpu.memory_space<hbm>>)
      tpu.yield
    }) : () -> ()
    return
  }
}

#map = affine_map<(d0, d1) -> (0)>
#map1 = affine_map<(d0, d1) -> (0, 0)>
#map2 = affine_map<(d0, d1) -> (0, 0, 0)>
module attributes {stable_mosaic.version = 14 : i64} {
  func.func @_sc_spmm_body(%arg0: i32, %arg1: i32, %arg2: memref<323584xi32, #tpu.memory_space<hbm>>, %arg3: memref<323712xi32, #tpu.memory_space<hbm>>, %arg4: memref<10000x128xf32, #tpu.memory_space<hbm>>, %arg5: memref<10112x128xf32, #tpu.memory_space<hbm>>, %arg6: memref<2x10112x128xf32, #tpu.memory_space<hbm>>, %arg7: memref<13696xi32, #tpu.memory_space<vmem>>, %arg8: memref<128xi32, #tpu.memory_space<vmem>>, %arg9: memref<128xi32, #tpu.memory_space<vmem>>, %arg10: memref<128x128xf32, #tpu.memory_space<vmem>>, %arg11: memref<128x128xf32, #tpu.memory_space<vmem>>, %arg12: memref<10112x128xf32, #tpu.memory_space<vmem_shared>>, %arg13: memref<!tpu.dma_semaphore, #tpu.memory_space<semaphore_mem>>, %arg14: memref<!tpu.dma_semaphore, #tpu.memory_space<semaphore_mem>>, %arg15: memref<!tpu.dma_semaphore, #tpu.memory_space<semaphore_mem>>, %arg16: memref<!tpu.dma_semaphore, #tpu.memory_space<semaphore_mem>>) attributes {dimension_semantics = [#tpu.dimension_semantics<core_parallel>, #tpu.dimension_semantics<subcore_parallel>], iteration_bounds = array<i64: 2, 16>, scalar_prefetch = 0 : i64, scratch_operands = 10 : i64, tpu.core_type = #tpu.core_type<sc_vector_subcore>, window_params = [{transform_indices = #map}, {transform_indices = #map}, {transform_indices = #map1}, {transform_indices = #map1}, {transform_indices = #map2}]} {
    %mul3A = arith.constant 632 : i32
    %mul3A_0 = arith.muli %arg1, %mul3A : i32
    %mul3A_1 = arith.constant 632 : i32
    %mul3A_2 = arith.muli %arg1, %mul3A_1 : i32
    "tpu.region"() ({
      %run_scoped3A = tpu.sem_alloc : memref<!tpu.dma_semaphore, #tpu.memory_space<semaphore_mem>>
      %dma_start3A = arith.constant 0 : i32
      %dma_start3A_15 = tpu.memref_slice %arg12[%mul3A_2, %dma_start3A] : memref<10112x128xf32, #tpu.memory_space<vmem_shared>> -> memref<632x128xf32, #tpu.memory_space<vmem_shared>>
      %dma_start3A_16 = arith.constant 0 : i32
      %dma_start3A_17 = tpu.memref_slice %arg5[%mul3A_0, %dma_start3A_16] : memref<10112x128xf32, #tpu.memory_space<hbm>> -> memref<632x128xf32, #tpu.memory_space<hbm>>
      tpu.enqueue_dma source(%dma_start3A_17 : memref<632x128xf32, #tpu.memory_space<hbm>>) target(%dma_start3A_15 : memref<632x128xf32, #tpu.memory_space<vmem_shared>>) target_semaphore(%run_scoped3A : memref<!tpu.dma_semaphore, #tpu.memory_space<semaphore_mem>>)
      %dma_wait3A = arith.constant 0 : i32
      %dma_wait3A_18 = tpu.memref_slice %arg12[%mul3A_2, %dma_wait3A] : memref<10112x128xf32, #tpu.memory_space<vmem_shared>> -> memref<632x128xf32, #tpu.memory_space<vmem_shared>>
      %dma_wait3A_19 = arith.constant 0 : i32
      %dma_wait3A_20 = tpu.memref_slice %arg5[%mul3A_0, %dma_wait3A_19] : memref<10112x128xf32, #tpu.memory_space<hbm>> -> memref<632x128xf32, #tpu.memory_space<hbm>>
      tpu.wait_dma2 semaphore(%run_scoped3A : memref<!tpu.dma_semaphore, #tpu.memory_space<semaphore_mem>>) src(%dma_wait3A_20 : memref<632x128xf32, #tpu.memory_space<hbm>>) dst(%dma_wait3A_18 : memref<632x128xf32, #tpu.memory_space<vmem_shared>>)
      tpu.yield
    }) : () -> ()
    %barrier3A = arith.constant 0 : index
    tpu.barrier barrier_id(%barrier3A)
    %eq3A = arith.constant 0 : i32
    %eq3A_3 = arith.cmpi eq, %arg0, %eq3A : i32
    %convert_element_type3A = arith.extui %eq3A_3 : i1 to i32
    %cond3A = arith.constant 0 : i32
    %cond3A_4 = arith.cmpi ne, %convert_element_type3A, %cond3A : i32
    scf.if %cond3A_4 {
      %mul3A_15 = arith.constant 158 : i32
      %mul3A_16 = arith.muli %arg1, %mul3A_15 : i32
      %mul3A_17 = arith.constant 128 : i32
      %mul3A_18 = arith.muli %mul3A_16, %mul3A_17 : i32
      "tpu.region"() ({
        %run_scoped3A = tpu.sem_alloc : memref<!tpu.dma_semaphore, #tpu.memory_space<semaphore_mem>>
        %dma_start3A_47 = arith.constant 0 : i32
        %dma_start3A_48 = tpu.memref_slice %arg7[%dma_start3A_47] : memref<13696xi32, #tpu.memory_space<vmem>> -> memref<13696xi32, #tpu.memory_space<vmem>>
        %dma_start3A_49 = tpu.memref_slice %arg2[%mul3A_18] : memref<323584xi32, #tpu.memory_space<hbm>> -> memref<13696xi32, #tpu.memory_space<hbm>>
        %dma_start3A_50 = arith.constant 0 : i32
        %dma_start3A_51 = tpu.memref_slice %arg7[%dma_start3A_50] : memref<13696xi32, #tpu.memory_space<vmem>> -> memref<13696xi32, #tpu.memory_space<vmem>>
        %dma_start3A_52 = tpu.memref_slice %arg2[%mul3A_18] : memref<323584xi32, #tpu.memory_space<hbm>> -> memref<13696xi32, #tpu.memory_space<hbm>>
        tpu.enqueue_dma source(%dma_start3A_52 : memref<13696xi32, #tpu.memory_space<hbm>>) target(%dma_start3A_51 : memref<13696xi32, #tpu.memory_space<vmem>>) target_semaphore(%run_scoped3A : memref<!tpu.dma_semaphore, #tpu.memory_space<semaphore_mem>>)
        %dma_wait3A_53 = arith.constant 0 : i32
        %dma_wait3A_54 = tpu.memref_slice %arg7[%dma_wait3A_53] : memref<13696xi32, #tpu.memory_space<vmem>> -> memref<13696xi32, #tpu.memory_space<vmem>>
        %dma_wait3A_55 = tpu.memref_slice %arg2[%mul3A_18] : memref<323584xi32, #tpu.memory_space<hbm>> -> memref<13696xi32, #tpu.memory_space<hbm>>
        %dma_wait3A_56 = arith.constant 0 : i32
        %dma_wait3A_57 = tpu.memref_slice %arg7[%dma_wait3A_56] : memref<13696xi32, #tpu.memory_space<vmem>> -> memref<13696xi32, #tpu.memory_space<vmem>>
        %dma_wait3A_58 = tpu.memref_slice %arg2[%mul3A_18] : memref<323584xi32, #tpu.memory_space<hbm>> -> memref<13696xi32, #tpu.memory_space<hbm>>
        tpu.wait_dma2 semaphore(%run_scoped3A : memref<!tpu.dma_semaphore, #tpu.memory_space<semaphore_mem>>) src(%dma_wait3A_58 : memref<13696xi32, #tpu.memory_space<hbm>>) dst(%dma_wait3A_57 : memref<13696xi32, #tpu.memory_space<vmem>>)
        tpu.yield
      }) : () -> ()
      %add3A = arith.constant 0 : i32
      %add3A_19 = arith.addi %mul3A_18, %add3A : i32
      %dma_start3A = tpu.memref_slice %arg3[%add3A_19] : memref<323712xi32, #tpu.memory_space<hbm>> -> memref<128xi32, #tpu.memory_space<hbm>>
      %dma_start3A_20 = tpu.memref_slice %arg3[%add3A_19] : memref<323712xi32, #tpu.memory_space<hbm>> -> memref<128xi32, #tpu.memory_space<hbm>>
      tpu.enqueue_dma source(%dma_start3A_20 : memref<128xi32, #tpu.memory_space<hbm>>) target(%arg8 : memref<128xi32, #tpu.memory_space<vmem>>) target_semaphore(%arg15 : memref<!tpu.dma_semaphore, #tpu.memory_space<semaphore_mem>>)
      %dma_start3A_21 = arith.constant 0 : i32
      %dma_start3A_22 = tpu.memref_slice %arg7[%dma_start3A_21] : memref<13696xi32, #tpu.memory_space<vmem>> -> memref<128xi32, #tpu.memory_space<vmem>>
      %dma_start3A_23 = arith.constant 0 : i32
      %dma_start3A_24 = arith.constant 0 : i32
      %dma_start3A_25 = tpu.memref_slice %arg4[%dma_start3A_23, %dma_start3A_24] : memref<10000x128xf32, #tpu.memory_space<hbm>> -> memref<10000x128xf32, #tpu.memory_space<hbm>>
      tpu.enqueue_indirect_dma source(%dma_start3A_25 : memref<10000x128xf32, #tpu.memory_space<hbm>>) target(%arg10 : memref<128x128xf32, #tpu.memory_space<vmem>>) offsets(%dma_start3A_22 : memref<128xi32, #tpu.memory_space<vmem>>) semaphore(%arg13 : memref<!tpu.dma_semaphore, #tpu.memory_space<semaphore_mem>>)
      %add3A_26 = arith.constant 128 : i32
      %add3A_27 = arith.addi %mul3A_18, %add3A_26 : i32
      %dma_start3A_28 = tpu.memref_slice %arg3[%add3A_27] : memref<323712xi32, #tpu.memory_space<hbm>> -> memref<128xi32, #tpu.memory_space<hbm>>
      %dma_start3A_29 = tpu.memref_slice %arg3[%add3A_27] : memref<323712xi32, #tpu.memory_space<hbm>> -> memref<128xi32, #tpu.memory_space<hbm>>
      tpu.enqueue_dma source(%dma_start3A_29 : memref<128xi32, #tpu.memory_space<hbm>>) target(%arg9 : memref<128xi32, #tpu.memory_space<vmem>>) target_semaphore(%arg16 : memref<!tpu.dma_semaphore, #tpu.memory_space<semaphore_mem>>)
      %scan3A = arith.constant 0 : i32
      %scan3A_30 = arith.constant 0 : i32
      %scan3A_31 = arith.constant 53 : i32
      %scan3A_32 = arith.addi %scan3A_30, %scan3A_31 : i32
      %scan3A_33 = arith.constant 1 : i32
      scf.for %scan3A_47 = %scan3A_30 to %scan3A_32 step %scan3A_33  : i32 {
        %mul3A_48 = arith.constant 2 : i32
        %mul3A_49 = arith.muli %mul3A_48, %scan3A_47 : i32
        %add3A_50 = arith.constant 1 : i32
        %add3A_51 = arith.addi %mul3A_49, %add3A_50 : i32
        %mul3A_52 = arith.constant 128 : i32
        %mul3A_53 = arith.muli %add3A_51, %mul3A_52 : i32
        %dma_start3A_54 = tpu.memref_slice %arg7[%mul3A_53] : memref<13696xi32, #tpu.memory_space<vmem>> -> memref<128xi32, #tpu.memory_space<vmem>>
        %dma_start3A_55 = arith.constant 0 : i32
        %dma_start3A_56 = arith.constant 0 : i32
        %dma_start3A_57 = tpu.memref_slice %arg4[%dma_start3A_55, %dma_start3A_56] : memref<10000x128xf32, #tpu.memory_space<hbm>> -> memref<10000x128xf32, #tpu.memory_space<hbm>>
        tpu.enqueue_indirect_dma source(%dma_start3A_57 : memref<10000x128xf32, #tpu.memory_space<hbm>>) target(%arg11 : memref<128x128xf32, #tpu.memory_space<vmem>>) offsets(%dma_start3A_54 : memref<128xi32, #tpu.memory_space<vmem>>) semaphore(%arg14 : memref<!tpu.dma_semaphore, #tpu.memory_space<semaphore_mem>>)
        %mul3A_58 = arith.constant 128 : i32
        %mul3A_59 = arith.muli %mul3A_49, %mul3A_58 : i32
        %dma_wait3A_60 = tpu.memref_slice %arg7[%mul3A_59] : memref<13696xi32, #tpu.memory_space<vmem>> -> memref<128xi32, #tpu.memory_space<vmem>>
        %dma_wait3A_61 = arith.constant 0 : i32
        %dma_wait3A_62 = arith.constant 0 : i32
        %dma_wait3A_63 = tpu.memref_slice %arg4[%dma_wait3A_61, %dma_wait3A_62] : memref<10000x128xf32, #tpu.memory_space<hbm>> -> memref<10000x128xf32, #tpu.memory_space<hbm>>
        tpu.wait_indirect_dma semaphore(%arg13 : memref<!tpu.dma_semaphore, #tpu.memory_space<semaphore_mem>>) src(%dma_wait3A_63 : memref<10000x128xf32, #tpu.memory_space<hbm>>) dst(%arg10 : memref<128x128xf32, #tpu.memory_space<vmem>>)
        %mul3A_64 = arith.constant 128 : i32
        %mul3A_65 = arith.muli %mul3A_49, %mul3A_64 : i32
        %add3A_66 = arith.addi %mul3A_18, %mul3A_65 : i32
        %dma_wait3A_67 = tpu.memref_slice %arg3[%add3A_66] : memref<323712xi32, #tpu.memory_space<hbm>> -> memref<128xi32, #tpu.memory_space<hbm>>
        %dma_wait3A_68 = tpu.memref_slice %arg3[%add3A_66] : memref<323712xi32, #tpu.memory_space<hbm>> -> memref<128xi32, #tpu.memory_space<hbm>>
        tpu.wait_dma2 semaphore(%arg15 : memref<!tpu.dma_semaphore, #tpu.memory_space<semaphore_mem>>) src(%dma_wait3A_68 : memref<128xi32, #tpu.memory_space<hbm>>) dst(%arg8 : memref<128xi32, #tpu.memory_space<vmem>>)
        "tpu.region"() ({
          %run_scoped3A = tpu.sem_alloc : memref<!tpu.dma_semaphore, #tpu.memory_space<semaphore_mem>>
          %dma_start3A_106 = arith.constant 0 : i32
          %dma_start3A_107 = arith.constant 0 : i32
          %dma_start3A_108 = tpu.memref_slice %arg12[%dma_start3A_106, %dma_start3A_107] : memref<10112x128xf32, #tpu.memory_space<vmem_shared>> -> memref<10112x128xf32, #tpu.memory_space<vmem_shared>>
          tpu.enqueue_indirect_dma source(%arg10 : memref<128x128xf32, #tpu.memory_space<vmem>>) target(%dma_start3A_108 : memref<10112x128xf32, #tpu.memory_space<vmem_shared>>) offsets(%arg8 : memref<128xi32, #tpu.memory_space<vmem>>) semaphore(%run_scoped3A : memref<!tpu.dma_semaphore, #tpu.memory_space<semaphore_mem>>) {add = true}
          %dma_wait3A_109 = arith.constant 0 : i32
          %dma_wait3A_110 = arith.constant 0 : i32
          %dma_wait3A_111 = tpu.memref_slice %arg12[%dma_wait3A_109, %dma_wait3A_110] : memref<10112x128xf32, #tpu.memory_space<vmem_shared>> -> memref<10112x128xf32, #tpu.memory_space<vmem_shared>>
          tpu.wait_indirect_dma semaphore(%run_scoped3A : memref<!tpu.dma_semaphore, #tpu.memory_space<semaphore_mem>>) src(%arg10 : memref<128x128xf32, #tpu.memory_space<vmem>>) dst(%dma_wait3A_111 : memref<10112x128xf32, #tpu.memory_space<vmem_shared>>)
          tpu.yield
        }) : () -> ()
        %add3A_69 = arith.constant 2 : i32
        %add3A_70 = arith.addi %mul3A_49, %add3A_69 : i32
        %mul3A_71 = arith.constant 128 : i32
        %mul3A_72 = arith.muli %add3A_70, %mul3A_71 : i32
        %add3A_73 = arith.addi %mul3A_18, %mul3A_72 : i32
        %dma_start3A_74 = tpu.memref_slice %arg3[%add3A_73] : memref<323712xi32, #tpu.memory_space<hbm>> -> memref<128xi32, #tpu.memory_space<hbm>>
        %dma_start3A_75 = tpu.memref_slice %arg3[%add3A_73] : memref<323712xi32, #tpu.memory_space<hbm>> -> memref<128xi32, #tpu.memory_space<hbm>>
        tpu.enqueue_dma source(%dma_start3A_75 : memref<128xi32, #tpu.memory_space<hbm>>) target(%arg8 : memref<128xi32, #tpu.memory_space<vmem>>) target_semaphore(%arg15 : memref<!tpu.dma_semaphore, #tpu.memory_space<semaphore_mem>>)
        %add3A_76 = arith.constant 2 : i32
        %add3A_77 = arith.addi %mul3A_49, %add3A_76 : i32
        %mul3A_78 = arith.constant 128 : i32
        %mul3A_79 = arith.muli %add3A_77, %mul3A_78 : i32
        %dma_start3A_80 = tpu.memref_slice %arg7[%mul3A_79] : memref<13696xi32, #tpu.memory_space<vmem>> -> memref<128xi32, #tpu.memory_space<vmem>>
        %dma_start3A_81 = arith.constant 0 : i32
        %dma_start3A_82 = arith.constant 0 : i32
        %dma_start3A_83 = tpu.memref_slice %arg4[%dma_start3A_81, %dma_start3A_82] : memref<10000x128xf32, #tpu.memory_space<hbm>> -> memref<10000x128xf32, #tpu.memory_space<hbm>>
        tpu.enqueue_indirect_dma source(%dma_start3A_83 : memref<10000x128xf32, #tpu.memory_space<hbm>>) target(%arg10 : memref<128x128xf32, #tpu.memory_space<vmem>>) offsets(%dma_start3A_80 : memref<128xi32, #tpu.memory_space<vmem>>) semaphore(%arg13 : memref<!tpu.dma_semaphore, #tpu.memory_space<semaphore_mem>>)
        %add3A_84 = arith.constant 1 : i32
        %add3A_85 = arith.addi %mul3A_49, %add3A_84 : i32
        %mul3A_86 = arith.constant 128 : i32
        %mul3A_87 = arith.muli %add3A_85, %mul3A_86 : i32
        %dma_wait3A_88 = tpu.memref_slice %arg7[%mul3A_87] : memref<13696xi32, #tpu.memory_space<vmem>> -> memref<128xi32, #tpu.memory_space<vmem>>
        %dma_wait3A_89 = arith.constant 0 : i32
        %dma_wait3A_90 = arith.constant 0 : i32
        %dma_wait3A_91 = tpu.memref_slice %arg4[%dma_wait3A_89, %dma_wait3A_90] : memref<10000x128xf32, #tpu.memory_space<hbm>> -> memref<10000x128xf32, #tpu.memory_space<hbm>>
        tpu.wait_indirect_dma semaphore(%arg14 : memref<!tpu.dma_semaphore, #tpu.memory_space<semaphore_mem>>) src(%dma_wait3A_91 : memref<10000x128xf32, #tpu.memory_space<hbm>>) dst(%arg11 : memref<128x128xf32, #tpu.memory_space<vmem>>)
        %add3A_92 = arith.constant 1 : i32
        %add3A_93 = arith.addi %mul3A_49, %add3A_92 : i32
        %mul3A_94 = arith.constant 128 : i32
        %mul3A_95 = arith.muli %add3A_93, %mul3A_94 : i32
        %add3A_96 = arith.addi %mul3A_18, %mul3A_95 : i32
        %dma_wait3A_97 = tpu.memref_slice %arg3[%add3A_96] : memref<323712xi32, #tpu.memory_space<hbm>> -> memref<128xi32, #tpu.memory_space<hbm>>
        %dma_wait3A_98 = tpu.memref_slice %arg3[%add3A_96] : memref<323712xi32, #tpu.memory_space<hbm>> -> memref<128xi32, #tpu.memory_space<hbm>>
        tpu.wait_dma2 semaphore(%arg16 : memref<!tpu.dma_semaphore, #tpu.memory_space<semaphore_mem>>) src(%dma_wait3A_98 : memref<128xi32, #tpu.memory_space<hbm>>) dst(%arg9 : memref<128xi32, #tpu.memory_space<vmem>>)
        "tpu.region"() ({
          %run_scoped3A = tpu.sem_alloc : memref<!tpu.dma_semaphore, #tpu.memory_space<semaphore_mem>>
          %dma_start3A_106 = arith.constant 0 : i32
          %dma_start3A_107 = arith.constant 0 : i32
          %dma_start3A_108 = tpu.memref_slice %arg12[%dma_start3A_106, %dma_start3A_107] : memref<10112x128xf32, #tpu.memory_space<vmem_shared>> -> memref<10112x128xf32, #tpu.memory_space<vmem_shared>>
          tpu.enqueue_indirect_dma source(%arg11 : memref<128x128xf32, #tpu.memory_space<vmem>>) target(%dma_start3A_108 : memref<10112x128xf32, #tpu.memory_space<vmem_shared>>) offsets(%arg9 : memref<128xi32, #tpu.memory_space<vmem>>) semaphore(%run_scoped3A : memref<!tpu.dma_semaphore, #tpu.memory_space<semaphore_mem>>) {add = true}
          %dma_wait3A_109 = arith.constant 0 : i32
          %dma_wait3A_110 = arith.constant 0 : i32
          %dma_wait3A_111 = tpu.memref_slice %arg12[%dma_wait3A_109, %dma_wait3A_110] : memref<10112x128xf32, #tpu.memory_space<vmem_shared>> -> memref<10112x128xf32, #tpu.memory_space<vmem_shared>>
          tpu.wait_indirect_dma semaphore(%run_scoped3A : memref<!tpu.dma_semaphore, #tpu.memory_space<semaphore_mem>>) src(%arg11 : memref<128x128xf32, #tpu.memory_space<vmem>>) dst(%dma_wait3A_111 : memref<10112x128xf32, #tpu.memory_space<vmem_shared>>)
          tpu.yield
        }) : () -> ()
        %add3A_99 = arith.constant 3 : i32
        %add3A_100 = arith.addi %mul3A_49, %add3A_99 : i32
        %mul3A_101 = arith.constant 128 : i32
        %mul3A_102 = arith.muli %add3A_100, %mul3A_101 : i32
        %add3A_103 = arith.addi %mul3A_18, %mul3A_102 : i32
        %dma_start3A_104 = tpu.memref_slice %arg3[%add3A_103] : memref<323712xi32, #tpu.memory_space<hbm>> -> memref<128xi32, #tpu.memory_space<hbm>>
        %dma_start3A_105 = tpu.memref_slice %arg3[%add3A_103] : memref<323712xi32, #tpu.memory_space<hbm>> -> memref<128xi32, #tpu.memory_space<hbm>>
        tpu.enqueue_dma source(%dma_start3A_105 : memref<128xi32, #tpu.memory_space<hbm>>) target(%arg9 : memref<128xi32, #tpu.memory_space<vmem>>) target_semaphore(%arg16 : memref<!tpu.dma_semaphore, #tpu.memory_space<semaphore_mem>>)
      }
      %scan3A_34 = arith.constant 53 : i32
      %dma_wait3A = arith.constant 13568 : i32
      %dma_wait3A_35 = tpu.memref_slice %arg7[%dma_wait3A] : memref<13696xi32, #tpu.memory_space<vmem>> -> memref<128xi32, #tpu.memory_space<vmem>>
      %dma_wait3A_36 = arith.constant 0 : i32
      %dma_wait3A_37 = arith.constant 0 : i32
      %dma_wait3A_38 = tpu.memref_slice %arg4[%dma_wait3A_36, %dma_wait3A_37] : memref<10000x128xf32, #tpu.memory_space<hbm>> -> memref<10000x128xf32, #tpu.memory_space<hbm>>
      tpu.wait_indirect_dma semaphore(%arg13 : memref<!tpu.dma_semaphore, #tpu.memory_space<semaphore_mem>>) src(%dma_wait3A_38 : memref<10000x128xf32, #tpu.memory_space<hbm>>) dst(%arg10 : memref<128x128xf32, #tpu.memory_space<vmem>>)
      %add3A_39 = arith.constant 13568 : i32
      %add3A_40 = arith.addi %mul3A_18, %add3A_39 : i32
      %dma_wait3A_41 = tpu.memref_slice %arg3[%add3A_40] : memref<323712xi32, #tpu.memory_space<hbm>> -> memref<128xi32, #tpu.memory_space<hbm>>
      %dma_wait3A_42 = tpu.memref_slice %arg3[%add3A_40] : memref<323712xi32, #tpu.memory_space<hbm>> -> memref<128xi32, #tpu.memory_space<hbm>>
      tpu.wait_dma2 semaphore(%arg15 : memref<!tpu.dma_semaphore, #tpu.memory_space<semaphore_mem>>) src(%dma_wait3A_42 : memref<128xi32, #tpu.memory_space<hbm>>) dst(%arg8 : memref<128xi32, #tpu.memory_space<vmem>>)
      "tpu.region"() ({
        %run_scoped3A = tpu.sem_alloc : memref<!tpu.dma_semaphore, #tpu.memory_space<semaphore_mem>>
        %dma_start3A_47 = arith.constant 0 : i32
        %dma_start3A_48 = arith.constant 0 : i32
        %dma_start3A_49 = tpu.memref_slice %arg12[%dma_start3A_47, %dma_start3A_48] : memref<10112x128xf32, #tpu.memory_space<vmem_shared>> -> memref<10112x128xf32, #tpu.memory_space<vmem_shared>>
        tpu.enqueue_indirect_dma source(%arg10 : memref<128x128xf32, #tpu.memory_space<vmem>>) target(%dma_start3A_49 : memref<10112x128xf32, #tpu.memory_space<vmem_shared>>) offsets(%arg8 : memref<128xi32, #tpu.memory_space<vmem>>) semaphore(%run_scoped3A : memref<!tpu.dma_semaphore, #tpu.memory_space<semaphore_mem>>) {add = true}
        %dma_wait3A_50 = arith.constant 0 : i32
        %dma_wait3A_51 = arith.constant 0 : i32
        %dma_wait3A_52 = tpu.memref_slice %arg12[%dma_wait3A_50, %dma_wait3A_51] : memref<10112x128xf32, #tpu.memory_space<vmem_shared>> -> memref<10112x128xf32, #tpu.memory_space<vmem_shared>>
        tpu.wait_indirect_dma semaphore(%run_scoped3A : memref<!tpu.dma_semaphore, #tpu.memory_space<semaphore_mem>>) src(%arg10 : memref<128x128xf32, #tpu.memory_space<vmem>>) dst(%dma_wait3A_52 : memref<10112x128xf32, #tpu.memory_space<vmem_shared>>)
        tpu.yield
      }) : () -> ()
      %add3A_43 = arith.constant 13696 : i32
      %add3A_44 = arith.addi %mul3A_18, %add3A_43 : i32
      %dma_wait3A_45 = tpu.memref_slice %arg3[%add3A_44] : memref<323712xi32, #tpu.memory_space<hbm>> -> memref<128xi32, #tpu.memory_space<hbm>>
      %dma_wait3A_46 = tpu.memref_slice %arg3[%add3A_44] : memref<323712xi32, #tpu.memory_space<hbm>> -> memref<128xi32, #tpu.memory_space<hbm>>
      tpu.wait_dma2 semaphore(%arg16 : memref<!tpu.dma_semaphore, #tpu.memory_space<semaphore_mem>>) src(%dma_wait3A_46 : memref<128xi32, #tpu.memory_space<hbm>>) dst(%arg9 : memref<128xi32, #tpu.memory_space<vmem>>)
    } else {
    }
    %eq3A_5 = arith.constant 1 : i32
    %eq3A_6 = arith.cmpi eq, %arg0, %eq3A_5 : i32
    %convert_element_type3A_7 = arith.extui %eq3A_6 : i1 to i32
    %cond3A_8 = arith.constant 0 : i32
    %cond3A_9 = arith.cmpi ne, %convert_element_type3A_7, %cond3A_8 : i32
    scf.if %cond3A_9 {
      %mul3A_15 = arith.constant 158 : i32
      %mul3A_16 = arith.muli %arg1, %mul3A_15 : i32
      %add3A = arith.constant 107 : i32
      %add3A_17 = arith.addi %mul3A_16, %add3A : i32
      %mul3A_18 = arith.constant 128 : i32
      %mul3A_19 = arith.muli %add3A_17, %mul3A_18 : i32
      "tpu.region"() ({
        %run_scoped3A = tpu.sem_alloc : memref<!tpu.dma_semaphore, #tpu.memory_space<semaphore_mem>>
        %dma_start3A_49 = arith.constant 0 : i32
        %dma_start3A_50 = tpu.memref_slice %arg7[%dma_start3A_49] : memref<13696xi32, #tpu.memory_space<vmem>> -> memref<6528xi32, #tpu.memory_space<vmem>>
        %dma_start3A_51 = tpu.memref_slice %arg2[%mul3A_19] : memref<323584xi32, #tpu.memory_space<hbm>> -> memref<6528xi32, #tpu.memory_space<hbm>>
        %dma_start3A_52 = arith.constant 0 : i32
        %dma_start3A_53 = tpu.memref_slice %arg7[%dma_start3A_52] : memref<13696xi32, #tpu.memory_space<vmem>> -> memref<6528xi32, #tpu.memory_space<vmem>>
        %dma_start3A_54 = tpu.memref_slice %arg2[%mul3A_19] : memref<323584xi32, #tpu.memory_space<hbm>> -> memref<6528xi32, #tpu.memory_space<hbm>>
        tpu.enqueue_dma source(%dma_start3A_54 : memref<6528xi32, #tpu.memory_space<hbm>>) target(%dma_start3A_53 : memref<6528xi32, #tpu.memory_space<vmem>>) target_semaphore(%run_scoped3A : memref<!tpu.dma_semaphore, #tpu.memory_space<semaphore_mem>>)
        %dma_wait3A_55 = arith.constant 0 : i32
        %dma_wait3A_56 = tpu.memref_slice %arg7[%dma_wait3A_55] : memref<13696xi32, #tpu.memory_space<vmem>> -> memref<6528xi32, #tpu.memory_space<vmem>>
        %dma_wait3A_57 = tpu.memref_slice %arg2[%mul3A_19] : memref<323584xi32, #tpu.memory_space<hbm>> -> memref<6528xi32, #tpu.memory_space<hbm>>
        %dma_wait3A_58 = arith.constant 0 : i32
        %dma_wait3A_59 = tpu.memref_slice %arg7[%dma_wait3A_58] : memref<13696xi32, #tpu.memory_space<vmem>> -> memref<6528xi32, #tpu.memory_space<vmem>>
        %dma_wait3A_60 = tpu.memref_slice %arg2[%mul3A_19] : memref<323584xi32, #tpu.memory_space<hbm>> -> memref<6528xi32, #tpu.memory_space<hbm>>
        tpu.wait_dma2 semaphore(%run_scoped3A : memref<!tpu.dma_semaphore, #tpu.memory_space<semaphore_mem>>) src(%dma_wait3A_60 : memref<6528xi32, #tpu.memory_space<hbm>>) dst(%dma_wait3A_59 : memref<6528xi32, #tpu.memory_space<vmem>>)
        tpu.yield
      }) : () -> ()
      %add3A_20 = arith.constant 0 : i32
      %add3A_21 = arith.addi %mul3A_19, %add3A_20 : i32
      %dma_start3A = tpu.memref_slice %arg3[%add3A_21] : memref<323712xi32, #tpu.memory_space<hbm>> -> memref<128xi32, #tpu.memory_space<hbm>>
      %dma_start3A_22 = tpu.memref_slice %arg3[%add3A_21] : memref<323712xi32, #tpu.memory_space<hbm>> -> memref<128xi32, #tpu.memory_space<hbm>>
      tpu.enqueue_dma source(%dma_start3A_22 : memref<128xi32, #tpu.memory_space<hbm>>) target(%arg8 : memref<128xi32, #tpu.memory_space<vmem>>) target_semaphore(%arg15 : memref<!tpu.dma_semaphore, #tpu.memory_space<semaphore_mem>>)
      %dma_start3A_23 = arith.constant 0 : i32
      %dma_start3A_24 = tpu.memref_slice %arg7[%dma_start3A_23] : memref<13696xi32, #tpu.memory_space<vmem>> -> memref<128xi32, #tpu.memory_space<vmem>>
      %dma_start3A_25 = arith.constant 0 : i32
      %dma_start3A_26 = arith.constant 0 : i32
      %dma_start3A_27 = tpu.memref_slice %arg4[%dma_start3A_25, %dma_start3A_26] : memref<10000x128xf32, #tpu.memory_space<hbm>> -> memref<10000x128xf32, #tpu.memory_space<hbm>>
      tpu.enqueue_indirect_dma source(%dma_start3A_27 : memref<10000x128xf32, #tpu.memory_space<hbm>>) target(%arg10 : memref<128x128xf32, #tpu.memory_space<vmem>>) offsets(%dma_start3A_24 : memref<128xi32, #tpu.memory_space<vmem>>) semaphore(%arg13 : memref<!tpu.dma_semaphore, #tpu.memory_space<semaphore_mem>>)
      %add3A_28 = arith.constant 128 : i32
      %add3A_29 = arith.addi %mul3A_19, %add3A_28 : i32
      %dma_start3A_30 = tpu.memref_slice %arg3[%add3A_29] : memref<323712xi32, #tpu.memory_space<hbm>> -> memref<128xi32, #tpu.memory_space<hbm>>
      %dma_start3A_31 = tpu.memref_slice %arg3[%add3A_29] : memref<323712xi32, #tpu.memory_space<hbm>> -> memref<128xi32, #tpu.memory_space<hbm>>
      tpu.enqueue_dma source(%dma_start3A_31 : memref<128xi32, #tpu.memory_space<hbm>>) target(%arg9 : memref<128xi32, #tpu.memory_space<vmem>>) target_semaphore(%arg16 : memref<!tpu.dma_semaphore, #tpu.memory_space<semaphore_mem>>)
      %scan3A = arith.constant 0 : i32
      %scan3A_32 = arith.constant 0 : i32
      %scan3A_33 = arith.constant 25 : i32
      %scan3A_34 = arith.addi %scan3A_32, %scan3A_33 : i32
      %scan3A_35 = arith.constant 1 : i32
      scf.for %scan3A_49 = %scan3A_32 to %scan3A_34 step %scan3A_35  : i32 {
        %mul3A_50 = arith.constant 2 : i32
        %mul3A_51 = arith.muli %mul3A_50, %scan3A_49 : i32
        %add3A_52 = arith.constant 1 : i32
        %add3A_53 = arith.addi %mul3A_51, %add3A_52 : i32
        %mul3A_54 = arith.constant 128 : i32
        %mul3A_55 = arith.muli %add3A_53, %mul3A_54 : i32
        %dma_start3A_56 = tpu.memref_slice %arg7[%mul3A_55] : memref<13696xi32, #tpu.memory_space<vmem>> -> memref<128xi32, #tpu.memory_space<vmem>>
        %dma_start3A_57 = arith.constant 0 : i32
        %dma_start3A_58 = arith.constant 0 : i32
        %dma_start3A_59 = tpu.memref_slice %arg4[%dma_start3A_57, %dma_start3A_58] : memref<10000x128xf32, #tpu.memory_space<hbm>> -> memref<10000x128xf32, #tpu.memory_space<hbm>>
        tpu.enqueue_indirect_dma source(%dma_start3A_59 : memref<10000x128xf32, #tpu.memory_space<hbm>>) target(%arg11 : memref<128x128xf32, #tpu.memory_space<vmem>>) offsets(%dma_start3A_56 : memref<128xi32, #tpu.memory_space<vmem>>) semaphore(%arg14 : memref<!tpu.dma_semaphore, #tpu.memory_space<semaphore_mem>>)
        %mul3A_60 = arith.constant 128 : i32
        %mul3A_61 = arith.muli %mul3A_51, %mul3A_60 : i32
        %dma_wait3A_62 = tpu.memref_slice %arg7[%mul3A_61] : memref<13696xi32, #tpu.memory_space<vmem>> -> memref<128xi32, #tpu.memory_space<vmem>>
        %dma_wait3A_63 = arith.constant 0 : i32
        %dma_wait3A_64 = arith.constant 0 : i32
        %dma_wait3A_65 = tpu.memref_slice %arg4[%dma_wait3A_63, %dma_wait3A_64] : memref<10000x128xf32, #tpu.memory_space<hbm>> -> memref<10000x128xf32, #tpu.memory_space<hbm>>
        tpu.wait_indirect_dma semaphore(%arg13 : memref<!tpu.dma_semaphore, #tpu.memory_space<semaphore_mem>>) src(%dma_wait3A_65 : memref<10000x128xf32, #tpu.memory_space<hbm>>) dst(%arg10 : memref<128x128xf32, #tpu.memory_space<vmem>>)
        %mul3A_66 = arith.constant 128 : i32
        %mul3A_67 = arith.muli %mul3A_51, %mul3A_66 : i32
        %add3A_68 = arith.addi %mul3A_19, %mul3A_67 : i32
        %dma_wait3A_69 = tpu.memref_slice %arg3[%add3A_68] : memref<323712xi32, #tpu.memory_space<hbm>> -> memref<128xi32, #tpu.memory_space<hbm>>
        %dma_wait3A_70 = tpu.memref_slice %arg3[%add3A_68] : memref<323712xi32, #tpu.memory_space<hbm>> -> memref<128xi32, #tpu.memory_space<hbm>>
        tpu.wait_dma2 semaphore(%arg15 : memref<!tpu.dma_semaphore, #tpu.memory_space<semaphore_mem>>) src(%dma_wait3A_70 : memref<128xi32, #tpu.memory_space<hbm>>) dst(%arg8 : memref<128xi32, #tpu.memory_space<vmem>>)
        "tpu.region"() ({
          %run_scoped3A = tpu.sem_alloc : memref<!tpu.dma_semaphore, #tpu.memory_space<semaphore_mem>>
          %dma_start3A_108 = arith.constant 0 : i32
          %dma_start3A_109 = arith.constant 0 : i32
          %dma_start3A_110 = tpu.memref_slice %arg12[%dma_start3A_108, %dma_start3A_109] : memref<10112x128xf32, #tpu.memory_space<vmem_shared>> -> memref<10112x128xf32, #tpu.memory_space<vmem_shared>>
          tpu.enqueue_indirect_dma source(%arg10 : memref<128x128xf32, #tpu.memory_space<vmem>>) target(%dma_start3A_110 : memref<10112x128xf32, #tpu.memory_space<vmem_shared>>) offsets(%arg8 : memref<128xi32, #tpu.memory_space<vmem>>) semaphore(%run_scoped3A : memref<!tpu.dma_semaphore, #tpu.memory_space<semaphore_mem>>) {add = true}
          %dma_wait3A_111 = arith.constant 0 : i32
          %dma_wait3A_112 = arith.constant 0 : i32
          %dma_wait3A_113 = tpu.memref_slice %arg12[%dma_wait3A_111, %dma_wait3A_112] : memref<10112x128xf32, #tpu.memory_space<vmem_shared>> -> memref<10112x128xf32, #tpu.memory_space<vmem_shared>>
          tpu.wait_indirect_dma semaphore(%run_scoped3A : memref<!tpu.dma_semaphore, #tpu.memory_space<semaphore_mem>>) src(%arg10 : memref<128x128xf32, #tpu.memory_space<vmem>>) dst(%dma_wait3A_113 : memref<10112x128xf32, #tpu.memory_space<vmem_shared>>)
          tpu.yield
        }) : () -> ()
        %add3A_71 = arith.constant 2 : i32
        %add3A_72 = arith.addi %mul3A_51, %add3A_71 : i32
        %mul3A_73 = arith.constant 128 : i32
        %mul3A_74 = arith.muli %add3A_72, %mul3A_73 : i32
        %add3A_75 = arith.addi %mul3A_19, %mul3A_74 : i32
        %dma_start3A_76 = tpu.memref_slice %arg3[%add3A_75] : memref<323712xi32, #tpu.memory_space<hbm>> -> memref<128xi32, #tpu.memory_space<hbm>>
        %dma_start3A_77 = tpu.memref_slice %arg3[%add3A_75] : memref<323712xi32, #tpu.memory_space<hbm>> -> memref<128xi32, #tpu.memory_space<hbm>>
        tpu.enqueue_dma source(%dma_start3A_77 : memref<128xi32, #tpu.memory_space<hbm>>) target(%arg8 : memref<128xi32, #tpu.memory_space<vmem>>) target_semaphore(%arg15 : memref<!tpu.dma_semaphore, #tpu.memory_space<semaphore_mem>>)
        %add3A_78 = arith.constant 2 : i32
        %add3A_79 = arith.addi %mul3A_51, %add3A_78 : i32
        %mul3A_80 = arith.constant 128 : i32
        %mul3A_81 = arith.muli %add3A_79, %mul3A_80 : i32
        %dma_start3A_82 = tpu.memref_slice %arg7[%mul3A_81] : memref<13696xi32, #tpu.memory_space<vmem>> -> memref<128xi32, #tpu.memory_space<vmem>>
        %dma_start3A_83 = arith.constant 0 : i32
        %dma_start3A_84 = arith.constant 0 : i32
        %dma_start3A_85 = tpu.memref_slice %arg4[%dma_start3A_83, %dma_start3A_84] : memref<10000x128xf32, #tpu.memory_space<hbm>> -> memref<10000x128xf32, #tpu.memory_space<hbm>>
        tpu.enqueue_indirect_dma source(%dma_start3A_85 : memref<10000x128xf32, #tpu.memory_space<hbm>>) target(%arg10 : memref<128x128xf32, #tpu.memory_space<vmem>>) offsets(%dma_start3A_82 : memref<128xi32, #tpu.memory_space<vmem>>) semaphore(%arg13 : memref<!tpu.dma_semaphore, #tpu.memory_space<semaphore_mem>>)
        %add3A_86 = arith.constant 1 : i32
        %add3A_87 = arith.addi %mul3A_51, %add3A_86 : i32
        %mul3A_88 = arith.constant 128 : i32
        %mul3A_89 = arith.muli %add3A_87, %mul3A_88 : i32
        %dma_wait3A_90 = tpu.memref_slice %arg7[%mul3A_89] : memref<13696xi32, #tpu.memory_space<vmem>> -> memref<128xi32, #tpu.memory_space<vmem>>
        %dma_wait3A_91 = arith.constant 0 : i32
        %dma_wait3A_92 = arith.constant 0 : i32
        %dma_wait3A_93 = tpu.memref_slice %arg4[%dma_wait3A_91, %dma_wait3A_92] : memref<10000x128xf32, #tpu.memory_space<hbm>> -> memref<10000x128xf32, #tpu.memory_space<hbm>>
        tpu.wait_indirect_dma semaphore(%arg14 : memref<!tpu.dma_semaphore, #tpu.memory_space<semaphore_mem>>) src(%dma_wait3A_93 : memref<10000x128xf32, #tpu.memory_space<hbm>>) dst(%arg11 : memref<128x128xf32, #tpu.memory_space<vmem>>)
        %add3A_94 = arith.constant 1 : i32
        %add3A_95 = arith.addi %mul3A_51, %add3A_94 : i32
        %mul3A_96 = arith.constant 128 : i32
        %mul3A_97 = arith.muli %add3A_95, %mul3A_96 : i32
        %add3A_98 = arith.addi %mul3A_19, %mul3A_97 : i32
        %dma_wait3A_99 = tpu.memref_slice %arg3[%add3A_98] : memref<323712xi32, #tpu.memory_space<hbm>> -> memref<128xi32, #tpu.memory_space<hbm>>
        %dma_wait3A_100 = tpu.memref_slice %arg3[%add3A_98] : memref<323712xi32, #tpu.memory_space<hbm>> -> memref<128xi32, #tpu.memory_space<hbm>>
        tpu.wait_dma2 semaphore(%arg16 : memref<!tpu.dma_semaphore, #tpu.memory_space<semaphore_mem>>) src(%dma_wait3A_100 : memref<128xi32, #tpu.memory_space<hbm>>) dst(%arg9 : memref<128xi32, #tpu.memory_space<vmem>>)
        "tpu.region"() ({
          %run_scoped3A = tpu.sem_alloc : memref<!tpu.dma_semaphore, #tpu.memory_space<semaphore_mem>>
          %dma_start3A_108 = arith.constant 0 : i32
          %dma_start3A_109 = arith.constant 0 : i32
          %dma_start3A_110 = tpu.memref_slice %arg12[%dma_start3A_108, %dma_start3A_109] : memref<10112x128xf32, #tpu.memory_space<vmem_shared>> -> memref<10112x128xf32, #tpu.memory_space<vmem_shared>>
          tpu.enqueue_indirect_dma source(%arg11 : memref<128x128xf32, #tpu.memory_space<vmem>>) target(%dma_start3A_110 : memref<10112x128xf32, #tpu.memory_space<vmem_shared>>) offsets(%arg9 : memref<128xi32, #tpu.memory_space<vmem>>) semaphore(%run_scoped3A : memref<!tpu.dma_semaphore, #tpu.memory_space<semaphore_mem>>) {add = true}
          %dma_wait3A_111 = arith.constant 0 : i32
          %dma_wait3A_112 = arith.constant 0 : i32
          %dma_wait3A_113 = tpu.memref_slice %arg12[%dma_wait3A_111, %dma_wait3A_112] : memref<10112x128xf32, #tpu.memory_space<vmem_shared>> -> memref<10112x128xf32, #tpu.memory_space<vmem_shared>>
          tpu.wait_indirect_dma semaphore(%run_scoped3A : memref<!tpu.dma_semaphore, #tpu.memory_space<semaphore_mem>>) src(%arg11 : memref<128x128xf32, #tpu.memory_space<vmem>>) dst(%dma_wait3A_113 : memref<10112x128xf32, #tpu.memory_space<vmem_shared>>)
          tpu.yield
        }) : () -> ()
        %add3A_101 = arith.constant 3 : i32
        %add3A_102 = arith.addi %mul3A_51, %add3A_101 : i32
        %mul3A_103 = arith.constant 128 : i32
        %mul3A_104 = arith.muli %add3A_102, %mul3A_103 : i32
        %add3A_105 = arith.addi %mul3A_19, %mul3A_104 : i32
        %dma_start3A_106 = tpu.memref_slice %arg3[%add3A_105] : memref<323712xi32, #tpu.memory_space<hbm>> -> memref<128xi32, #tpu.memory_space<hbm>>
        %dma_start3A_107 = tpu.memref_slice %arg3[%add3A_105] : memref<323712xi32, #tpu.memory_space<hbm>> -> memref<128xi32, #tpu.memory_space<hbm>>
        tpu.enqueue_dma source(%dma_start3A_107 : memref<128xi32, #tpu.memory_space<hbm>>) target(%arg9 : memref<128xi32, #tpu.memory_space<vmem>>) target_semaphore(%arg16 : memref<!tpu.dma_semaphore, #tpu.memory_space<semaphore_mem>>)
      }
      %scan3A_36 = arith.constant 25 : i32
      %dma_wait3A = arith.constant 6400 : i32
      %dma_wait3A_37 = tpu.memref_slice %arg7[%dma_wait3A] : memref<13696xi32, #tpu.memory_space<vmem>> -> memref<128xi32, #tpu.memory_space<vmem>>
      %dma_wait3A_38 = arith.constant 0 : i32
      %dma_wait3A_39 = arith.constant 0 : i32
      %dma_wait3A_40 = tpu.memref_slice %arg4[%dma_wait3A_38, %dma_wait3A_39] : memref<10000x128xf32, #tpu.memory_space<hbm>> -> memref<10000x128xf32, #tpu.memory_space<hbm>>
      tpu.wait_indirect_dma semaphore(%arg13 : memref<!tpu.dma_semaphore, #tpu.memory_space<semaphore_mem>>) src(%dma_wait3A_40 : memref<10000x128xf32, #tpu.memory_space<hbm>>) dst(%arg10 : memref<128x128xf32, #tpu.memory_space<vmem>>)
      %add3A_41 = arith.constant 6400 : i32
      %add3A_42 = arith.addi %mul3A_19, %add3A_41 : i32
      %dma_wait3A_43 = tpu.memref_slice %arg3[%add3A_42] : memref<323712xi32, #tpu.memory_space<hbm>> -> memref<128xi32, #tpu.memory_space<hbm>>
      %dma_wait3A_44 = tpu.memref_slice %arg3[%add3A_42] : memref<323712xi32, #tpu.memory_space<hbm>> -> memref<128xi32, #tpu.memory_space<hbm>>
      tpu.wait_dma2 semaphore(%arg15 : memref<!tpu.dma_semaphore, #tpu.memory_space<semaphore_mem>>) src(%dma_wait3A_44 : memref<128xi32, #tpu.memory_space<hbm>>) dst(%arg8 : memref<128xi32, #tpu.memory_space<vmem>>)
      "tpu.region"() ({
        %run_scoped3A = tpu.sem_alloc : memref<!tpu.dma_semaphore, #tpu.memory_space<semaphore_mem>>
        %dma_start3A_49 = arith.constant 0 : i32
        %dma_start3A_50 = arith.constant 0 : i32
        %dma_start3A_51 = tpu.memref_slice %arg12[%dma_start3A_49, %dma_start3A_50] : memref<10112x128xf32, #tpu.memory_space<vmem_shared>> -> memref<10112x128xf32, #tpu.memory_space<vmem_shared>>
        tpu.enqueue_indirect_dma source(%arg10 : memref<128x128xf32, #tpu.memory_space<vmem>>) target(%dma_start3A_51 : memref<10112x128xf32, #tpu.memory_space<vmem_shared>>) offsets(%arg8 : memref<128xi32, #tpu.memory_space<vmem>>) semaphore(%run_scoped3A : memref<!tpu.dma_semaphore, #tpu.memory_space<semaphore_mem>>) {add = true}
        %dma_wait3A_52 = arith.constant 0 : i32
        %dma_wait3A_53 = arith.constant 0 : i32
        %dma_wait3A_54 = tpu.memref_slice %arg12[%dma_wait3A_52, %dma_wait3A_53] : memref<10112x128xf32, #tpu.memory_space<vmem_shared>> -> memref<10112x128xf32, #tpu.memory_space<vmem_shared>>
        tpu.wait_indirect_dma semaphore(%run_scoped3A : memref<!tpu.dma_semaphore, #tpu.memory_space<semaphore_mem>>) src(%arg10 : memref<128x128xf32, #tpu.memory_space<vmem>>) dst(%dma_wait3A_54 : memref<10112x128xf32, #tpu.memory_space<vmem_shared>>)
        tpu.yield
      }) : () -> ()
      %add3A_45 = arith.constant 6528 : i32
      %add3A_46 = arith.addi %mul3A_19, %add3A_45 : i32
      %dma_wait3A_47 = tpu.memref_slice %arg3[%add3A_46] : memref<323712xi32, #tpu.memory_space<hbm>> -> memref<128xi32, #tpu.memory_space<hbm>>
      %dma_wait3A_48 = tpu.memref_slice %arg3[%add3A_46] : memref<323712xi32, #tpu.memory_space<hbm>> -> memref<128xi32, #tpu.memory_space<hbm>>
      tpu.wait_dma2 semaphore(%arg16 : memref<!tpu.dma_semaphore, #tpu.memory_space<semaphore_mem>>) src(%dma_wait3A_48 : memref<128xi32, #tpu.memory_space<hbm>>) dst(%arg9 : memref<128xi32, #tpu.memory_space<vmem>>)
    } else {
    }
    %barrier3A_10 = arith.constant 0 : index
    tpu.barrier barrier_id(%barrier3A_10)
    %mul3A_11 = arith.constant 632 : i32
    %mul3A_12 = arith.muli %arg1, %mul3A_11 : i32
    %mul3A_13 = arith.constant 632 : i32
    %mul3A_14 = arith.muli %arg1, %mul3A_13 : i32
    "tpu.region"() ({
      %run_scoped3A = tpu.sem_alloc : memref<!tpu.dma_semaphore, #tpu.memory_space<semaphore_mem>>
      %dma_start3A = arith.constant 0 : i32
      %dma_start3A_15 = tpu.memref_slice %arg6[%arg0, %mul3A_14, %dma_start3A] : memref<2x10112x128xf32, #tpu.memory_space<hbm>> -> memref<1x632x128xf32, #tpu.memory_space<hbm>>
      %dma_start3A_16 = tpu.memref_squeeze %dma_start3A_15 : memref<1x632x128xf32, #tpu.memory_space<hbm>> -> memref<632x128xf32, #tpu.memory_space<hbm>>
      %dma_start3A_17 = arith.constant 0 : i32
      %dma_start3A_18 = tpu.memref_slice %arg12[%mul3A_12, %dma_start3A_17] : memref<10112x128xf32, #tpu.memory_space<vmem_shared>> -> memref<632x128xf32, #tpu.memory_space<vmem_shared>>
      tpu.enqueue_dma source(%dma_start3A_18 : memref<632x128xf32, #tpu.memory_space<vmem_shared>>) target(%dma_start3A_16 : memref<632x128xf32, #tpu.memory_space<hbm>>) target_semaphore(%run_scoped3A : memref<!tpu.dma_semaphore, #tpu.memory_space<semaphore_mem>>)
      %dma_wait3A = arith.constant 0 : i32
      %dma_wait3A_19 = tpu.memref_slice %arg6[%arg0, %mul3A_14, %dma_wait3A] : memref<2x10112x128xf32, #tpu.memory_space<hbm>> -> memref<1x632x128xf32, #tpu.memory_space<hbm>>
      %dma_wait3A_20 = tpu.memref_squeeze %dma_wait3A_19 : memref<1x632x128xf32, #tpu.memory_space<hbm>> -> memref<632x128xf32, #tpu.memory_space<hbm>>
      %dma_wait3A_21 = arith.constant 0 : i32
      %dma_wait3A_22 = tpu.memref_slice %arg12[%mul3A_12, %dma_wait3A_21] : memref<10112x128xf32, #tpu.memory_space<vmem_shared>> -> memref<632x128xf32, #tpu.memory_space<vmem_shared>>
      tpu.wait_dma2 semaphore(%run_scoped3A : memref<!tpu.dma_semaphore, #tpu.memory_space<semaphore_mem>>) src(%dma_wait3A_22 : memref<632x128xf32, #tpu.memory_space<vmem_shared>>) dst(%dma_wait3A_20 : memref<632x128xf32, #tpu.memory_space<hbm>>)
      tpu.yield
    }) : () -> ()
    return
  }
}

module attributes {stable_mosaic.version = 14 : i64} {
  func.func @_enc_body(%arg0: i32, %arg1: memref<2x1000x128xf32, #tpu.memory_space<vmem>>, %arg2: memref<1000x128xf32, #tpu.memory_space<vmem>>, %arg3: memref<128x128xf32, #tpu.memory_space<vmem>>, %arg4: memref<1x128xf32, #tpu.memory_space<vmem>>, %arg5: memref<128x128xf32, #tpu.memory_space<vmem>>, %arg6: memref<1000x128xf32, #tpu.memory_space<vmem>>, %arg7: memref<1000x1xf32, #tpu.memory_space<vmem>>) attributes {dimension_semantics = [#tpu.dimension_semantics<arbitrary>], iteration_bounds = array<i64: 10>, scalar_prefetch = 0 : i64, scratch_operands = 0 : i64, tpu.core_type = #tpu.core_type<tc>, window_params = [{transform_indices = @transform_0, window_bounds = array<i64: 2, 1000, 128>}, {transform_indices = @transform_1, window_bounds = array<i64: 1000, 128>}, {pipeline_mode = #tpu.pipeline_mode<synchronous>, transform_indices = @transform_2, window_bounds = array<i64: 128, 128>}, {pipeline_mode = #tpu.pipeline_mode<synchronous>, transform_indices = @transform_3, window_bounds = array<i64: 1, 128>}, {pipeline_mode = #tpu.pipeline_mode<synchronous>, transform_indices = @transform_4, window_bounds = array<i64: 128, 128>}, {transform_indices = @transform_5, window_bounds = array<i64: 1000, 128>}, {transform_indices = @transform_6, window_bounds = array<i64: 1000, 1>}]} {
    %get3A = arith.constant 0 : index
    %get3A_0 = arith.constant 0 : index
    %get3A_1 = arith.constant 0 : index
    %get3A_2 = vector.load %arg1[%get3A, %get3A_0, %get3A_1] : memref<2x1000x128xf32, #tpu.memory_space<vmem>>, vector<1x1000x128xf32>
    %get3A_3 = vector.shape_cast %get3A_2 : vector<1x1000x128xf32> to vector<1000x128xf32>
    %slice3A = vector.extract_strided_slice %get3A_3 {offsets = [0, 0], sizes = [1000, 1], strides = [1, 1]} : vector<1000x128xf32> to vector<1000x1xf32>
    %get3A_4 = arith.constant 1 : index
    %get3A_5 = arith.constant 0 : index
    %get3A_6 = arith.constant 0 : index
    %get3A_7 = vector.load %arg1[%get3A_4, %get3A_5, %get3A_6] : memref<2x1000x128xf32, #tpu.memory_space<vmem>>, vector<1x1000x128xf32>
    %get3A_8 = vector.shape_cast %get3A_7 : vector<1x1000x128xf32> to vector<1000x128xf32>
    %slice3A_9 = vector.extract_strided_slice %get3A_8 {offsets = [0, 0], sizes = [1000, 1], strides = [1, 1]} : vector<1000x128xf32> to vector<1000x1xf32>
    %add3A = arith.addf %slice3A, %slice3A_9 : vector<1000x1xf32>
    %add3A_10 = arith.constant 1.000000e+00 : f32
    %add3A_11 = vector.broadcast %add3A_10 : f32 to vector<1000x1xf32>
    %add3A_12 = arith.addf %add3A, %add3A_11 : vector<1000x1xf32>
    %rsqrt3A = math.rsqrt %add3A_12 : vector<1000x1xf32>
    %get3A_13 = arith.constant 0 : index
    %get3A_14 = arith.constant 0 : index
    %get3A_15 = vector.load %arg2[%get3A_13, %get3A_14] : memref<1000x128xf32, #tpu.memory_space<vmem>>, vector<1000x128xf32>
    %get3A_16 = arith.constant 0 : index
    %get3A_17 = arith.constant 0 : index
    %get3A_18 = vector.load %arg3[%get3A_16, %get3A_17] : memref<128x128xf32, #tpu.memory_space<vmem>>, vector<128x128xf32>
    %dot_general3A = arith.constant dense<0.000000e+00> : vector<1000x128xf32>
    %dot_general3A_19 = tpu.matmul %get3A_15, %get3A_18, %dot_general3A {dimension_numbers = #tpu.dot_dimension_numbers<[1], [0], [0], [1], [0, 0, 1, 1], [], []>, transpose_lhs_hint = false} : vector<1000x128xf32>, vector<128x128xf32>, vector<1000x128xf32> -> vector<1000x128xf32>
    %get3A_20 = arith.constant 0 : index
    %get3A_21 = arith.constant 0 : index
    %get3A_22 = vector.load %arg4[%get3A_20, %get3A_21] : memref<1x128xf32, #tpu.memory_space<vmem>>, vector<1x128xf32>
    %add3A_23 = vector.broadcast %get3A_22 : vector<1x128xf32> to vector<1000x128xf32>
    %add3A_24 = arith.addf %dot_general3A_19, %add3A_23 : vector<1000x128xf32>
    %get3A_25 = arith.constant 0 : index
    %get3A_26 = arith.constant 0 : index
    %get3A_27 = vector.load %arg5[%get3A_25, %get3A_26] : memref<128x128xf32, #tpu.memory_space<vmem>>, vector<128x128xf32>
    %dot_general3A_28 = arith.constant dense<0.000000e+00> : vector<1000x128xf32>
    %dot_general3A_29 = tpu.matmul %add3A_24, %get3A_27, %dot_general3A_28 {dimension_numbers = #tpu.dot_dimension_numbers<[1], [0], [0], [1], [0, 0, 1, 1], [], []>, transpose_lhs_hint = false} : vector<1000x128xf32>, vector<128x128xf32>, vector<1000x128xf32> -> vector<1000x128xf32>
    %mul3A = vector.broadcast %rsqrt3A : vector<1000x1xf32> to vector<1000x128xf32>
    %mul3A_30 = arith.mulf %dot_general3A_29, %mul3A : vector<1000x128xf32>
    %swap3A = arith.constant 0 : index
    %swap3A_31 = arith.constant 0 : index
    %swap3A_32 = vector.load %arg6[%swap3A, %swap3A_31] : memref<1000x128xf32, #tpu.memory_space<vmem>>, vector<1000x128xf32>
    tpu.vector_store %arg6[%swap3A, %swap3A_31], %mul3A_30 {strides = array<i32>} : memref<1000x128xf32, #tpu.memory_space<vmem>>, vector<1000x128xf32>,
    %swap3A_33 = arith.constant 0 : index
    %swap3A_34 = arith.constant 0 : index
    %swap3A_35 = vector.load %arg7[%swap3A_33, %swap3A_34] : memref<1000x1xf32, #tpu.memory_space<vmem>>, vector<1000x1xf32>
    tpu.vector_store %arg7[%swap3A_33, %swap3A_34], %rsqrt3A {strides = array<i32>} : memref<1000x1xf32, #tpu.memory_space<vmem>>, vector<1000x1xf32>,
    return
  }
  func.func @transform_0(%arg0: i32) -> (i32, i32, i32) {
    %c0_i32 = arith.constant 0 : i32
    %c0_i32_0 = arith.constant 0 : i32
    %c0_i32_1 = arith.constant 0 : i32
    return %c0_i32, %arg0, %c0_i32_0 : i32, i32, i32
  }
  func.func @transform_1(%arg0: i32) -> (i32, i32) {
    %c0_i32 = arith.constant 0 : i32
    %c0_i32_0 = arith.constant 0 : i32
    return %arg0, %c0_i32 : i32, i32
  }
  func.func @transform_2(%arg0: i32) -> (i32, i32) {
    %c0_i32 = arith.constant 0 : i32
    %c0_i32_0 = arith.constant 0 : i32
    %c0_i32_1 = arith.constant 0 : i32
    return %c0_i32, %c0_i32_0 : i32, i32
  }
  func.func @transform_3(%arg0: i32) -> (i32, i32) {
    %c0_i32 = arith.constant 0 : i32
    %c0_i32_0 = arith.constant 0 : i32
    %c0_i32_1 = arith.constant 0 : i32
    return %c0_i32, %c0_i32_0 : i32, i32
  }
  func.func @transform_4(%arg0: i32) -> (i32, i32) {
    %c0_i32 = arith.constant 0 : i32
    %c0_i32_0 = arith.constant 0 : i32
    %c0_i32_1 = arith.constant 0 : i32
    return %c0_i32, %c0_i32_0 : i32, i32
  }
  func.func @transform_5(%arg0: i32) -> (i32, i32) {
    %c0_i32 = arith.constant 0 : i32
    %c0_i32_0 = arith.constant 0 : i32
    return %arg0, %c0_i32 : i32, i32
  }
  func.func @transform_6(%arg0: i32) -> (i32, i32) {
    %c0_i32 = arith.constant 0 : i32
    %c0_i32_0 = arith.constant 0 : i32
    return %arg0, %c0_i32 : i32, i32
  }
}

module attributes {stable_mosaic.version = 14 : i64} {
  func.func @_layer_body(%arg0: i32, %arg1: memref<2x1000x128xf32, #tpu.memory_space<vmem>>, %arg2: memref<1000x128xf32, #tpu.memory_space<vmem>>, %arg3: memref<1000x1xf32, #tpu.memory_space<vmem>>, %arg4: memref<1000x128xf32, #tpu.memory_space<vmem>>, %arg5: memref<1x128xf32, #tpu.memory_space<vmem>>, %arg6: memref<1x128xf32, #tpu.memory_space<vmem>>, %arg7: memref<1x128xf32, #tpu.memory_space<vmem>>, %arg8: memref<128x128xf32, #tpu.memory_space<vmem>>, %arg9: memref<1000x128xf32, #tpu.memory_space<vmem>>, %arg10: memref<1000x128xf32, #tpu.memory_space<vmem>>) attributes {dimension_semantics = [#tpu.dimension_semantics<arbitrary>], iteration_bounds = array<i64: 10>, scalar_prefetch = 0 : i64, scratch_operands = 0 : i64, tpu.core_type = #tpu.core_type<tc>, window_params = [{transform_indices = @transform_0, window_bounds = array<i64: 2, 1000, 128>}, {transform_indices = @transform_1, window_bounds = array<i64: 1000, 128>}, {transform_indices = @transform_2, window_bounds = array<i64: 1000, 1>}, {transform_indices = @transform_3, window_bounds = array<i64: 1000, 128>}, {pipeline_mode = #tpu.pipeline_mode<synchronous>, transform_indices = @transform_4, window_bounds = array<i64: 1, 128>}, {pipeline_mode = #tpu.pipeline_mode<synchronous>, transform_indices = @transform_5, window_bounds = array<i64: 1, 128>}, {pipeline_mode = #tpu.pipeline_mode<synchronous>, transform_indices = @transform_6, window_bounds = array<i64: 1, 128>}, {pipeline_mode = #tpu.pipeline_mode<synchronous>, transform_indices = @transform_7, window_bounds = array<i64: 128, 128>}, {transform_indices = @transform_8, window_bounds = array<i64: 1000, 128>}, {transform_indices = @transform_9, window_bounds = array<i64: 1000, 128>}]} {
    %get3A = arith.constant 0 : index
    %get3A_0 = arith.constant 0 : index
    %get3A_1 = vector.load %arg3[%get3A, %get3A_0] : memref<1000x1xf32, #tpu.memory_space<vmem>>, vector<1000x1xf32>
    %get3A_2 = arith.constant 0 : index
    %get3A_3 = arith.constant 0 : index
    %get3A_4 = arith.constant 0 : index
    %get3A_5 = vector.load %arg1[%get3A_2, %get3A_3, %get3A_4] : memref<2x1000x128xf32, #tpu.memory_space<vmem>>, vector<1x1000x128xf32>
    %get3A_6 = vector.shape_cast %get3A_5 : vector<1x1000x128xf32> to vector<1000x128xf32>
    %get3A_7 = arith.constant 1 : index
    %get3A_8 = arith.constant 0 : index
    %get3A_9 = arith.constant 0 : index
    %get3A_10 = vector.load %arg1[%get3A_7, %get3A_8, %get3A_9] : memref<2x1000x128xf32, #tpu.memory_space<vmem>>, vector<1x1000x128xf32>
    %get3A_11 = vector.shape_cast %get3A_10 : vector<1x1000x128xf32> to vector<1000x128xf32>
    %add3A = arith.addf %get3A_6, %get3A_11 : vector<1000x128xf32>
    %get3A_12 = arith.constant 0 : index
    %get3A_13 = arith.constant 0 : index
    %get3A_14 = vector.load %arg2[%get3A_12, %get3A_13] : memref<1000x128xf32, #tpu.memory_space<vmem>>, vector<1000x128xf32>
    %add3A_15 = arith.addf %add3A, %get3A_14 : vector<1000x128xf32>
    %mul3A = vector.broadcast %get3A_1 : vector<1000x1xf32> to vector<1000x128xf32>
    %mul3A_16 = arith.mulf %add3A_15, %mul3A : vector<1000x128xf32>
    %get3A_17 = arith.constant 0 : index
    %get3A_18 = arith.constant 0 : index
    %get3A_19 = vector.load %arg5[%get3A_17, %get3A_18] : memref<1x128xf32, #tpu.memory_space<vmem>>, vector<1x128xf32>
    %add3A_20 = vector.broadcast %get3A_19 : vector<1x128xf32> to vector<1000x128xf32>
    %add3A_21 = arith.addf %mul3A_16, %add3A_20 : vector<1000x128xf32>
    %mul3A_22 = arith.constant 0.999994993 : f32
    %mul3A_23 = vector.broadcast %mul3A_22 : f32 to vector<1000x128xf32>
    %mul3A_24 = arith.mulf %add3A_21, %mul3A_23 : vector<1000x128xf32>
    %get3A_25 = arith.constant 0 : index
    %get3A_26 = arith.constant 0 : index
    %get3A_27 = vector.load %arg6[%get3A_25, %get3A_26] : memref<1x128xf32, #tpu.memory_space<vmem>>, vector<1x128xf32>
    %mul3A_28 = vector.broadcast %get3A_27 : vector<1x128xf32> to vector<1000x128xf32>
    %mul3A_29 = arith.mulf %mul3A_24, %mul3A_28 : vector<1000x128xf32>
    %get3A_30 = arith.constant 0 : index
    %get3A_31 = arith.constant 0 : index
    %get3A_32 = vector.load %arg7[%get3A_30, %get3A_31] : memref<1x128xf32, #tpu.memory_space<vmem>>, vector<1x128xf32>
    %add3A_33 = vector.broadcast %get3A_32 : vector<1x128xf32> to vector<1000x128xf32>
    %add3A_34 = arith.addf %mul3A_29, %add3A_33 : vector<1000x128xf32>
    %max3A = arith.constant 0.000000e+00 : f32
    %max3A_35 = vector.broadcast %max3A : f32 to vector<1000x128xf32>
    %max3A_36 = arith.maximumf %add3A_34, %max3A_35 : vector<1000x128xf32>
    %swap3A = arith.constant 0 : index
    %swap3A_37 = arith.constant 0 : index
    %swap3A_38 = vector.load %arg9[%swap3A, %swap3A_37] : memref<1000x128xf32, #tpu.memory_space<vmem>>, vector<1000x128xf32>
    tpu.vector_store %arg9[%swap3A, %swap3A_37], %max3A_36 {strides = array<i32>} : memref<1000x128xf32, #tpu.memory_space<vmem>>, vector<1000x128xf32>,
    %get3A_39 = arith.constant 0 : index
    %get3A_40 = arith.constant 0 : index
    %get3A_41 = vector.load %arg8[%get3A_39, %get3A_40] : memref<128x128xf32, #tpu.memory_space<vmem>>, vector<128x128xf32>
    %dot_general3A = arith.constant dense<0.000000e+00> : vector<1000x128xf32>
    %dot_general3A_42 = tpu.matmul %max3A_36, %get3A_41, %dot_general3A {dimension_numbers = #tpu.dot_dimension_numbers<[1], [0], [0], [1], [0, 0, 1, 1], [], []>, transpose_lhs_hint = false} : vector<1000x128xf32>, vector<128x128xf32>, vector<1000x128xf32> -> vector<1000x128xf32>
    %mul3A_43 = vector.broadcast %get3A_1 : vector<1000x1xf32> to vector<1000x128xf32>
    %mul3A_44 = arith.mulf %dot_general3A_42, %mul3A_43 : vector<1000x128xf32>
    %swap3A_45 = arith.constant 0 : index
    %swap3A_46 = arith.constant 0 : index
    %swap3A_47 = vector.load %arg10[%swap3A_45, %swap3A_46] : memref<1000x128xf32, #tpu.memory_space<vmem>>, vector<1000x128xf32>
    tpu.vector_store %arg10[%swap3A_45, %swap3A_46], %mul3A_44 {strides = array<i32>} : memref<1000x128xf32, #tpu.memory_space<vmem>>, vector<1000x128xf32>,
    return
  }
  func.func @transform_0(%arg0: i32) -> (i32, i32, i32) {
    %c0_i32 = arith.constant 0 : i32
    %c0_i32_0 = arith.constant 0 : i32
    %c0_i32_1 = arith.constant 0 : i32
    return %c0_i32, %arg0, %c0_i32_0 : i32, i32, i32
  }
  func.func @transform_1(%arg0: i32) -> (i32, i32) {
    %c0_i32 = arith.constant 0 : i32
    %c0_i32_0 = arith.constant 0 : i32
    return %arg0, %c0_i32 : i32, i32
  }
  func.func @transform_2(%arg0: i32) -> (i32, i32) {
    %c0_i32 = arith.constant 0 : i32
    %c0_i32_0 = arith.constant 0 : i32
    return %arg0, %c0_i32 : i32, i32
  }
  func.func @transform_3(%arg0: i32) -> (i32, i32) {
    %c0_i32 = arith.constant 0 : i32
    %c0_i32_0 = arith.constant 0 : i32
    return %arg0, %c0_i32 : i32, i32
  }
  func.func @transform_4(%arg0: i32) -> (i32, i32) {
    %c0_i32 = arith.constant 0 : i32
    %c0_i32_0 = arith.constant 0 : i32
    %c0_i32_1 = arith.constant 0 : i32
    return %c0_i32, %c0_i32_0 : i32, i32
  }
  func.func @transform_5(%arg0: i32) -> (i32, i32) {
    %c0_i32 = arith.constant 0 : i32
    %c0_i32_0 = arith.constant 0 : i32
    %c0_i32_1 = arith.constant 0 : i32
    return %c0_i32, %c0_i32_0 : i32, i32
  }
  func.func @transform_6(%arg0: i32) -> (i32, i32) {
    %c0_i32 = arith.constant 0 : i32
    %c0_i32_0 = arith.constant 0 : i32
    %c0_i32_1 = arith.constant 0 : i32
    return %c0_i32, %c0_i32_0 : i32, i32
  }
  func.func @transform_7(%arg0: i32) -> (i32, i32) {
    %c0_i32 = arith.constant 0 : i32
    %c0_i32_0 = arith.constant 0 : i32
    %c0_i32_1 = arith.constant 0 : i32
    return %c0_i32, %c0_i32_0 : i32, i32
  }
  func.func @transform_8(%arg0: i32) -> (i32, i32) {
    %c0_i32 = arith.constant 0 : i32
    %c0_i32_0 = arith.constant 0 : i32
    return %arg0, %c0_i32 : i32, i32
  }
  func.func @transform_9(%arg0: i32) -> (i32, i32) {
    %c0_i32 = arith.constant 0 : i32
    %c0_i32_0 = arith.constant 0 : i32
    return %arg0, %c0_i32 : i32, i32
  }
}

module attributes {stable_mosaic.version = 14 : i64} {
  func.func @_layer_body(%arg0: i32, %arg1: memref<2x1000x128xf32, #tpu.memory_space<vmem>>, %arg2: memref<1000x128xf32, #tpu.memory_space<vmem>>, %arg3: memref<1000x1xf32, #tpu.memory_space<vmem>>, %arg4: memref<1000x128xf32, #tpu.memory_space<vmem>>, %arg5: memref<1x128xf32, #tpu.memory_space<vmem>>, %arg6: memref<1x128xf32, #tpu.memory_space<vmem>>, %arg7: memref<1x128xf32, #tpu.memory_space<vmem>>, %arg8: memref<128x128xf32, #tpu.memory_space<vmem>>, %arg9: memref<1000x128xf32, #tpu.memory_space<vmem>>, %arg10: memref<1000x128xf32, #tpu.memory_space<vmem>>) attributes {dimension_semantics = [#tpu.dimension_semantics<arbitrary>], iteration_bounds = array<i64: 10>, scalar_prefetch = 0 : i64, scratch_operands = 0 : i64, tpu.core_type = #tpu.core_type<tc>, window_params = [{transform_indices = @transform_0, window_bounds = array<i64: 2, 1000, 128>}, {transform_indices = @transform_1, window_bounds = array<i64: 1000, 128>}, {transform_indices = @transform_2, window_bounds = array<i64: 1000, 1>}, {transform_indices = @transform_3, window_bounds = array<i64: 1000, 128>}, {pipeline_mode = #tpu.pipeline_mode<synchronous>, transform_indices = @transform_4, window_bounds = array<i64: 1, 128>}, {pipeline_mode = #tpu.pipeline_mode<synchronous>, transform_indices = @transform_5, window_bounds = array<i64: 1, 128>}, {pipeline_mode = #tpu.pipeline_mode<synchronous>, transform_indices = @transform_6, window_bounds = array<i64: 1, 128>}, {pipeline_mode = #tpu.pipeline_mode<synchronous>, transform_indices = @transform_7, window_bounds = array<i64: 128, 128>}, {transform_indices = @transform_8, window_bounds = array<i64: 1000, 128>}, {transform_indices = @transform_9, window_bounds = array<i64: 1000, 128>}]} {
    %get3A = arith.constant 0 : index
    %get3A_0 = arith.constant 0 : index
    %get3A_1 = vector.load %arg3[%get3A, %get3A_0] : memref<1000x1xf32, #tpu.memory_space<vmem>>, vector<1000x1xf32>
    %get3A_2 = arith.constant 0 : index
    %get3A_3 = arith.constant 0 : index
    %get3A_4 = arith.constant 0 : index
    %get3A_5 = vector.load %arg1[%get3A_2, %get3A_3, %get3A_4] : memref<2x1000x128xf32, #tpu.memory_space<vmem>>, vector<1x1000x128xf32>
    %get3A_6 = vector.shape_cast %get3A_5 : vector<1x1000x128xf32> to vector<1000x128xf32>
    %get3A_7 = arith.constant 1 : index
    %get3A_8 = arith.constant 0 : index
    %get3A_9 = arith.constant 0 : index
    %get3A_10 = vector.load %arg1[%get3A_7, %get3A_8, %get3A_9] : memref<2x1000x128xf32, #tpu.memory_space<vmem>>, vector<1x1000x128xf32>
    %get3A_11 = vector.shape_cast %get3A_10 : vector<1x1000x128xf32> to vector<1000x128xf32>
    %add3A = arith.addf %get3A_6, %get3A_11 : vector<1000x128xf32>
    %get3A_12 = arith.constant 0 : index
    %get3A_13 = arith.constant 0 : index
    %get3A_14 = vector.load %arg2[%get3A_12, %get3A_13] : memref<1000x128xf32, #tpu.memory_space<vmem>>, vector<1000x128xf32>
    %add3A_15 = arith.addf %add3A, %get3A_14 : vector<1000x128xf32>
    %mul3A = vector.broadcast %get3A_1 : vector<1000x1xf32> to vector<1000x128xf32>
    %mul3A_16 = arith.mulf %add3A_15, %mul3A : vector<1000x128xf32>
    %get3A_17 = arith.constant 0 : index
    %get3A_18 = arith.constant 0 : index
    %get3A_19 = vector.load %arg5[%get3A_17, %get3A_18] : memref<1x128xf32, #tpu.memory_space<vmem>>, vector<1x128xf32>
    %add3A_20 = vector.broadcast %get3A_19 : vector<1x128xf32> to vector<1000x128xf32>
    %add3A_21 = arith.addf %mul3A_16, %add3A_20 : vector<1000x128xf32>
    %mul3A_22 = arith.constant 0.999994993 : f32
    %mul3A_23 = vector.broadcast %mul3A_22 : f32 to vector<1000x128xf32>
    %mul3A_24 = arith.mulf %add3A_21, %mul3A_23 : vector<1000x128xf32>
    %get3A_25 = arith.constant 0 : index
    %get3A_26 = arith.constant 0 : index
    %get3A_27 = vector.load %arg6[%get3A_25, %get3A_26] : memref<1x128xf32, #tpu.memory_space<vmem>>, vector<1x128xf32>
    %mul3A_28 = vector.broadcast %get3A_27 : vector<1x128xf32> to vector<1000x128xf32>
    %mul3A_29 = arith.mulf %mul3A_24, %mul3A_28 : vector<1000x128xf32>
    %get3A_30 = arith.constant 0 : index
    %get3A_31 = arith.constant 0 : index
    %get3A_32 = vector.load %arg7[%get3A_30, %get3A_31] : memref<1x128xf32, #tpu.memory_space<vmem>>, vector<1x128xf32>
    %add3A_33 = vector.broadcast %get3A_32 : vector<1x128xf32> to vector<1000x128xf32>
    %add3A_34 = arith.addf %mul3A_29, %add3A_33 : vector<1000x128xf32>
    %max3A = arith.constant 0.000000e+00 : f32
    %max3A_35 = vector.broadcast %max3A : f32 to vector<1000x128xf32>
    %max3A_36 = arith.maximumf %add3A_34, %max3A_35 : vector<1000x128xf32>
    %get3A_37 = arith.constant 0 : index
    %get3A_38 = arith.constant 0 : index
    %get3A_39 = vector.load %arg4[%get3A_37, %get3A_38] : memref<1000x128xf32, #tpu.memory_space<vmem>>, vector<1000x128xf32>
    %add3A_40 = arith.addf %max3A_36, %get3A_39 : vector<1000x128xf32>
    %swap3A = arith.constant 0 : index
    %swap3A_41 = arith.constant 0 : index
    %swap3A_42 = vector.load %arg9[%swap3A, %swap3A_41] : memref<1000x128xf32, #tpu.memory_space<vmem>>, vector<1000x128xf32>
    tpu.vector_store %arg9[%swap3A, %swap3A_41], %add3A_40 {strides = array<i32>} : memref<1000x128xf32, #tpu.memory_space<vmem>>, vector<1000x128xf32>,
    %get3A_43 = arith.constant 0 : index
    %get3A_44 = arith.constant 0 : index
    %get3A_45 = vector.load %arg8[%get3A_43, %get3A_44] : memref<128x128xf32, #tpu.memory_space<vmem>>, vector<128x128xf32>
    %dot_general3A = arith.constant dense<0.000000e+00> : vector<1000x128xf32>
    %dot_general3A_46 = tpu.matmul %add3A_40, %get3A_45, %dot_general3A {dimension_numbers = #tpu.dot_dimension_numbers<[1], [0], [0], [1], [0, 0, 1, 1], [], []>, transpose_lhs_hint = false} : vector<1000x128xf32>, vector<128x128xf32>, vector<1000x128xf32> -> vector<1000x128xf32>
    %mul3A_47 = vector.broadcast %get3A_1 : vector<1000x1xf32> to vector<1000x128xf32>
    %mul3A_48 = arith.mulf %dot_general3A_46, %mul3A_47 : vector<1000x128xf32>
    %swap3A_49 = arith.constant 0 : index
    %swap3A_50 = arith.constant 0 : index
    %swap3A_51 = vector.load %arg10[%swap3A_49, %swap3A_50] : memref<1000x128xf32, #tpu.memory_space<vmem>>, vector<1000x128xf32>
    tpu.vector_store %arg10[%swap3A_49, %swap3A_50], %mul3A_48 {strides = array<i32>} : memref<1000x128xf32, #tpu.memory_space<vmem>>, vector<1000x128xf32>,
    return
  }
  func.func @transform_0(%arg0: i32) -> (i32, i32, i32) {
    %c0_i32 = arith.constant 0 : i32
    %c0_i32_0 = arith.constant 0 : i32
    %c0_i32_1 = arith.constant 0 : i32
    return %c0_i32, %arg0, %c0_i32_0 : i32, i32, i32
  }
  func.func @transform_1(%arg0: i32) -> (i32, i32) {
    %c0_i32 = arith.constant 0 : i32
    %c0_i32_0 = arith.constant 0 : i32
    return %arg0, %c0_i32 : i32, i32
  }
  func.func @transform_2(%arg0: i32) -> (i32, i32) {
    %c0_i32 = arith.constant 0 : i32
    %c0_i32_0 = arith.constant 0 : i32
    return %arg0, %c0_i32 : i32, i32
  }
  func.func @transform_3(%arg0: i32) -> (i32, i32) {
    %c0_i32 = arith.constant 0 : i32
    %c0_i32_0 = arith.constant 0 : i32
    return %arg0, %c0_i32 : i32, i32
  }
  func.func @transform_4(%arg0: i32) -> (i32, i32) {
    %c0_i32 = arith.constant 0 : i32
    %c0_i32_0 = arith.constant 0 : i32
    %c0_i32_1 = arith.constant 0 : i32
    return %c0_i32, %c0_i32_0 : i32, i32
  }
  func.func @transform_5(%arg0: i32) -> (i32, i32) {
    %c0_i32 = arith.constant 0 : i32
    %c0_i32_0 = arith.constant 0 : i32
    %c0_i32_1 = arith.constant 0 : i32
    return %c0_i32, %c0_i32_0 : i32, i32
  }
  func.func @transform_6(%arg0: i32) -> (i32, i32) {
    %c0_i32 = arith.constant 0 : i32
    %c0_i32_0 = arith.constant 0 : i32
    %c0_i32_1 = arith.constant 0 : i32
    return %c0_i32, %c0_i32_0 : i32, i32
  }
  func.func @transform_7(%arg0: i32) -> (i32, i32) {
    %c0_i32 = arith.constant 0 : i32
    %c0_i32_0 = arith.constant 0 : i32
    %c0_i32_1 = arith.constant 0 : i32
    return %c0_i32, %c0_i32_0 : i32, i32
  }
  func.func @transform_8(%arg0: i32) -> (i32, i32) {
    %c0_i32 = arith.constant 0 : i32
    %c0_i32_0 = arith.constant 0 : i32
    return %arg0, %c0_i32 : i32, i32
  }
  func.func @transform_9(%arg0: i32) -> (i32, i32) {
    %c0_i32 = arith.constant 0 : i32
    %c0_i32_0 = arith.constant 0 : i32
    return %arg0, %c0_i32 : i32, i32
  }
}

module attributes {stable_mosaic.version = 14 : i64} {
  func.func @_final_body(%arg0: i32, %arg1: memref<2x1000x128xf32, #tpu.memory_space<vmem>>, %arg2: memref<1000x128xf32, #tpu.memory_space<vmem>>, %arg3: memref<1000x1xf32, #tpu.memory_space<vmem>>, %arg4: memref<1000x128xf32, #tpu.memory_space<vmem>>, %arg5: memref<1x128xf32, #tpu.memory_space<vmem>>, %arg6: memref<1x128xf32, #tpu.memory_space<vmem>>, %arg7: memref<1x128xf32, #tpu.memory_space<vmem>>, %arg8: memref<1000x1xi32, #tpu.memory_space<vmem>>, %arg9: memref<64x128xf32, #tpu.memory_space<vmem>>, %arg10: memref<64x1xf32, #tpu.memory_space<vmem>>) attributes {dimension_semantics = [#tpu.dimension_semantics<arbitrary>], iteration_bounds = array<i64: 10>, scalar_prefetch = 0 : i64, scratch_operands = 0 : i64, tpu.core_type = #tpu.core_type<tc>, window_params = [{transform_indices = @transform_0, window_bounds = array<i64: 2, 1000, 128>}, {transform_indices = @transform_1, window_bounds = array<i64: 1000, 128>}, {transform_indices = @transform_2, window_bounds = array<i64: 1000, 1>}, {transform_indices = @transform_3, window_bounds = array<i64: 1000, 128>}, {pipeline_mode = #tpu.pipeline_mode<synchronous>, transform_indices = @transform_4, window_bounds = array<i64: 1, 128>}, {pipeline_mode = #tpu.pipeline_mode<synchronous>, transform_indices = @transform_5, window_bounds = array<i64: 1, 128>}, {pipeline_mode = #tpu.pipeline_mode<synchronous>, transform_indices = @transform_6, window_bounds = array<i64: 1, 128>}, {transform_indices = @transform_7, window_bounds = array<i64: 1000, 1>}, {pipeline_mode = #tpu.pipeline_mode<synchronous>, transform_indices = @transform_8, window_bounds = array<i64: 64, 128>}, {pipeline_mode = #tpu.pipeline_mode<synchronous>, transform_indices = @transform_9, window_bounds = array<i64: 64, 1>}]} {
    %get3A = arith.constant 0 : index
    %get3A_0 = arith.constant 0 : index
    %get3A_1 = arith.constant 0 : index
    %get3A_2 = vector.load %arg1[%get3A, %get3A_0, %get3A_1] : memref<2x1000x128xf32, #tpu.memory_space<vmem>>, vector<1x1000x128xf32>
    %get3A_3 = vector.shape_cast %get3A_2 : vector<1x1000x128xf32> to vector<1000x128xf32>
    %get3A_4 = arith.constant 1 : index
    %get3A_5 = arith.constant 0 : index
    %get3A_6 = arith.constant 0 : index
    %get3A_7 = vector.load %arg1[%get3A_4, %get3A_5, %get3A_6] : memref<2x1000x128xf32, #tpu.memory_space<vmem>>, vector<1x1000x128xf32>
    %get3A_8 = vector.shape_cast %get3A_7 : vector<1x1000x128xf32> to vector<1000x128xf32>
    %add3A = arith.addf %get3A_3, %get3A_8 : vector<1000x128xf32>
    %get3A_9 = arith.constant 0 : index
    %get3A_10 = arith.constant 0 : index
    %get3A_11 = vector.load %arg2[%get3A_9, %get3A_10] : memref<1000x128xf32, #tpu.memory_space<vmem>>, vector<1000x128xf32>
    %add3A_12 = arith.addf %add3A, %get3A_11 : vector<1000x128xf32>
    %get3A_13 = arith.constant 0 : index
    %get3A_14 = arith.constant 0 : index
    %get3A_15 = vector.load %arg3[%get3A_13, %get3A_14] : memref<1000x1xf32, #tpu.memory_space<vmem>>, vector<1000x1xf32>
    %mul3A = vector.broadcast %get3A_15 : vector<1000x1xf32> to vector<1000x128xf32>
    %mul3A_16 = arith.mulf %add3A_12, %mul3A : vector<1000x128xf32>
    %get3A_17 = arith.constant 0 : index
    %get3A_18 = arith.constant 0 : index
    %get3A_19 = vector.load %arg5[%get3A_17, %get3A_18] : memref<1x128xf32, #tpu.memory_space<vmem>>, vector<1x128xf32>
    %add3A_20 = vector.broadcast %get3A_19 : vector<1x128xf32> to vector<1000x128xf32>
    %add3A_21 = arith.addf %mul3A_16, %add3A_20 : vector<1000x128xf32>
    %mul3A_22 = arith.constant 0.999994993 : f32
    %mul3A_23 = vector.broadcast %mul3A_22 : f32 to vector<1000x128xf32>
    %mul3A_24 = arith.mulf %add3A_21, %mul3A_23 : vector<1000x128xf32>
    %get3A_25 = arith.constant 0 : index
    %get3A_26 = arith.constant 0 : index
    %get3A_27 = vector.load %arg6[%get3A_25, %get3A_26] : memref<1x128xf32, #tpu.memory_space<vmem>>, vector<1x128xf32>
    %mul3A_28 = vector.broadcast %get3A_27 : vector<1x128xf32> to vector<1000x128xf32>
    %mul3A_29 = arith.mulf %mul3A_24, %mul3A_28 : vector<1000x128xf32>
    %get3A_30 = arith.constant 0 : index
    %get3A_31 = arith.constant 0 : index
    %get3A_32 = vector.load %arg7[%get3A_30, %get3A_31] : memref<1x128xf32, #tpu.memory_space<vmem>>, vector<1x128xf32>
    %add3A_33 = vector.broadcast %get3A_32 : vector<1x128xf32> to vector<1000x128xf32>
    %add3A_34 = arith.addf %mul3A_29, %add3A_33 : vector<1000x128xf32>
    %max3A = arith.constant 0.000000e+00 : f32
    %max3A_35 = vector.broadcast %max3A : f32 to vector<1000x128xf32>
    %max3A_36 = arith.maximumf %add3A_34, %max3A_35 : vector<1000x128xf32>
    %get3A_37 = arith.constant 0 : index
    %get3A_38 = arith.constant 0 : index
    %get3A_39 = vector.load %arg4[%get3A_37, %get3A_38] : memref<1000x128xf32, #tpu.memory_space<vmem>>, vector<1000x128xf32>
    %add3A_40 = arith.addf %max3A_36, %get3A_39 : vector<1000x128xf32>
    %get3A_41 = arith.constant 0 : index
    %get3A_42 = arith.constant 0 : index
    %get3A_43 = vector.load %arg8[%get3A_41, %get3A_42] : memref<1000x1xi32, #tpu.memory_space<vmem>>, vector<1000x1xi32>
    %iota3A = tpu.iota {dimensions = array<i32: 1>} : vector<1x64xi32>
    %eq3A = vector.broadcast %get3A_43 : vector<1000x1xi32> to vector<1000x64xi32>
    %eq3A_44 = vector.broadcast %iota3A : vector<1x64xi32> to vector<1000x64xi32>
    %eq3A_45 = arith.cmpi eq, %eq3A, %eq3A_44 : vector<1000x64xi32>
    %convert_element_type3A = arith.extui %eq3A_45 : vector<1000x64xi1> to vector<1000x64xi32>
    %convert_element_type3A_46 = arith.sitofp %convert_element_type3A : vector<1000x64xi32> to vector<1000x64xf32>
    %dot_general3A = arith.constant dense<0.000000e+00> : vector<64x128xf32>
    %dot_general3A_47 = tpu.matmul %convert_element_type3A_46, %add3A_40, %dot_general3A {dimension_numbers = #tpu.dot_dimension_numbers<[0], [0], [1], [1], [0, 1, 1, 1], [], []>, precision = #tpu.contract_precision<fp32>, transpose_lhs_hint = false} : vector<1000x64xf32>, vector<1000x128xf32>, vector<64x128xf32> -> vector<64x128xf32>
    %broadcast_in_dim3A = arith.constant 1.000000e+00 : f32
    %broadcast_in_dim3A_48 = vector.broadcast %broadcast_in_dim3A : f32 to vector<1000x1xf32>
    %dot_general3A_49 = arith.constant dense<0.000000e+00> : vector<64x1xf32>
    %dot_general3A_50 = tpu.matmul %convert_element_type3A_46, %broadcast_in_dim3A_48, %dot_general3A_49 {dimension_numbers = #tpu.dot_dimension_numbers<[0], [0], [1], [1], [0, 1, 1, 1], [], []>, precision = #tpu.contract_precision<fp32>, transpose_lhs_hint = false} : vector<1000x64xf32>, vector<1000x1xf32>, vector<64x1xf32> -> vector<64x1xf32>
    %eq3A_51 = arith.constant 0 : i32
    %eq3A_52 = arith.cmpi eq, %arg0, %eq3A_51 : i32
    %convert_element_type3A_53 = arith.extui %eq3A_52 : i1 to i32
    %cond3A = arith.constant 0 : i32
    %cond3A_54 = arith.cmpi ne, %convert_element_type3A_53, %cond3A : i32
    scf.if %cond3A_54 {
      %swap3A = arith.constant 0 : index
      %swap3A_59 = arith.constant 0 : index
      %swap3A_60 = vector.load %arg9[%swap3A, %swap3A_59] : memref<64x128xf32, #tpu.memory_space<vmem>>, vector<64x128xf32>
      tpu.vector_store %arg9[%swap3A, %swap3A_59], %dot_general3A_47 {strides = array<i32>} : memref<64x128xf32, #tpu.memory_space<vmem>>, vector<64x128xf32>,
      %swap3A_61 = arith.constant 0 : index
      %swap3A_62 = arith.constant 0 : index
      %swap3A_63 = vector.load %arg10[%swap3A_61, %swap3A_62] : memref<64x1xf32, #tpu.memory_space<vmem>>, vector<64x1xf32>
      tpu.vector_store %arg10[%swap3A_61, %swap3A_62], %dot_general3A_50 {strides = array<i32>} : memref<64x1xf32, #tpu.memory_space<vmem>>, vector<64x1xf32>,
    } else {
    }
    %gt3A = arith.constant 0 : i32
    %gt3A_55 = arith.cmpi sgt, %arg0, %gt3A : i32
    %convert_element_type3A_56 = arith.extui %gt3A_55 : i1 to i32
    %cond3A_57 = arith.constant 0 : i32
    %cond3A_58 = arith.cmpi ne, %convert_element_type3A_56, %cond3A_57 : i32
    scf.if %cond3A_58 {
      %get3A_59 = arith.constant 0 : index
      %get3A_60 = arith.constant 0 : index
      %get3A_61 = vector.load %arg9[%get3A_59, %get3A_60] : memref<64x128xf32, #tpu.memory_space<vmem>>, vector<64x128xf32>
      %add3A_62 = arith.addf %get3A_61, %dot_general3A_47 : vector<64x128xf32>
      %swap3A = arith.constant 0 : index
      %swap3A_63 = arith.constant 0 : index
      %swap3A_64 = vector.load %arg9[%swap3A, %swap3A_63] : memref<64x128xf32, #tpu.memory_space<vmem>>, vector<64x128xf32>
      tpu.vector_store %arg9[%swap3A, %swap3A_63], %add3A_62 {strides = array<i32>} : memref<64x128xf32, #tpu.memory_space<vmem>>, vector<64x128xf32>,
      %get3A_65 = arith.constant 0 : index
      %get3A_66 = arith.constant 0 : index
      %get3A_67 = vector.load %arg10[%get3A_65, %get3A_66] : memref<64x1xf32, #tpu.memory_space<vmem>>, vector<64x1xf32>
      %add3A_68 = arith.addf %get3A_67, %dot_general3A_50 : vector<64x1xf32>
      %swap3A_69 = arith.constant 0 : index
      %swap3A_70 = arith.constant 0 : index
      %swap3A_71 = vector.load %arg10[%swap3A_69, %swap3A_70] : memref<64x1xf32, #tpu.memory_space<vmem>>, vector<64x1xf32>
      tpu.vector_store %arg10[%swap3A_69, %swap3A_70], %add3A_68 {strides = array<i32>} : memref<64x1xf32, #tpu.memory_space<vmem>>, vector<64x1xf32>,
    } else {
    }
    return
  }
  func.func @transform_0(%arg0: i32) -> (i32, i32, i32) {
    %c0_i32 = arith.constant 0 : i32
    %c0_i32_0 = arith.constant 0 : i32
    %c0_i32_1 = arith.constant 0 : i32
    return %c0_i32, %arg0, %c0_i32_0 : i32, i32, i32
  }
  func.func @transform_1(%arg0: i32) -> (i32, i32) {
    %c0_i32 = arith.constant 0 : i32
    %c0_i32_0 = arith.constant 0 : i32
    return %arg0, %c0_i32 : i32, i32
  }
  func.func @transform_2(%arg0: i32) -> (i32, i32) {
    %c0_i32 = arith.constant 0 : i32
    %c0_i32_0 = arith.constant 0 : i32
    return %arg0, %c0_i32 : i32, i32
  }
  func.func @transform_3(%arg0: i32) -> (i32, i32) {
    %c0_i32 = arith.constant 0 : i32
    %c0_i32_0 = arith.constant 0 : i32
    return %arg0, %c0_i32 : i32, i32
  }
  func.func @transform_4(%arg0: i32) -> (i32, i32) {
    %c0_i32 = arith.constant 0 : i32
    %c0_i32_0 = arith.constant 0 : i32
    %c0_i32_1 = arith.constant 0 : i32
    return %c0_i32, %c0_i32_0 : i32, i32
  }
  func.func @transform_5(%arg0: i32) -> (i32, i32) {
    %c0_i32 = arith.constant 0 : i32
    %c0_i32_0 = arith.constant 0 : i32
    %c0_i32_1 = arith.constant 0 : i32
    return %c0_i32, %c0_i32_0 : i32, i32
  }
  func.func @transform_6(%arg0: i32) -> (i32, i32) {
    %c0_i32 = arith.constant 0 : i32
    %c0_i32_0 = arith.constant 0 : i32
    %c0_i32_1 = arith.constant 0 : i32
    return %c0_i32, %c0_i32_0 : i32, i32
  }
  func.func @transform_7(%arg0: i32) -> (i32, i32) {
    %c0_i32 = arith.constant 0 : i32
    %c0_i32_0 = arith.constant 0 : i32
    return %arg0, %c0_i32 : i32, i32
  }
  func.func @transform_8(%arg0: i32) -> (i32, i32) {
    %c0_i32 = arith.constant 0 : i32
    %c0_i32_0 = arith.constant 0 : i32
    %c0_i32_1 = arith.constant 0 : i32
    return %c0_i32, %c0_i32_0 : i32, i32
  }
  func.func @transform_9(%arg0: i32) -> (i32, i32) {
    %c0_i32 = arith.constant 0 : i32
    %c0_i32_0 = arith.constant 0 : i32
    %c0_i32_1 = arith.constant 0 : i32
    return %c0_i32, %c0_i32_0 : i32, i32
  }
}

module attributes {stable_mosaic.version = 14 : i64} {
  func.func @_mlp_body(%arg0: memref<64x128xf32, #tpu.memory_space<vmem>>, %arg1: memref<64x1xf32, #tpu.memory_space<vmem>>, %arg2: memref<128x300xf32, #tpu.memory_space<vmem>>, %arg3: memref<1x300xf32, #tpu.memory_space<vmem>>, %arg4: memref<300x300xf32, #tpu.memory_space<vmem>>, %arg5: memref<1x300xf32, #tpu.memory_space<vmem>>, %arg6: memref<300x1xf32, #tpu.memory_space<vmem>>, %arg7: memref<1x1xf32, #tpu.memory_space<vmem>>, %arg8: memref<64x1xf32, #tpu.memory_space<vmem>>) attributes {dimension_semantics = [], scalar_prefetch = 0 : i64, scratch_operands = 0 : i64, tpu.core_type = #tpu.core_type<tc>} {
    %get3A = arith.constant 0 : index
    %get3A_0 = arith.constant 0 : index
    %get3A_1 = vector.load %arg0[%get3A, %get3A_0] : memref<64x128xf32, #tpu.memory_space<vmem>>, vector<64x128xf32>
    %get3A_2 = arith.constant 0 : index
    %get3A_3 = arith.constant 0 : index
    %get3A_4 = vector.load %arg1[%get3A_2, %get3A_3] : memref<64x1xf32, #tpu.memory_space<vmem>>, vector<64x1xf32>
    %max3A = arith.constant 1.000000e+00 : f32
    %max3A_5 = vector.broadcast %max3A : f32 to vector<64x1xf32>
    %max3A_6 = arith.maximumf %get3A_4, %max3A_5 : vector<64x1xf32>
    %div3A = vector.broadcast %max3A_6 : vector<64x1xf32> to vector<64x128xf32>
    %div3A_7 = arith.divf %get3A_1, %div3A : vector<64x128xf32>
    %get3A_8 = arith.constant 0 : index
    %get3A_9 = arith.constant 0 : index
    %get3A_10 = vector.load %arg2[%get3A_8, %get3A_9] : memref<128x300xf32, #tpu.memory_space<vmem>>, vector<128x300xf32>
    %dot_general3A = arith.constant dense<0.000000e+00> : vector<64x300xf32>
    %dot_general3A_11 = tpu.matmul %div3A_7, %get3A_10, %dot_general3A {dimension_numbers = #tpu.dot_dimension_numbers<[1], [0], [0], [1], [0, 0, 1, 1], [], []>, transpose_lhs_hint = false} : vector<64x128xf32>, vector<128x300xf32>, vector<64x300xf32> -> vector<64x300xf32>
    %get3A_12 = arith.constant 0 : index
    %get3A_13 = arith.constant 0 : index
    %get3A_14 = vector.load %arg3[%get3A_12, %get3A_13] : memref<1x300xf32, #tpu.memory_space<vmem>>, vector<1x300xf32>
    %add3A = vector.broadcast %get3A_14 : vector<1x300xf32> to vector<64x300xf32>
    %add3A_15 = arith.addf %dot_general3A_11, %add3A : vector<64x300xf32>
    %max3A_16 = arith.constant 0.000000e+00 : f32
    %max3A_17 = vector.broadcast %max3A_16 : f32 to vector<64x300xf32>
    %max3A_18 = arith.maximumf %add3A_15, %max3A_17 : vector<64x300xf32>
    %get3A_19 = arith.constant 0 : index
    %get3A_20 = arith.constant 0 : index
    %get3A_21 = vector.load %arg4[%get3A_19, %get3A_20] : memref<300x300xf32, #tpu.memory_space<vmem>>, vector<300x300xf32>
    %dot_general3A_22 = arith.constant dense<0.000000e+00> : vector<64x300xf32>
    %dot_general3A_23 = tpu.matmul %max3A_18, %get3A_21, %dot_general3A_22 {dimension_numbers = #tpu.dot_dimension_numbers<[1], [0], [0], [1], [0, 0, 1, 1], [], []>, transpose_lhs_hint = false} : vector<64x300xf32>, vector<300x300xf32>, vector<64x300xf32> -> vector<64x300xf32>
    %get3A_24 = arith.constant 0 : index
    %get3A_25 = arith.constant 0 : index
    %get3A_26 = vector.load %arg5[%get3A_24, %get3A_25] : memref<1x300xf32, #tpu.memory_space<vmem>>, vector<1x300xf32>
    %add3A_27 = vector.broadcast %get3A_26 : vector<1x300xf32> to vector<64x300xf32>
    %add3A_28 = arith.addf %dot_general3A_23, %add3A_27 : vector<64x300xf32>
    %max3A_29 = arith.constant 0.000000e+00 : f32
    %max3A_30 = vector.broadcast %max3A_29 : f32 to vector<64x300xf32>
    %max3A_31 = arith.maximumf %add3A_28, %max3A_30 : vector<64x300xf32>
    %get3A_32 = arith.constant 0 : index
    %get3A_33 = arith.constant 0 : index
    %get3A_34 = vector.load %arg6[%get3A_32, %get3A_33] : memref<300x1xf32, #tpu.memory_space<vmem>>, vector<300x1xf32>
    %dot_general3A_35 = arith.constant dense<0.000000e+00> : vector<64x1xf32>
    %dot_general3A_36 = tpu.matmul %max3A_31, %get3A_34, %dot_general3A_35 {dimension_numbers = #tpu.dot_dimension_numbers<[1], [0], [0], [1], [0, 0, 1, 1], [], []>, transpose_lhs_hint = false} : vector<64x300xf32>, vector<300x1xf32>, vector<64x1xf32> -> vector<64x1xf32>
    %get3A_37 = arith.constant 0 : index
    %get3A_38 = arith.constant 0 : index
    %get3A_39 = vector.load %arg7[%get3A_37, %get3A_38] : memref<1x1xf32, #tpu.memory_space<vmem>>, vector<1x1xf32>
    %add3A_40 = vector.broadcast %get3A_39 : vector<1x1xf32> to vector<64x1xf32>
    %add3A_41 = arith.addf %dot_general3A_36, %add3A_40 : vector<64x1xf32>
    %swap3A = arith.constant 0 : index
    %swap3A_42 = arith.constant 0 : index
    %swap3A_43 = vector.load %arg8[%swap3A, %swap3A_42] : memref<64x1xf32, #tpu.memory_space<vmem>>, vector<64x1xf32>
    tpu.vector_store %arg8[%swap3A, %swap3A_42], %add3A_41 {strides = array<i32>} : memref<64x1xf32, #tpu.memory_space<vmem>>, vector<64x1xf32>,
    return
  }
}

</mosaic_0001>

<sc_bundles>
// kernel: kernel.11.cloned.1.call-start
scs
__scs_entry_jumppad:
0x0: {  	(pc) =	sbr.rel $0x88, $3  }
0x1: {  	(tag) =	ssettag $0x0;
	lr =	simm.s32 $0x1  }
0x2: {  	[smem:$0x3F8A] =	sst lr;
	_ =	strace $0xD0000000  }
0x3: {  	_ = 	snop  }
0x4: {  	_ = 	snop  }
0x5: {  	_ = 	snop  }
0x6: {  	_ = 	snop  }
0x7: {  	_ = 	snop  }
__scs_overlays_trampoline_lowered:
0x8: {  	[smem:$0x3F99] =	sst s0  }
0x9: {  	[smem:$0x3F9A] =	sst s1  }
0xa: {  	[smem:$0x3F9B] =	sst s2  }
0xb: {  	[smem:$0x3F9C] =	sst s3  }
0xc: {  	[smem:$0x3F9D] =	sst s4  }
0xd: {  	[smem:$0x3F9E] =	sst s5  }
0xe: {  	[smem:$0x3F9F] =	sst s6  }
0xf: {  	[smem:$0x3FA0] =	sst s7  }
0x10: {  	[smem:$0x3FA1] =	sst s8  }
0x11: {  	[smem:$0x3FA2] =	sst s9;
	s0 =	simm.s32 @!p0 $0x0  }
0x12: {  	s1 =	sld [smem:$0x3F88];
	s0 =	simm.s32 @p0 $0x1  }
0x13: {  	[smem:$0x3FA3] =	sst s0;
	s0 =	simm.s32 @!p1 $0x0  }
0x14: {  	s2 =	sld [smem:$0x3F87];
	s0 =	simm.s32 @p1 $0x1  }
0x15: {  	[smem:$0x3FA4] =	sst s0;
	s0 =	simm.s32 @!p2 $0x0  }
0x16: {  	s3 =	sld [smem:$0x3FDB];
	s0 =	simm.s32 @p2 $0x1  }
0x17: {  	s4 =	simm.s32 $0x1BF5;
	[smem:$0x3FA6] =	sst s0  }
0x18: {  	s0 =	sld [smem:$0x3F89];
	_ =	swait.ge [sflag:s4], $0x0  }
0x19: {  	s7 =	sld [smem:$0x3F8A]  }
0x1a: {  	s8 =	sadd.s32 $0xFFFFE003, lr  }
0x1b: {  	s9 =	sadd.s32 $0xFFFFFEF7, lr;
	s5 =	simm.s32 $0xFFFFFFFF;
	p2 =	slt.u32 s8, $0xFFFFF086  }
0x1c: {  	p1 =	slt.u32 s9, $0xF7A;
	s5 =	simm.s32 @!p2 $0x0  }
0x1d: {  	s5 =	simm.s32 @p1 $0x1;
	p0 =	seq.s32 s7, s2  }
0x1e: {  	s7 =	smul.u32 @!p0 $0xF7A, s2;
	p2 =	seq.s32 @!p0 s5, $0x0  }
0x1f: {  	s9 =	smul.u32 $0xF7A, s1;
	s8 =	simm.s32 @!p0 $0x1BF5;
	p2 =	por !p2, p0  }
0x20: {  	[sflag:s8] =	ssyncset.s32 @!p0 $0xFFFFF086;
	s6 =	sadd.s32 @!p0 s3, s7;
	s7 =	simm.s32 @!p0 $0x108  }
0x21: {  	s3 =	sadd.s32 s3, s9;
	s6 =	sadd.s32 @!p0 $0x88, s6;
	s7 =	simm.s32 @p2 $0x1082  }
0x22: {  	[simem:s7], [sflag:s8] =	dma.local @!p0 [hbm:s6], $0xF7A  }
0x23: {  	s9 =	sor.u32 $0xD0000000, s2;
	s6 =	simm.s32 $0x108;
	_ =	swait.ge @!p0 [sflag:s8], $0x0  }
0x24: {  	s3 =	sadd.s32 $0x88, s3;
	s6 =	simm.s32 @!p1 $0x1082;
	[sflag:s4] =	ssyncset.s32 $0xFFFFF086  }
0x25: {  	[simem:s6], [sflag:s4] =	dma.local [hbm:s3], $0xF7A  }
0x26: {  	[smem:$0x3F8A] =	sst s1;
	(tag) =	ssettag s2;
	_ =	strace s9  }
0x27: {  	s1 =	sld [smem:$0x3F9A]  }
0x28: {  	s2 =	sld [smem:$0x3F9B]  }
0x29: {  	s4 =	sld [smem:$0x3F9D]  }
0x2a: {  	p0 =	seq.s32 s5, $0x0;
	s5 =	sld [smem:$0x3F9E]  }
0x2b: {  	s6 =	sld [smem:$0x3F9F]  }
0x2c: {  	s7 =	sld [smem:$0x3FA0]  }
0x2d: {  	s3 =	simm.s32 $0x108;
	s8 =	sld [smem:$0x3FA1]  }
0x2e: {  	s3 =	simm.s32 @!p0 $0x1082;
	s9 =	sld [smem:$0x3FA2]  }
0x2f: {  	lr =	sadd.s32 s0, s3;
	s0 =	sld [smem:$0x3F99]  }
0x30: {  	s3 =	sld [smem:$0x3F9C]  }
0x31: {  	[smem:$0x3FA5] =	sst s10  }
0x32: {  	s10 =	sld [smem:$0x3FA3];
	_ =	sdelay $0x3  }
0x33: {  	p0 =	seq.s32 s10, $0x1;
	s10 =	sld [smem:$0x3FA5];
	_ =	sdelay $0x3  }
0x34: {  	[smem:$0x3FA5] =	sst s10  }
0x35: {  	s10 =	sld [smem:$0x3FA4];
	_ =	sdelay $0x3  }
0x36: {  	p1 =	seq.s32 s10, $0x1;
	s10 =	sld [smem:$0x3FA5];
	_ =	sdelay $0x3  }
0x37: {  	[smem:$0x3FA5] =	sst s10  }
0x38: {  	s10 =	sld [smem:$0x3FA6]  }
0x39: {  	_ = 	snop;
	(pc) =	sbr.ind lr, $3  }
0x3a: {  	_ = 	snop  }
0x3b: {  	_ = 	snop  }
0x3c: {  	p2 =	seq.s32 s10, $0x1;
	s10 =	sld [smem:$0x3FA5]  }
0x3d: {  	_ =	shalt  }
0x3e: {  	_ =	shalt  }
0x3f: {  	_ =	shalt  }
0x40: {  	_ =	shalt  }
0x41: {  	_ =	shalt  }
0x42: {  	_ =	shalt  }
0x43: {  	_ =	shalt  }
0x44: {  	_ =	shalt  }
0x45: {  	_ =	shalt  }
0x46: {  	_ =	shalt  }
0x47: {  	_ =	shalt  }
0x48: {  	_ =	shalt  }
0x49: {  	_ =	shalt  }
0x4a: {  	_ =	shalt  }
0x4b: {  	_ =	shalt  }
0x4c: {  	_ =	shalt  }
0x4d: {  	_ =	shalt  }
0x4e: {  	_ =	shalt  }
0x4f: {  	_ =	shalt  }
0x50: {  	_ =	shalt  }
0x51: {  	_ =	shalt  }
0x52: {  	_ =	shalt  }
0x53: {  	_ =	shalt  }
0x54: {  	_ =	shalt  }
0x55: {  	_ =	shalt  }
0x56: {  	_ =	shalt  }
0x57: {  	_ =	shalt  }
0x58: {  	_ =	shalt  }
0x59: {  	_ =	shalt  }
0x5a: {  	_ =	shalt  }
0x5b: {  	_ =	shalt  }
0x5c: {  	_ =	shalt  }
0x5d: {  	_ =	shalt  }
0x5e: {  	_ =	shalt  }
0x5f: {  	_ =	shalt  }
0x60: {  	_ =	shalt  }
0x61: {  	_ =	shalt  }
0x62: {  	_ =	shalt  }
0x63: {  	_ =	shalt  }
0x64: {  	_ =	shalt  }
0x65: {  	_ =	shalt  }
0x66: {  	_ =	shalt  }
0x67: {  	_ =	shalt  }
0x68: {  	_ =	shalt  }
0x69: {  	_ =	shalt  }
0x6a: {  	_ =	shalt  }
0x6b: {  	_ =	shalt  }
0x6c: {  	_ =	shalt  }
0x6d: {  	_ =	shalt  }
0x6e: {  	_ =	shalt  }
0x6f: {  	_ =	shalt  }
0x70: {  	_ =	shalt  }
0x71: {  	_ =	shalt  }
0x72: {  	_ =	shalt  }
0x73: {  	_ =	shalt  }
0x74: {  	_ =	shalt  }
0x75: {  	_ =	shalt  }
0x76: {  	_ =	shalt  }
0x77: {  	_ =	shalt  }
0x78: {  	_ =	shalt  }
0x79: {  	_ =	shalt  }
0x7a: {  	_ =	shalt  }
0x7b: {  	_ =	shalt  }
0x7c: {  	_ =	shalt  }
0x7d: {  	_ =	shalt  }
0x7e: {  	_ =	shalt  }
0x7f: {  	_ =	shalt  }
0x80: {  	_ =	shalt  }
0x81: {  	_ =	shalt  }
0x82: {  	_ =	shalt  }
0x83: {  	_ =	shalt  }
0x84: {  	_ =	shalt  }
0x85: {  	_ =	shalt  }
0x86: {  	_ =	shalt  }
0x87: {  	_ =	shalt  }
.Lfunc_end0:
.L_simem_size_0:
called_computation_lowered:
.L_overlay_start_0:
0x88: {  	s2 =	sld [smem:$0x3FD9]  }
0x89: {  	s3 =	sld [smem:$0x3FFE];
	_ =	sdelay $0x1  }
0x8a: {  	s1 =	srdreg.scid  }
0x8b: {  	s0 =	sand.u32 $0x1, s1  }
0x8c: {  	s16 =	sshll.u32 s0, $0xA;
	s2 =	sadd.s32 s3, s2  }
0x8d: {  	s2 =	sadd.s32 s2, s16  }
0x8e: {  	[smem:$0x3FB1] =	sst s2  }
0x8f: {  	_ = 	snop  }
0x90: {  	(tm) =	ssettm $0x1  }
0x91: {  	s17 =	sld [smem:$0x3FFB];
	_ =	sdelay $0x3  }
0x92: {  	_ =	strace s17  }
0x93: {  	s2 =	sld [smem:$0x3FFC];
	_ =	sdelay $0x3  }
0x94: {  	_ =	strace s2  }
0x95: {  	s2 =	sld [smem:$0x3FFD];
	_ =	sdelay $0x3  }
0x96: {  	_ =	strace s2  }
0x97: {  	_ =	strace $0x8FFFFFFF  }
0x98: {  	s18 =	sld [smem:$0x3FDB];
	_ =	sdelay $0x1  }
0x99: {  	s19 =	simm.s32 $_scs_section_size  }
0x9a: {  	s4 =	simm.s32 $_size__tile_overlayer_lowered;
	s5 =	simm.s32 $_tile_overlayer_lowered  }
0x9b: {  	s22 =	simm.s32 $0x1BFF;
	s21 =	sshll.u32 s5, $0x1;
	s2 =	sadd.s32 s19, s18  }
0x9c: {  	s6 =	simm.s32 $0x0;
	s20 =	sshll.u32 s4, $0x1;
	s4 =	sadd.s32 s21, s2  }
0x9d: {  	[timem:s6], [sflag:s22] =	dma.local [hbm:s4], s20  }
0x9e: {  	_ =	swait.ge [sflag:s22], s20  }
0x9f: {  	s3 =	ssub.s32 $0x0, s20;
	[sflag:s22] =	ssyncset.done $0x0  }
0xa0: {  	[sflag:s22] =	ssyncadd.s32 s3;
	_ =	sdelay $0x1  }
0xa1: {  	s23 =	simm.s32 $0x1B8B  }
0xa2: {  	_ =	swait.ge [sflag:s23], $0x1  }
0xa3: {  	[sflag:s23] =	ssyncset.done $0x0  }
0xa4: {  	s25 =	simm.s32 $0x1B8E;
	s24 =	sld [smem:$0x3FFE];
	[sflag:s23] =	ssyncadd.s32 $0xFFFFFFFF  }
0xa5: {  	s26 =	simm.s32 $execute0_lowered;
	[smem:$0x3FD2] =	sst s25  }
0xa6: {  	s4 =	sshll.u32 s26, $0x1;
	_ =	strace $0x80000046;
	[dreg:$0x1] =	wrdreg $0xFFFFFFFF  }
0xa7: {  	s28 =	simm.s32 $_size_execute0_lowered;
	s2 =	sadd.s32 s2, s4;
	[dreg:$0x0] =	wrdreg $0x0  }
0xa8: {  	s4 =	sshll.u32 s28, $0x1;
	[dreg:$0x2] =	wrdreg s2  }
0xa9: {  	[dreg:$0x3] =	wrdreg s4  }
0xaa: {  	[dreg:$0x4] =	wrdreg $0xC0  }
0xab: {  	_ =	task [dreg:s6], $0x5FFFF  }
0xac: {  	[dreg:$0x1] =	wrdreg $0xFFFFFFFF  }
0xad: {  	[dreg:$0x0] =	wrdreg $0x60  }
0xae: {  	[dreg:$0x2] =	wrdreg s24  }
0xaf: {  	[dreg:$0x3] =	wrdreg $0x67800  }
0xb0: {  	[dreg:$0x4] =	wrdreg $0x9  }
0xb1: {  	_ =	task.clear_ibuf [dreg:s6], $0x5FFFF;
	_ =	strace $0x90000046  }
0xb2: {  	s29 =	simm.s32 $0x9;
	_ =	strace $0x80000048  }
0xb3: {  	_ =	swait.ge [sflag:s29], $0x1  }
0xb4: {  	[sflag:s29] =	ssyncadd.s32 $0xFFFFFFFF  }
0xb5: {  	_ =	strace $0x90000048  }
0xb6: {  	_ =	sfence  }
0xb7: {  	s30 =	sld [smem:$0x0];
	_ =	sdelay $0x2  }
0xb8: {  	s31 =	sshll.u32 s1, $0xD;
	s1 =	sshrl.u32 s1, $0x2  }
0xb9: {  	s3 =	sand.u32 $0x4000, s31;
	s1 =	sadd.s32 s1, s30  }
0xba: {  	s0 =	sor.u32 s3, s0;
	s1 =	sshll.u32 s1, $0x11  }
0xbb: {  	s0 =	sor.u32 s1, s0  }
0xbc: {  	s0 =	sadd.s32 $0x8F2B, s0  }
0xbd: {  	[sflag:s0] =	ssyncadd.remote.s32 $0x1  }
0xbe: {  	_ =	sfence.sel $0xFFFF  }
0xbf: {  	[dreg:$0x0] =	wrdreg $0xFFFFFFFF;
	(pc) =	sbr.abs _section_cstart, $3  }
0xc0: {  	[dreg:$0x1] =	wrdreg $0xFFFFFFFF  }
0xc1: {  	_ =	task.clear_ibuf [dreg:s6], $0x2FFFF;
	_ =	strace $0x9FFFFFFF  }
0xc2: {  	(tm) =	ssettm $0x7FFFFFFF  }
0xc3: {  	_ =	shalt  }
tec
execute0_lowered:
.L_overlay_start_1:
0x0: {  	(tag) =	ssettag $0x1  }
0x1: {  	s1 =	srdreg.scid;
	s5 =	rddreg [dreg:$0x0]  }
0x2: {  	s0 =	stileid.u32;
	s2 =	rddreg [dreg:$0x1];
	s3 =	simm.s32 $0x0  }
0x3: {  	s14 =	simm.s32 $0x0;
	s6 =	sand.u32 $0x1, s1;
	s1 =	rddreg [dreg:$0x2]  }
0x4: {  	s28 =	sshll.u32 s0, $0x1;
	[smem:$0x7FF] =	sst s3;
	s7 =	smul.u32 $0x13C00, s0  }
0x5: {  	s29 =	smul.u32 $0x4F000, s0;
	s31 =	sshll.u32 s0, $0x6;
	s4 =	sor.u32 s6, s28  }
0x6: {  	_ =	strace $0x80000047;
	s8 =	smul.u32 $0x13C000, s6;
	s6 =	ssub.s32 $0x2, s6  }
0x7: {  	s4 =	smul.u32 $0x4F0, s4;
	s10 =	sshrl.u32 s7, $0x3;
	s11 =	sshrl.u32 s6, $0x1  }
0x8: {  	s30 =	sshrl.u32 s29, $0x2;
	s7 =	sadd.s32 s7, s8;
	s10 =	sadd.s32 s10, s5  }
0x9: {  	s11 =	ssub.s32 s6, s11;
	s13 =	sadd.s32 s30, s2;
	s6 =	sor.u32 $0x1C01, s31  }
0xa: {  	s9 =	sadd.s32 s4, s5;
	s4 =	sadd.s32 $0x36600, s5;
	s7 =	sshrl.u32 s7, $0x3  }
0xb: {  	s12 =	sadd.s32 s7, s5;
	s5 =	sadd.s32 $0xEE00, s10;
	s7 =	sadd.s32 $0x4E00, s9  }
0xc: {  	s9 =	smax.u32 s11, $0x1;
	s10 =	sshrl.u32 s13, $0x3;
	s11 =	simm.s32 $0x1  }
0xd: {  	s13 =	simm.s32 $0x80;
	s8 =	sadd.s32 $0x36E00, s12;
	s12 =	simm.s32 $0x2780  }
.LBB2_1:
0xe: {  	[spmem:s10], [sflag:s6] =	dma.local [hbm:s5], $0x2780  }
0xf: {  	_ =	swait.ge [sflag:s11], $0x2780  }
0x10: {  	[sflag:s11] =	ssyncset.done $0x0  }
0x11: {  	[sflag:s11] =	ssyncadd.s32 $0xFFFFD880  }
0x12: {  	[tilespmem:s3], [sflag:$0x1] =	stream.linear.gather [hbm4b:s7+s3], $0x2780, $0x38;
	[tilespmem:$0x1A380] =	vst v63  }
0x13: {  	_ =	swait.ge [sflag:s11], $0x2780  }
0x14: {  	[sflag:s11] =	ssyncset.done $0x0  }
0x15: {  	[sflag:s11] =	ssyncadd.s32 $0xFFFFD880  }
0x16: {  	[tilespmem:s12], [sflag:$0x1] =	stream.linear.gather [hbm4b:s4+s3], $0x4000, $0x38;
	[tilespmem:$0x1A380] =	vst v63  }
0x17: {  	_ =	swait.ge [sflag:s11], $0x4000  }
0x18: {  	[sflag:s11] =	ssyncset.done $0x0  }
0x19: {  	[sflag:s11] =	ssyncadd.s32 $0xFFFFC000  }
0x1a: {  	s15 =	simm.s32 $0x0;
	[bflag:$0x0] =	sbarrier.arrive $0xFFFF  }
0x1b: {  	[spmem:s2] =	stream.indirect.scatter.add.f32 [tilespmem:s12], [sflag:$0x1], $0x80, s15, s13, $0xb8;
	[tilespmem:$0x1A380] =	vst v63  }
0x1c: {  	_ =	swait.ge [sflag:s11], $0x4000  }
0x1d: {  	s15 =	simm.s32 $0x200;
	[sflag:s11] =	ssyncset.done $0x0  }
.LBB2_2:
0x1e: {  	s16 =	sshra.s32 s15, $0x2;
	[sflag:s11] =	ssyncadd.s32 $0xFFFFC000;
	p0 =	sne.s32 s15, $0x9C00  }
0x1f: {  	[spmem:s2] =	stream.indirect.scatter.add.f32 [tilespmem:s12], [sflag:$0x1], $0x80, s16, s13, $0xb8;
	[tilespmem:$0x1A380] =	vst v63  }
.Ltmp0:
0x20: {  	_ = 	snop;
	(pc) =	sbr.rel @p0 .LBB2_2-.Ltmp0, $4  }
0x21: {  	_ = 	snop  }
0x22: {  	s15 =	sadd.s32 $0x200, s15  }
0x23: {  	_ =	swait.ge [sflag:s11], $0x4000  }
0x24: {  	[sflag:s11] =	ssyncset.done $0x0  }
0x25: {  	s14 =	sadd.s32 $0x1, s14  }
0x26: {  	[sflag:s11] =	ssyncadd.s32 $0xFFFFC000;
	p0 =	sne.s32 s14, s9  }
.Ltmp1:
0x27: {  	[bflag:$0x0] =	sbarrier.arrive $0xFFFF;
	(pc) =	sbr.rel @p0 .LBB2_1-.Ltmp1, $4  }
0x28: {  	[hbm:s8], [sflag:s6] =	dma.local [spmem:s10], $0x2780  }
0x29: {  	_ =	swait.ge [sflag:s11], $0x2780  }
0x2a: {  	[sflag:s11] =	ssyncset.done $0x0  }
0x2b: {  	[sflag:s11] =	ssyncadd.s32 $0xFFFFD880  }
0x2c: {  	_ =	sfence.sel $0x180000  }
0x2d: {  	[bflag:$0x0] =	sbarrier.arrive $0xFFFF  }
0x2e: {  	p0 =	sne.s32 s0, $0x0;
	_ =	strace $0x90000047  }
0x2f: {  	s0 =	sadd.s32 @!p0 $0x100000, s1;
	[bflag:$0x2] =	sbarrier.arrive $0xFFFF  }
0x30: {  	[sflag:s0] =	ssyncadd.tile.s32 @!p0 $0x1;
	_ =	shalt  }
.Lfunc_end2:
_tile_overlayer_lowered:
.L_overlay_start_2:
0x31: {  	(tag) =	ssettag $0x2  }
0x32: {  	s0 =	rddreg [dreg:$0x0];
	s2 =	stileid.u32  }
0x33: {  	s1 =	rddreg [dreg:$0x1];
	p0 =	sne.s32 s2, $0x0  }
0x34: {  	s3 =	rddreg [dreg:$0x2];
	[bflag:$0x3] =	sbarrier.arrive $0xFFFF;
	s2 =	simm.s32 @!p0 $0x1C01  }
0x35: {  	[timem:s3], [sflag:s2] =	dma.local @!p0 [hbm:s0], s1  }
0x36: {  	s0 =	simm.s32 @!p0 $0x1  }
0x37: {  	_ =	swait.ge @!p0 [sflag:s0], s1  }
0x38: {  	s1 =	ssub.s32 @!p0 $0x0, s1;
	[sflag:s0] =	ssyncset.done @!p0 $0x0  }
0x39: {  	[sflag:s0] =	ssyncadd.s32 @!p0 s1  }
0x3a: {  	[bflag:$0x3] =	sbarrier.arrive $0xFFFF  }
0x3b: {  	_ =	shalt  }

// kernel: kernel.14.cloned.1.call-start
scs
__scs_entry_jumppad:
0x0: {  	(pc) =	sbr.rel $0x88, $3  }
0x1: {  	(tag) =	ssettag $0x0;
	lr =	simm.s32 $0x1  }
0x2: {  	[smem:$0x3F8A] =	sst lr;
	_ =	strace $0xD0000000  }
0x3: {  	_ = 	snop  }
0x4: {  	_ = 	snop  }
0x5: {  	_ = 	snop  }
0x6: {  	_ = 	snop  }
0x7: {  	_ = 	snop  }
__scs_overlays_trampoline_lowered:
0x8: {  	[smem:$0x3F99] =	sst s0  }
0x9: {  	[smem:$0x3F9A] =	sst s1  }
0xa: {  	[smem:$0x3F9B] =	sst s2  }
0xb: {  	[smem:$0x3F9C] =	sst s3  }
0xc: {  	[smem:$0x3F9D] =	sst s4  }
0xd: {  	[smem:$0x3F9E] =	sst s5  }
0xe: {  	[smem:$0x3F9F] =	sst s6  }
0xf: {  	[smem:$0x3FA0] =	sst s7  }
0x10: {  	[smem:$0x3FA1] =	sst s8  }
0x11: {  	[smem:$0x3FA2] =	sst s9;
	s0 =	simm.s32 @!p0 $0x0  }
0x12: {  	s1 =	sld [smem:$0x3F88];
	s0 =	simm.s32 @p0 $0x1  }
0x13: {  	[smem:$0x3FA3] =	sst s0;
	s0 =	simm.s32 @!p1 $0x0  }
0x14: {  	s2 =	sld [smem:$0x3F87];
	s0 =	simm.s32 @p1 $0x1  }
0x15: {  	[smem:$0x3FA4] =	sst s0;
	s0 =	simm.s32 @!p2 $0x0  }
0x16: {  	s3 =	sld [smem:$0x3FDB];
	s0 =	simm.s32 @p2 $0x1  }
0x17: {  	s4 =	simm.s32 $0x1BF5;
	[smem:$0x3FA6] =	sst s0  }
0x18: {  	s0 =	sld [smem:$0x3F89];
	_ =	swait.ge [sflag:s4], $0x0  }
0x19: {  	s7 =	sld [smem:$0x3F8A]  }
0x1a: {  	s8 =	sadd.s32 $0xFFFFE003, lr  }
0x1b: {  	s9 =	sadd.s32 $0xFFFFFEF7, lr;
	s5 =	simm.s32 $0xFFFFFFFF;
	p2 =	slt.u32 s8, $0xFFFFF086  }
0x1c: {  	p1 =	slt.u32 s9, $0xF7A;
	s5 =	simm.s32 @!p2 $0x0  }
0x1d: {  	s5 =	simm.s32 @p1 $0x1;
	p0 =	seq.s32 s7, s2  }
0x1e: {  	s7 =	smul.u32 @!p0 $0xF7A, s2;
	p2 =	seq.s32 @!p0 s5, $0x0  }
0x1f: {  	s9 =	smul.u32 $0xF7A, s1;
	s8 =	simm.s32 @!p0 $0x1BF5;
	p2 =	por !p2, p0  }
0x20: {  	[sflag:s8] =	ssyncset.s32 @!p0 $0xFFFFF086;
	s6 =	sadd.s32 @!p0 s3, s7;
	s7 =	simm.s32 @!p0 $0x108  }
0x21: {  	s3 =	sadd.s32 s3, s9;
	s6 =	sadd.s32 @!p0 $0x88, s6;
	s7 =	simm.s32 @p2 $0x1082  }
0x22: {  	[simem:s7], [sflag:s8] =	dma.local @!p0 [hbm:s6], $0xF7A  }
0x23: {  	s9 =	sor.u32 $0xD0000000, s2;
	s6 =	simm.s32 $0x108;
	_ =	swait.ge @!p0 [sflag:s8], $0x0  }
0x24: {  	s3 =	sadd.s32 $0x88, s3;
	s6 =	simm.s32 @!p1 $0x1082;
	[sflag:s4] =	ssyncset.s32 $0xFFFFF086  }
0x25: {  	[simem:s6], [sflag:s4] =	dma.local [hbm:s3], $0xF7A  }
0x26: {  	[smem:$0x3F8A] =	sst s1;
	(tag) =	ssettag s2;
	_ =	strace s9  }
0x27: {  	s1 =	sld [smem:$0x3F9A]  }
0x28: {  	s2 =	sld [smem:$0x3F9B]  }
0x29: {  	s4 =	sld [smem:$0x3F9D]  }
0x2a: {  	p0 =	seq.s32 s5, $0x0;
	s5 =	sld [smem:$0x3F9E]  }
0x2b: {  	s6 =	sld [smem:$0x3F9F]  }
0x2c: {  	s7 =	sld [smem:$0x3FA0]  }
0x2d: {  	s3 =	simm.s32 $0x108;
	s8 =	sld [smem:$0x3FA1]  }
0x2e: {  	s3 =	simm.s32 @!p0 $0x1082;
	s9 =	sld [smem:$0x3FA2]  }
0x2f: {  	lr =	sadd.s32 s0, s3;
	s0 =	sld [smem:$0x3F99]  }
0x30: {  	s3 =	sld [smem:$0x3F9C]  }
0x31: {  	[smem:$0x3FA5] =	sst s10  }
0x32: {  	s10 =	sld [smem:$0x3FA3];
	_ =	sdelay $0x3  }
0x33: {  	p0 =	seq.s32 s10, $0x1;
	s10 =	sld [smem:$0x3FA5];
	_ =	sdelay $0x3  }
0x34: {  	[smem:$0x3FA5] =	sst s10  }
0x35: {  	s10 =	sld [smem:$0x3FA4];
	_ =	sdelay $0x3  }
0x36: {  	p1 =	seq.s32 s10, $0x1;
	s10 =	sld [smem:$0x3FA5];
	_ =	sdelay $0x3  }
0x37: {  	[smem:$0x3FA5] =	sst s10  }
0x38: {  	s10 =	sld [smem:$0x3FA6]  }
0x39: {  	_ = 	snop;
	(pc) =	sbr.ind lr, $3  }
0x3a: {  	_ = 	snop  }
0x3b: {  	_ = 	snop  }
0x3c: {  	p2 =	seq.s32 s10, $0x1;
	s10 =	sld [smem:$0x3FA5]  }
0x3d: {  	_ =	shalt  }
0x3e: {  	_ =	shalt  }
0x3f: {  	_ =	shalt  }
0x40: {  	_ =	shalt  }
0x41: {  	_ =	shalt  }
0x42: {  	_ =	shalt  }
0x43: {  	_ =	shalt  }
0x44: {  	_ =	shalt  }
0x45: {  	_ =	shalt  }
0x46: {  	_ =	shalt  }
0x47: {  	_ =	shalt  }
0x48: {  	_ =	shalt  }
0x49: {  	_ =	shalt  }
0x4a: {  	_ =	shalt  }
0x4b: {  	_ =	shalt  }
0x4c: {  	_ =	shalt  }
0x4d: {  	_ =	shalt  }
0x4e: {  	_ =	shalt  }
0x4f: {  	_ =	shalt  }
0x50: {  	_ =	shalt  }
0x51: {  	_ =	shalt  }
0x52: {  	_ =	shalt  }
0x53: {  	_ =	shalt  }
0x54: {  	_ =	shalt  }
0x55: {  	_ =	shalt  }
0x56: {  	_ =	shalt  }
0x57: {  	_ =	shalt  }
0x58: {  	_ =	shalt  }
0x59: {  	_ =	shalt  }
0x5a: {  	_ =	shalt  }
0x5b: {  	_ =	shalt  }
0x5c: {  	_ =	shalt  }
0x5d: {  	_ =	shalt  }
0x5e: {  	_ =	shalt  }
0x5f: {  	_ =	shalt  }
0x60: {  	_ =	shalt  }
0x61: {  	_ =	shalt  }
0x62: {  	_ =	shalt  }
0x63: {  	_ =	shalt  }
0x64: {  	_ =	shalt  }
0x65: {  	_ =	shalt  }
0x66: {  	_ =	shalt  }
0x67: {  	_ =	shalt  }
0x68: {  	_ =	shalt  }
0x69: {  	_ =	shalt  }
0x6a: {  	_ =	shalt  }
0x6b: {  	_ =	shalt  }
0x6c: {  	_ =	shalt  }
0x6d: {  	_ =	shalt  }
0x6e: {  	_ =	shalt  }
0x6f: {  	_ =	shalt  }
0x70: {  	_ =	shalt  }
0x71: {  	_ =	shalt  }
0x72: {  	_ =	shalt  }
0x73: {  	_ =	shalt  }
0x74: {  	_ =	shalt  }
0x75: {  	_ =	shalt  }
0x76: {  	_ =	shalt  }
0x77: {  	_ =	shalt  }
0x78: {  	_ =	shalt  }
0x79: {  	_ =	shalt  }
0x7a: {  	_ =	shalt  }
0x7b: {  	_ =	shalt  }
0x7c: {  	_ =	shalt  }
0x7d: {  	_ =	shalt  }
0x7e: {  	_ =	shalt  }
0x7f: {  	_ =	shalt  }
0x80: {  	_ =	shalt  }
0x81: {  	_ =	shalt  }
0x82: {  	_ =	shalt  }
0x83: {  	_ =	shalt  }
0x84: {  	_ =	shalt  }
0x85: {  	_ =	shalt  }
0x86: {  	_ =	shalt  }
0x87: {  	_ =	shalt  }
.Lfunc_end0:
.L_simem_size_0:
called_computation.1_lowered:
.L_overlay_start_0:
0x88: {  	s2 =	sld [smem:$0x3FD9]  }
0x89: {  	s3 =	sld [smem:$0x3FFE];
	_ =	sdelay $0x1  }
0x8a: {  	s1 =	srdreg.scid  }
0x8b: {  	s0 =	sand.u32 $0x1, s1  }
0x8c: {  	s16 =	sshll.u32 s0, $0xA;
	s2 =	sadd.s32 s3, s2  }
0x8d: {  	s2 =	sadd.s32 s2, s16  }
0x8e: {  	[smem:$0x3FB1] =	sst s2  }
0x8f: {  	_ = 	snop  }
0x90: {  	(tm) =	ssettm $0x1  }
0x91: {  	s17 =	sld [smem:$0x3FFB];
	_ =	sdelay $0x3  }
0x92: {  	_ =	strace s17  }
0x93: {  	s2 =	sld [smem:$0x3FFC];
	_ =	sdelay $0x3  }
0x94: {  	_ =	strace s2  }
0x95: {  	s2 =	sld [smem:$0x3FFD];
	_ =	sdelay $0x3  }
0x96: {  	_ =	strace s2  }
0x97: {  	_ =	strace $0x8FFFFFFF  }
0x98: {  	s18 =	sld [smem:$0x3FDB];
	_ =	sdelay $0x1  }
0x99: {  	s19 =	simm.s32 $_scs_section_size  }
0x9a: {  	s4 =	simm.s32 $_size__tile_overlayer_lowered;
	s5 =	simm.s32 $_tile_overlayer_lowered  }
0x9b: {  	s22 =	simm.s32 $0x1BFF;
	s21 =	sshll.u32 s5, $0x1;
	s2 =	sadd.s32 s19, s18  }
0x9c: {  	s6 =	simm.s32 $0x0;
	s20 =	sshll.u32 s4, $0x1;
	s4 =	sadd.s32 s21, s2  }
0x9d: {  	[timem:s6], [sflag:s22] =	dma.local [hbm:s4], s20  }
0x9e: {  	_ =	swait.ge [sflag:s22], s20  }
0x9f: {  	s3 =	ssub.s32 $0x0, s20;
	[sflag:s22] =	ssyncset.done $0x0  }
0xa0: {  	[sflag:s22] =	ssyncadd.s32 s3;
	_ =	sdelay $0x1  }
0xa1: {  	s23 =	simm.s32 $0x1B8B  }
0xa2: {  	_ =	swait.ge [sflag:s23], $0x1  }
0xa3: {  	[sflag:s23] =	ssyncset.done $0x0  }
0xa4: {  	s25 =	simm.s32 $0x1B8E;
	s24 =	sld [smem:$0x3FFE];
	[sflag:s23] =	ssyncadd.s32 $0xFFFFFFFF  }
0xa5: {  	s26 =	simm.s32 $execute0_lowered;
	[smem:$0x3FD2] =	sst s25  }
0xa6: {  	s4 =	sshll.u32 s26, $0x1;
	_ =	strace $0x80000049;
	[dreg:$0x1] =	wrdreg $0xFFFFFFFF  }
0xa7: {  	s28 =	simm.s32 $_size_execute0_lowered;
	s2 =	sadd.s32 s2, s4;
	[dreg:$0x0] =	wrdreg $0x0  }
0xa8: {  	s4 =	sshll.u32 s28, $0x1;
	[dreg:$0x2] =	wrdreg s2  }
0xa9: {  	[dreg:$0x3] =	wrdreg s4  }
0xaa: {  	[dreg:$0x4] =	wrdreg $0xC0  }
0xab: {  	_ =	task [dreg:s6], $0x5FFFF  }
0xac: {  	[dreg:$0x1] =	wrdreg $0xFFFFFFFF  }
0xad: {  	[dreg:$0x0] =	wrdreg $0x60  }
0xae: {  	[dreg:$0x2] =	wrdreg s24  }
0xaf: {  	[dreg:$0x3] =	wrdreg $0xB6800  }
0xb0: {  	[dreg:$0x4] =	wrdreg $0x9  }
0xb1: {  	_ =	task.clear_ibuf [dreg:s6], $0x5FFFF;
	_ =	strace $0x90000049  }
0xb2: {  	s29 =	simm.s32 $0x9;
	_ =	strace $0x8000004B  }
0xb3: {  	_ =	swait.ge [sflag:s29], $0x1  }
0xb4: {  	[sflag:s29] =	ssyncadd.s32 $0xFFFFFFFF  }
0xb5: {  	_ =	strace $0x9000004B  }
0xb6: {  	_ =	sfence  }
0xb7: {  	s30 =	sld [smem:$0x0];
	_ =	sdelay $0x2  }
0xb8: {  	s31 =	sshll.u32 s1, $0xD;
	s1 =	sshrl.u32 s1, $0x2  }
0xb9: {  	s3 =	sand.u32 $0x4000, s31;
	s1 =	sadd.s32 s1, s30  }
0xba: {  	s0 =	sor.u32 s3, s0;
	s1 =	sshll.u32 s1, $0x11  }
0xbb: {  	s0 =	sor.u32 s1, s0  }
0xbc: {  	s0 =	sadd.s32 $0x8F2B, s0  }
0xbd: {  	[sflag:s0] =	ssyncadd.remote.s32 $0x1  }
0xbe: {  	_ =	sfence.sel $0xFFFF  }
0xbf: {  	[dreg:$0x0] =	wrdreg $0xFFFFFFFF;
	(pc) =	sbr.abs _section_cstart, $3  }
0xc0: {  	[dreg:$0x1] =	wrdreg $0xFFFFFFFF  }
0xc1: {  	_ =	task.clear_ibuf [dreg:s6], $0x2FFFF;
	_ =	strace $0x9FFFFFFF  }
0xc2: {  	(tm) =	ssettm $0x7FFFFFFF  }
0xc3: {  	_ =	shalt  }
tec
execute0_lowered:
.L_overlay_start_1:
0x0: {  	(tag) =	ssettag $0x1  }
0x1: {  	s5 =	rddreg [dreg:$0x0]  }
0x2: {  	s2 =	rddreg [dreg:$0x1];
	s1 =	stileid.u32  }
0x3: {  	s4 =	srdreg.scid;
	s3 =	simm.s32 $0x0;
	s18 =	simm.s32 $0x3580  }
0x4: {  	s19 =	simm.s32 $0x80;
	s20 =	simm.s32 $0x3680;
	s21 =	simm.s32 $0x3600  }
0x5: {  	s22 =	simm.s32 $0x7680;
	s23 =	simm.s32 $0x1;
	s24 =	simm.s32 $0x3  }
0x6: {  	s25 =	simm.s32 $0x2;
	s26 =	simm.s32 $0x4;
	s6 =	smul.u32 $0x13C00, s1  }
0x7: {  	s28 =	simm.s32 $0x0;
	s7 =	sand.u32 $0x1, s4;
	s9 =	smul.u32 $0x4F000, s1  }
0x8: {  	[smem:$0x7FF] =	sst s3;
	s10 =	sadd.s32 $0x85E00, s5;
	s11 =	smul.u32 $0x4F00, s1  }
0x9: {  	s15 =	sadd.s32 $0x4E00, s5;
	s4 =	sadd.s32 $0x36600, s5;
	s17 =	smul.u32 $0x9E0, s1  }
0xa: {  	s31 =	sshll.u32 s1, $0x6;
	s8 =	smul.u32 $0x13C000, s7;
	s29 =	ssub.s32 $0x2, s7  }
0xb: {  	_ =	strace $0x8000004A;
	p0 =	seq.s32 s7, $0x1;
	s30 =	sshrl.u32 s29, $0x1  }
0xc: {  	s9 =	sshrl.u32 s9, $0x2;
	s11 =	sshrl.u32 s11, $0x3;
	s8 =	sadd.s32 s6, s8  }
0xd: {  	s6 =	sshrl.u32 s6, $0x3;
	s14 =	ssub.s32 s29, s30;
	s16 =	sadd.s32 s9, s2  }
0xe: {  	s7 =	sadd.s32 s10, s11;
	s8 =	sshrl.u32 s8, $0x3;
	s6 =	sadd.s32 s6, s5  }
.Ltmp0:
0xf: {  	s14 =	smax.u32 s14, $0x1;
	s16 =	sshrl.u32 s16, $0x3;
	(pc) =	sbr.rel .LBB2_1-.Ltmp0, $4  }
0x10: {  	s13 =	sadd.s32 s8, s5;
	s5 =	sadd.s32 $0xEE00, s6;
	s8 =	sadd.s32 s15, s11  }
0x11: {  	s6 =	sor.u32 $0x1C05, s31;
	s11 =	sadd.s32 $0x6B0, s11;
	s9 =	sadd.s32 $0x10, s8  }
0x12: {  	s10 =	sadd.s32 s10, s11;
	s11 =	sadd.s32 s15, s11;
	s12 =	sadd.s32 $0x6C0, s8  }
0x13: {  	s13 =	sadd.s32 $0x8FC00, s13;
	s15 =	sadd.s32 s17, s15;
	s17 =	simm.s32 $0x5  }
.LBB2_7:
0x14: {  	[tilespmem:s21], [sflag:$0x4] =	stream.linear.gather [hbm4b:s31+s3], $0x80, $0x38;
	[tilespmem:$0x1F280] =	vst v63  }
.LBB2_8:
0x15: {  	_ =	swait.ge [sflag:s23], $0x4000  }
0x16: {  	[sflag:s23] =	ssyncset.done $0x0  }
0x17: {  	[sflag:s23] =	ssyncadd.s32 $0xFFFFC000  }
0x18: {  	_ =	swait.ge [sflag:s24], $0x80  }
0x19: {  	[sflag:s24] =	ssyncset.done $0x0  }
0x1a: {  	[sflag:s24] =	ssyncadd.s32 $0xFFFFFF80  }
0x1b: {  	[spmem:s2] =	stream.indirect.scatter.add.f32 [tilespmem:s20], [sflag:$0x5], $0x80, s18, s19, $0xb8;
	[tilespmem:$0x1F280] =	vst v63  }
0x1c: {  	_ =	swait.ge [sflag:s17], $0x4000  }
0x1d: {  	[sflag:s17] =	ssyncset.done $0x0  }
0x1e: {  	[sflag:s17] =	ssyncadd.s32 $0xFFFFC000  }
0x1f: {  	_ =	swait.ge [sflag:s26], $0x80  }
0x20: {  	s28 =	sadd.s32 $0x1, s28;
	[sflag:s26] =	ssyncset.done $0x0  }
0x21: {  	p1 =	sne.s32 s28, s14;
	[sflag:s26] =	ssyncadd.s32 $0xFFFFFF80  }
.Ltmp1:
0x22: {  	[bflag:$0x0] =	sbarrier.arrive $0xFFFF;
	(pc) =	sbr.rel @!p1 .LBB2_9-.Ltmp1, $4  }
0x23: {  	[hbm:s13], [sflag:s6] =	dma.local [spmem:s16], $0x2780  }
0x24: {  	_ =	swait.ge [sflag:s17], $0x2780  }
0x25: {  	[sflag:s17] =	ssyncset.done $0x0  }
0x26: {  	[sflag:s17] =	ssyncadd.s32 $0xFFFFD880  }
.LBB2_1:
0x27: {  	[spmem:s16], [sflag:s6] =	dma.local [hbm:s5], $0x2780  }
.Ltmp2:
0x28: {  	_ =	swait.ge [sflag:s17], $0x2780;
	(pc) =	sbr.rel @!p0 .LBB2_2-.Ltmp2, $3  }
0x29: {  	[sflag:s17] =	ssyncset.done $0x0  }
0x2a: {  	[sflag:s17] =	ssyncadd.s32 $0xFFFFD880  }
0x2b: {  	[bflag:$0x0] =	sbarrier.arrive $0xFFFF;
	_ =	sdelay $0x1  }
0x2c: {  	[tilespmem:s3], [sflag:$0x5] =	stream.linear.gather [hbm4b:s10+s3], $0x1980, $0x38;
	[tilespmem:$0x1F280] =	vst v63  }
0x2d: {  	_ =	swait.ge [sflag:s17], $0x1980  }
0x2e: {  	[sflag:s17] =	ssyncset.done $0x0  }
0x2f: {  	[sflag:s17] =	ssyncadd.s32 $0xFFFFE680  }
0x30: {  	[tilespmem:s18], [sflag:$0x3] =	stream.linear.gather [hbm4b:s11+s3], $0x80, $0x38;
	[tilespmem:$0x1F280] =	vst v63  }
0x31: {  	_ = 	snop  }
0x32: {  	[tilespmem:s20], [sflag:$0x1] =	stream.indirect.gather [hbm4b:s4+s19], $0x80, s3, s19, $0xb8;
	[tilespmem:$0x1F280] =	vst v63  }
0x33: {  	_ = 	snop  }
0x34: {  	[tilespmem:s21], [sflag:$0x4] =	stream.linear.gather [hbm4b:s12+s3], $0x80, $0x38;
	[tilespmem:$0x1F280] =	vst v63  }
0x35: {  	s0 =	simm.s32 $0x80  }
0x36: {  	[tilespmem:s22], [sflag:$0x2] =	stream.indirect.gather [hbm4b:s4+s19], $0x80, s0, s19, $0xb8;
	[tilespmem:$0x1F280] =	vst v63  }
0x37: {  	_ =	swait.ge [sflag:s23], $0x4000  }
0x38: {  	[sflag:s23] =	ssyncset.done $0x0  }
0x39: {  	[sflag:s23] =	ssyncadd.s32 $0xFFFFC000  }
0x3a: {  	_ =	swait.ge [sflag:s24], $0x80  }
0x3b: {  	[sflag:s24] =	ssyncset.done $0x0  }
0x3c: {  	[sflag:s24] =	ssyncadd.s32 $0xFFFFFF80  }
0x3d: {  	[spmem:s2] =	stream.indirect.scatter.add.f32 [tilespmem:s20], [sflag:$0x5], $0x80, s18, s19, $0xb8;
	[tilespmem:$0x1F280] =	vst v63  }
0x3e: {  	_ =	swait.ge [sflag:s17], $0x4000  }
0x3f: {  	s0 =	sadd.s32 $0xFFFFFCE0, s15;
	[sflag:s17] =	ssyncset.done $0x0  }
0x40: {  	s29 =	sadd.s32 $0x9F0, s0;
	[sflag:s17] =	ssyncadd.s32 $0xFFFFC000  }
0x41: {  	[tilespmem:s18], [sflag:$0x3] =	stream.linear.gather [hbm4b:s29+s3], $0x80, $0x38;
	[tilespmem:$0x1F280] =	vst v63  }
0x42: {  	s29 =	simm.s32 $0x100  }
0x43: {  	[tilespmem:s20], [sflag:$0x1] =	stream.indirect.gather [hbm4b:s4+s19], $0x80, s29, s19, $0xb8;
	[tilespmem:$0x1F280] =	vst v63  }
0x44: {  	_ =	swait.ge [sflag:s25], $0x4000  }
0x45: {  	[sflag:s25] =	ssyncset.done $0x0  }
0x46: {  	[sflag:s25] =	ssyncadd.s32 $0xFFFFC000  }
0x47: {  	_ =	swait.ge [sflag:s26], $0x80  }
0x48: {  	[sflag:s26] =	ssyncset.done $0x0  }
0x49: {  	[sflag:s26] =	ssyncadd.s32 $0xFFFFFF80  }
0x4a: {  	[spmem:s2] =	stream.indirect.scatter.add.f32 [tilespmem:s22], [sflag:$0x5], $0x80, s21, s19, $0xb8;
	[tilespmem:$0x1F280] =	vst v63  }
0x4b: {  	_ =	swait.ge [sflag:s17], $0x4000  }
0x4c: {  	s30 =	simm.s32 $0x200;
	[sflag:s17] =	ssyncset.done $0x0  }
0x4d: {  	s31 =	sadd.s32 $0xA00, s0;
	s29 =	simm.s32 $0xFFFFFD00;
	[sflag:s17] =	ssyncadd.s32 $0xFFFFC000  }
.LBB2_6:
0x4e: {  	[tilespmem:s21], [sflag:$0x4] =	stream.linear.gather [hbm4b:s31+s3], $0x80, $0x38;
	[tilespmem:$0x1F280] =	vst v63  }
0x4f: {  	s0 =	smov.u32 s29  }
0x50: {  	s31 =	sadd.s32 $0xFFFFFF80, s30;
	p1 =	sne.s32 s29, $0xFFFFFFE0;
	s29 =	sadd.s32 $0x20, s29  }
0x51: {  	[tilespmem:s22], [sflag:$0x2] =	stream.indirect.gather [hbm4b:s4+s19], $0x80, s31, s19, $0xb8;
	[tilespmem:$0x1F280] =	vst v63  }
0x52: {  	_ =	swait.ge [sflag:s23], $0x4000  }
0x53: {  	[sflag:s23] =	ssyncset.done $0x0  }
0x54: {  	[sflag:s23] =	ssyncadd.s32 $0xFFFFC000  }
0x55: {  	_ =	swait.ge [sflag:s24], $0x80  }
0x56: {  	[sflag:s24] =	ssyncset.done $0x0  }
0x57: {  	[sflag:s24] =	ssyncadd.s32 $0xFFFFFF80  }
0x58: {  	[spmem:s2] =	stream.indirect.scatter.add.f32 [tilespmem:s20], [sflag:$0x5], $0x80, s18, s19, $0xb8;
	[tilespmem:$0x1F280] =	vst v63  }
0x59: {  	_ =	swait.ge [sflag:s17], $0x4000  }
0x5a: {  	s0 =	sadd.s32 s0, s15;
	[sflag:s17] =	ssyncset.done $0x0  }
0x5b: {  	s31 =	sadd.s32 $0x9F0, s0;
	[sflag:s17] =	ssyncadd.s32 $0xFFFFC000  }
0x5c: {  	[tilespmem:s18], [sflag:$0x3] =	stream.linear.gather [hbm4b:s31+s3], $0x80, $0x38;
	[tilespmem:$0x1F280] =	vst v63  }
0x5d: {  	_ = 	snop  }
0x5e: {  	[tilespmem:s20], [sflag:$0x1] =	stream.indirect.gather [hbm4b:s4+s19], $0x80, s30, s19, $0xb8;
	[tilespmem:$0x1F280] =	vst v63  }
0x5f: {  	_ =	swait.ge [sflag:s25], $0x4000  }
0x60: {  	[sflag:s25] =	ssyncset.done $0x0  }
0x61: {  	[sflag:s25] =	ssyncadd.s32 $0xFFFFC000  }
0x62: {  	_ =	swait.ge [sflag:s26], $0x80  }
0x63: {  	[sflag:s26] =	ssyncset.done $0x0  }
.Ltmp3:
0x64: {  	[sflag:s26] =	ssyncadd.s32 $0xFFFFFF80;
	(pc) =	sbr.rel @p1 .LBB2_6-.Ltmp3, $4  }
0x65: {  	[spmem:s2] =	stream.indirect.scatter.add.f32 [tilespmem:s22], [sflag:$0x5], $0x80, s21, s19, $0xb8;
	[tilespmem:$0x1F280] =	vst v63  }
0x66: {  	_ =	swait.ge [sflag:s17], $0x4000  }
0x67: {  	[sflag:s17] =	ssyncset.done $0x0  }
0x68: {  	s31 =	sadd.s32 $0xA00, s0;
	s30 =	sadd.s32 $0x100, s30;
	[sflag:s17] =	ssyncadd.s32 $0xFFFFC000  }
.Ltmp4:
0x69: {  	_ = 	snop;
	(pc) =	sbr.rel .LBB2_7-.Ltmp4, $1  }
0x6a: {  	_ =	sdelay $0x3  }
.LBB2_2:
0x6b: {  	[tilespmem:s3], [sflag:$0x5] =	stream.linear.gather [hbm4b:s7+s3], $0x3580, $0x38;
	[tilespmem:$0x1F280] =	vst v63  }
0x6c: {  	_ =	swait.ge [sflag:s17], $0x3580  }
0x6d: {  	[sflag:s17] =	ssyncset.done $0x0  }
0x6e: {  	[sflag:s17] =	ssyncadd.s32 $0xFFFFCA80  }
0x6f: {  	[tilespmem:s18], [sflag:$0x3] =	stream.linear.gather [hbm4b:s8+s3], $0x80, $0x38;
	[tilespmem:$0x1F280] =	vst v63  }
0x70: {  	_ = 	snop  }
0x71: {  	[tilespmem:s20], [sflag:$0x1] =	stream.indirect.gather [hbm4b:s4+s19], $0x80, s3, s19, $0xb8;
	[tilespmem:$0x1F280] =	vst v63  }
0x72: {  	_ = 	snop  }
0x73: {  	[tilespmem:s21], [sflag:$0x4] =	stream.linear.gather [hbm4b:s9+s3], $0x80, $0x38;
	[tilespmem:$0x1F280] =	vst v63  }
0x74: {  	s29 =	simm.s32 $0x80  }
0x75: {  	[tilespmem:s22], [sflag:$0x2] =	stream.indirect.gather [hbm4b:s4+s19], $0x80, s29, s19, $0xb8;
	[tilespmem:$0x1F280] =	vst v63  }
0x76: {  	_ =	swait.ge [sflag:s23], $0x4000  }
0x77: {  	[sflag:s23] =	ssyncset.done $0x0  }
0x78: {  	[sflag:s23] =	ssyncadd.s32 $0xFFFFC000  }
0x79: {  	_ =	swait.ge [sflag:s24], $0x80  }
0x7a: {  	[sflag:s24] =	ssyncset.done $0x0  }
0x7b: {  	[sflag:s24] =	ssyncadd.s32 $0xFFFFFF80  }
0x7c: {  	[spmem:s2] =	stream.indirect.scatter.add.f32 [tilespmem:s20], [sflag:$0x5], $0x80, s18, s19, $0xb8;
	[tilespmem:$0x1F280] =	vst v63  }
0x7d: {  	_ =	swait.ge [sflag:s17], $0x4000  }
0x7e: {  	s30 =	sadd.s32 $0xFFFFF960, s15;
	[sflag:s17] =	ssyncset.done $0x0  }
0x7f: {  	s29 =	sadd.s32 $0x6C0, s30;
	[sflag:s17] =	ssyncadd.s32 $0xFFFFC000  }
0x80: {  	[tilespmem:s18], [sflag:$0x3] =	stream.linear.gather [hbm4b:s29+s3], $0x80, $0x38;
	[tilespmem:$0x1F280] =	vst v63  }
0x81: {  	s29 =	simm.s32 $0x100  }
0x82: {  	[tilespmem:s20], [sflag:$0x1] =	stream.indirect.gather [hbm4b:s4+s19], $0x80, s29, s19, $0xb8;
	[tilespmem:$0x1F280] =	vst v63  }
0x83: {  	_ =	swait.ge [sflag:s25], $0x4000  }
0x84: {  	[sflag:s25] =	ssyncset.done $0x0  }
0x85: {  	[sflag:s25] =	ssyncadd.s32 $0xFFFFC000  }
0x86: {  	_ =	swait.ge [sflag:s26], $0x80  }
0x87: {  	[sflag:s26] =	ssyncset.done $0x0  }
0x88: {  	[sflag:s26] =	ssyncadd.s32 $0xFFFFFF80  }
0x89: {  	[spmem:s2] =	stream.indirect.scatter.add.f32 [tilespmem:s22], [sflag:$0x5], $0x80, s21, s19, $0xb8;
	[tilespmem:$0x1F280] =	vst v63  }
0x8a: {  	_ =	swait.ge [sflag:s17], $0x4000  }
0x8b: {  	s31 =	sadd.s32 $0x6D0, s30;
	[sflag:s17] =	ssyncset.done $0x0  }
0x8c: {  	s30 =	simm.s32 $0x200;
	s29 =	simm.s32 $0xFFFFF980;
	[sflag:s17] =	ssyncadd.s32 $0xFFFFC000  }
.LBB2_3:
0x8d: {  	[tilespmem:s21], [sflag:$0x4] =	stream.linear.gather [hbm4b:s31+s3], $0x80, $0x38;
	[tilespmem:$0x1F280] =	vst v63  }
0x8e: {  	s31 =	smov.u32 s29  }
0x8f: {  	s0 =	sadd.s32 $0xFFFFFF80, s30;
	p1 =	seq.s32 s29, $0xFFFFFFE0;
	s29 =	sadd.s32 $0x20, s29  }
0x90: {  	[tilespmem:s22], [sflag:$0x2] =	stream.indirect.gather [hbm4b:s4+s19], $0x80, s0, s19, $0xb8;
	[tilespmem:$0x1F280] =	vst v63  }
0x91: {  	_ =	swait.ge [sflag:s23], $0x4000  }
0x92: {  	[sflag:s23] =	ssyncset.done $0x0  }
0x93: {  	[sflag:s23] =	ssyncadd.s32 $0xFFFFC000  }
0x94: {  	_ =	swait.ge [sflag:s24], $0x80  }
0x95: {  	[sflag:s24] =	ssyncset.done $0x0  }
0x96: {  	[sflag:s24] =	ssyncadd.s32 $0xFFFFFF80  }
0x97: {  	[spmem:s2] =	stream.indirect.scatter.add.f32 [tilespmem:s20], [sflag:$0x5], $0x80, s18, s19, $0xb8;
	[tilespmem:$0x1F280] =	vst v63  }
0x98: {  	_ =	swait.ge [sflag:s17], $0x4000  }
0x99: {  	s0 =	sadd.s32 s31, s15;
	[sflag:s17] =	ssyncset.done $0x0  }
0x9a: {  	s31 =	sadd.s32 $0x6C0, s0;
	[sflag:s17] =	ssyncadd.s32 $0xFFFFC000  }
0x9b: {  	[tilespmem:s18], [sflag:$0x3] =	stream.linear.gather [hbm4b:s31+s3], $0x80, $0x38;
	[tilespmem:$0x1F280] =	vst v63  }
0x9c: {  	_ = 	snop  }
0x9d: {  	[tilespmem:s20], [sflag:$0x1] =	stream.indirect.gather [hbm4b:s4+s19], $0x80, s30, s19, $0xb8;
	[tilespmem:$0x1F280] =	vst v63  }
0x9e: {  	_ =	swait.ge [sflag:s25], $0x4000  }
0x9f: {  	[sflag:s25] =	ssyncset.done $0x0  }
0xa0: {  	[sflag:s25] =	ssyncadd.s32 $0xFFFFC000  }
0xa1: {  	_ =	swait.ge [sflag:s26], $0x80  }
0xa2: {  	[sflag:s26] =	ssyncset.done $0x0  }
.Ltmp5:
0xa3: {  	[sflag:s26] =	ssyncadd.s32 $0xFFFFFF80;
	(pc) =	sbr.rel @!p1 .LBB2_3-.Ltmp5, $4  }
0xa4: {  	[spmem:s2] =	stream.indirect.scatter.add.f32 [tilespmem:s22], [sflag:$0x5], $0x80, s21, s19, $0xb8;
	[tilespmem:$0x1F280] =	vst v63  }
0xa5: {  	_ =	swait.ge [sflag:s17], $0x4000  }
0xa6: {  	[sflag:s17] =	ssyncset.done $0x0  }
0xa7: {  	s31 =	sadd.s32 $0x6D0, s0;
	s30 =	sadd.s32 $0x100, s30;
	[sflag:s17] =	ssyncadd.s32 $0xFFFFC000  }
.Ltmp6:
0xa8: {  	(pc) =	sbr.rel .LBB2_8-.Ltmp6, $2  }
0xa9: {  	_ =	sdelay $0x2  }
0xaa: {  	[tilespmem:s21], [sflag:$0x4] =	stream.linear.gather [hbm4b:s31+s3], $0x80, $0x38;
	[tilespmem:$0x1F280] =	vst v63  }
.LBB2_9:
0xab: {  	_ =	sfence.sel $0x180000  }
0xac: {  	[bflag:$0x0] =	sbarrier.arrive $0xFFFF  }
0xad: {  	_ =	strace $0x9000004A  }
0xae: {  	[bflag:$0x2] =	sbarrier.arrive $0xFFFF  }
0xaf: {  	p0 =	sne.s32 s1, $0x0;
	s0 =	rddreg [dreg:$0x2]  }
0xb0: {  	s0 =	sadd.s32 @!p0 $0x100000, s0  }
0xb1: {  	[sflag:s0] =	ssyncadd.tile.s32 @!p0 $0x1;
	_ =	shalt  }
.Lfunc_end2:
_tile_overlayer_lowered:
.L_overlay_start_2:
0xb2: {  	(tag) =	ssettag $0x2  }
0xb3: {  	s0 =	rddreg [dreg:$0x0];
	s2 =	stileid.u32  }
0xb4: {  	s1 =	rddreg [dreg:$0x1];
	p0 =	sne.s32 s2, $0x0  }
0xb5: {  	s3 =	rddreg [dreg:$0x2];
	[bflag:$0x3] =	sbarrier.arrive $0xFFFF;
	s2 =	simm.s32 @!p0 $0x1C05  }
0xb6: {  	[timem:s3], [sflag:s2] =	dma.local @!p0 [hbm:s0], s1  }
0xb7: {  	s0 =	simm.s32 @!p0 $0x5  }
0xb8: {  	_ =	swait.ge @!p0 [sflag:s0], s1  }
0xb9: {  	s1 =	ssub.s32 @!p0 $0x0, s1;
	[sflag:s0] =	ssyncset.done @!p0 $0x0  }
0xba: {  	[sflag:s0] =	ssyncadd.s32 @!p0 s1  }
0xbb: {  	[bflag:$0x3] =	sbarrier.arrive $0xFFFF  }
0xbc: {  	_ =	shalt  }

// kernel: kernel.17.cloned.1.call-start
scs
__scs_entry_jumppad:
0x0: {  	(pc) =	sbr.rel $0x88, $3  }
0x1: {  	(tag) =	ssettag $0x0;
	lr =	simm.s32 $0x1  }
0x2: {  	[smem:$0x3F8A] =	sst lr;
	_ =	strace $0xD0000000  }
0x3: {  	_ = 	snop  }
0x4: {  	_ = 	snop  }
0x5: {  	_ = 	snop  }
0x6: {  	_ = 	snop  }
0x7: {  	_ = 	snop  }
__scs_overlays_trampoline_lowered:
0x8: {  	[smem:$0x3F99] =	sst s0  }
0x9: {  	[smem:$0x3F9A] =	sst s1  }
0xa: {  	[smem:$0x3F9B] =	sst s2  }
0xb: {  	[smem:$0x3F9C] =	sst s3  }
0xc: {  	[smem:$0x3F9D] =	sst s4  }
0xd: {  	[smem:$0x3F9E] =	sst s5  }
0xe: {  	[smem:$0x3F9F] =	sst s6  }
0xf: {  	[smem:$0x3FA0] =	sst s7  }
0x10: {  	[smem:$0x3FA1] =	sst s8  }
0x11: {  	[smem:$0x3FA2] =	sst s9;
	s0 =	simm.s32 @!p0 $0x0  }
0x12: {  	s1 =	sld [smem:$0x3F88];
	s0 =	simm.s32 @p0 $0x1  }
0x13: {  	[smem:$0x3FA3] =	sst s0;
	s0 =	simm.s32 @!p1 $0x0  }
0x14: {  	s2 =	sld [smem:$0x3F87];
	s0 =	simm.s32 @p1 $0x1  }
0x15: {  	[smem:$0x3FA4] =	sst s0;
	s0 =	simm.s32 @!p2 $0x0  }
0x16: {  	s3 =	sld [smem:$0x3FDB];
	s0 =	simm.s32 @p2 $0x1  }
0x17: {  	s4 =	simm.s32 $0x1BF5;
	[smem:$0x3FA6] =	sst s0  }
0x18: {  	s0 =	sld [smem:$0x3F89];
	_ =	swait.ge [sflag:s4], $0x0  }
0x19: {  	s7 =	sld [smem:$0x3F8A]  }
0x1a: {  	s8 =	sadd.s32 $0xFFFFE003, lr  }
0x1b: {  	s9 =	sadd.s32 $0xFFFFFEF7, lr;
	s5 =	simm.s32 $0xFFFFFFFF;
	p2 =	slt.u32 s8, $0xFFFFF086  }
0x1c: {  	p1 =	slt.u32 s9, $0xF7A;
	s5 =	simm.s32 @!p2 $0x0  }
0x1d: {  	s5 =	simm.s32 @p1 $0x1;
	p0 =	seq.s32 s7, s2  }
0x1e: {  	s7 =	smul.u32 @!p0 $0xF7A, s2;
	p2 =	seq.s32 @!p0 s5, $0x0  }
0x1f: {  	s9 =	smul.u32 $0xF7A, s1;
	s8 =	simm.s32 @!p0 $0x1BF5;
	p2 =	por !p2, p0  }
0x20: {  	[sflag:s8] =	ssyncset.s32 @!p0 $0xFFFFF086;
	s6 =	sadd.s32 @!p0 s3, s7;
	s7 =	simm.s32 @!p0 $0x108  }
0x21: {  	s3 =	sadd.s32 s3, s9;
	s6 =	sadd.s32 @!p0 $0x88, s6;
	s7 =	simm.s32 @p2 $0x1082  }
0x22: {  	[simem:s7], [sflag:s8] =	dma.local @!p0 [hbm:s6], $0xF7A  }
0x23: {  	s9 =	sor.u32 $0xD0000000, s2;
	s6 =	simm.s32 $0x108;
	_ =	swait.ge @!p0 [sflag:s8], $0x0  }
0x24: {  	s3 =	sadd.s32 $0x88, s3;
	s6 =	simm.s32 @!p1 $0x1082;
	[sflag:s4] =	ssyncset.s32 $0xFFFFF086  }
0x25: {  	[simem:s6], [sflag:s4] =	dma.local [hbm:s3], $0xF7A  }
0x26: {  	[smem:$0x3F8A] =	sst s1;
	(tag) =	ssettag s2;
	_ =	strace s9  }
0x27: {  	s1 =	sld [smem:$0x3F9A]  }
0x28: {  	s2 =	sld [smem:$0x3F9B]  }
0x29: {  	s4 =	sld [smem:$0x3F9D]  }
0x2a: {  	p0 =	seq.s32 s5, $0x0;
	s5 =	sld [smem:$0x3F9E]  }
0x2b: {  	s6 =	sld [smem:$0x3F9F]  }
0x2c: {  	s7 =	sld [smem:$0x3FA0]  }
0x2d: {  	s3 =	simm.s32 $0x108;
	s8 =	sld [smem:$0x3FA1]  }
0x2e: {  	s3 =	simm.s32 @!p0 $0x1082;
	s9 =	sld [smem:$0x3FA2]  }
0x2f: {  	lr =	sadd.s32 s0, s3;
	s0 =	sld [smem:$0x3F99]  }
0x30: {  	s3 =	sld [smem:$0x3F9C]  }
0x31: {  	[smem:$0x3FA5] =	sst s10  }
0x32: {  	s10 =	sld [smem:$0x3FA3];
	_ =	sdelay $0x3  }
0x33: {  	p0 =	seq.s32 s10, $0x1;
	s10 =	sld [smem:$0x3FA5];
	_ =	sdelay $0x3  }
0x34: {  	[smem:$0x3FA5] =	sst s10  }
0x35: {  	s10 =	sld [smem:$0x3FA4];
	_ =	sdelay $0x3  }
0x36: {  	p1 =	seq.s32 s10, $0x1;
	s10 =	sld [smem:$0x3FA5];
	_ =	sdelay $0x3  }
0x37: {  	[smem:$0x3FA5] =	sst s10  }
0x38: {  	s10 =	sld [smem:$0x3FA6]  }
0x39: {  	_ = 	snop;
	(pc) =	sbr.ind lr, $3  }
0x3a: {  	_ = 	snop  }
0x3b: {  	_ = 	snop  }
0x3c: {  	p2 =	seq.s32 s10, $0x1;
	s10 =	sld [smem:$0x3FA5]  }
0x3d: {  	_ =	shalt  }
0x3e: {  	_ =	shalt  }
0x3f: {  	_ =	shalt  }
0x40: {  	_ =	shalt  }
0x41: {  	_ =	shalt  }
0x42: {  	_ =	shalt  }
0x43: {  	_ =	shalt  }
0x44: {  	_ =	shalt  }
0x45: {  	_ =	shalt  }
0x46: {  	_ =	shalt  }
0x47: {  	_ =	shalt  }
0x48: {  	_ =	shalt  }
0x49: {  	_ =	shalt  }
0x4a: {  	_ =	shalt  }
0x4b: {  	_ =	shalt  }
0x4c: {  	_ =	shalt  }
0x4d: {  	_ =	shalt  }
0x4e: {  	_ =	shalt  }
0x4f: {  	_ =	shalt  }
0x50: {  	_ =	shalt  }
0x51: {  	_ =	shalt  }
0x52: {  	_ =	shalt  }
0x53: {  	_ =	shalt  }
0x54: {  	_ =	shalt  }
0x55: {  	_ =	shalt  }
0x56: {  	_ =	shalt  }
0x57: {  	_ =	shalt  }
0x58: {  	_ =	shalt  }
0x59: {  	_ =	shalt  }
0x5a: {  	_ =	shalt  }
0x5b: {  	_ =	shalt  }
0x5c: {  	_ =	shalt  }
0x5d: {  	_ =	shalt  }
0x5e: {  	_ =	shalt  }
0x5f: {  	_ =	shalt  }
0x60: {  	_ =	shalt  }
0x61: {  	_ =	shalt  }
0x62: {  	_ =	shalt  }
0x63: {  	_ =	shalt  }
0x64: {  	_ =	shalt  }
0x65: {  	_ =	shalt  }
0x66: {  	_ =	shalt  }
0x67: {  	_ =	shalt  }
0x68: {  	_ =	shalt  }
0x69: {  	_ =	shalt  }
0x6a: {  	_ =	shalt  }
0x6b: {  	_ =	shalt  }
0x6c: {  	_ =	shalt  }
0x6d: {  	_ =	shalt  }
0x6e: {  	_ =	shalt  }
0x6f: {  	_ =	shalt  }
0x70: {  	_ =	shalt  }
0x71: {  	_ =	shalt  }
0x72: {  	_ =	shalt  }
0x73: {  	_ =	shalt  }
0x74: {  	_ =	shalt  }
0x75: {  	_ =	shalt  }
0x76: {  	_ =	shalt  }
0x77: {  	_ =	shalt  }
0x78: {  	_ =	shalt  }
0x79: {  	_ =	shalt  }
0x7a: {  	_ =	shalt  }
0x7b: {  	_ =	shalt  }
0x7c: {  	_ =	shalt  }
0x7d: {  	_ =	shalt  }
0x7e: {  	_ =	shalt  }
0x7f: {  	_ =	shalt  }
0x80: {  	_ =	shalt  }
0x81: {  	_ =	shalt  }
0x82: {  	_ =	shalt  }
0x83: {  	_ =	shalt  }
0x84: {  	_ =	shalt  }
0x85: {  	_ =	shalt  }
0x86: {  	_ =	shalt  }
0x87: {  	_ =	shalt  }
.Lfunc_end0:
.L_simem_size_0:
called_computation.2_lowered:
.L_overlay_start_0:
0x88: {  	s2 =	sld [smem:$0x3FD9]  }
0x89: {  	s3 =	sld [smem:$0x3FFE];
	_ =	sdelay $0x1  }
0x8a: {  	s1 =	srdreg.scid  }
0x8b: {  	s0 =	sand.u32 $0x1, s1  }
0x8c: {  	s16 =	sshll.u32 s0, $0xA;
	s2 =	sadd.s32 s3, s2  }
0x8d: {  	s2 =	sadd.s32 s2, s16  }
0x8e: {  	[smem:$0x3FB1] =	sst s2  }
0x8f: {  	_ = 	snop  }
0x90: {  	(tm) =	ssettm $0x1  }
0x91: {  	s17 =	sld [smem:$0x3FFB];
	_ =	sdelay $0x3  }
0x92: {  	_ =	strace s17  }
0x93: {  	s2 =	sld [smem:$0x3FFC];
	_ =	sdelay $0x3  }
0x94: {  	_ =	strace s2  }
0x95: {  	s2 =	sld [smem:$0x3FFD];
	_ =	sdelay $0x3  }
0x96: {  	_ =	strace s2  }
0x97: {  	_ =	strace $0x8FFFFFFF  }
0x98: {  	s18 =	sld [smem:$0x3FDB];
	_ =	sdelay $0x1  }
0x99: {  	s19 =	simm.s32 $_scs_section_size  }
0x9a: {  	s4 =	simm.s32 $_size__tile_overlayer_lowered;
	s5 =	simm.s32 $_tile_overlayer_lowered  }
0x9b: {  	s22 =	simm.s32 $0x1BFF;
	s21 =	sshll.u32 s5, $0x1;
	s2 =	sadd.s32 s19, s18  }
0x9c: {  	s6 =	simm.s32 $0x0;
	s20 =	sshll.u32 s4, $0x1;
	s4 =	sadd.s32 s21, s2  }
0x9d: {  	[timem:s6], [sflag:s22] =	dma.local [hbm:s4], s20  }
0x9e: {  	_ =	swait.ge [sflag:s22], s20  }
0x9f: {  	s3 =	ssub.s32 $0x0, s20;
	[sflag:s22] =	ssyncset.done $0x0  }
0xa0: {  	[sflag:s22] =	ssyncadd.s32 s3;
	_ =	sdelay $0x1  }
0xa1: {  	s23 =	simm.s32 $0x1B8B  }
0xa2: {  	_ =	swait.ge [sflag:s23], $0x1  }
0xa3: {  	[sflag:s23] =	ssyncset.done $0x0  }
0xa4: {  	s25 =	simm.s32 $0x1B8E;
	s24 =	sld [smem:$0x3FFE];
	[sflag:s23] =	ssyncadd.s32 $0xFFFFFFFF  }
0xa5: {  	s26 =	simm.s32 $execute0_lowered;
	[smem:$0x3FD2] =	sst s25  }
0xa6: {  	s4 =	sshll.u32 s26, $0x1;
	_ =	strace $0x8000004C;
	[dreg:$0x1] =	wrdreg $0xFFFFFFFF  }
0xa7: {  	s28 =	simm.s32 $_size_execute0_lowered;
	s2 =	sadd.s32 s2, s4;
	[dreg:$0x0] =	wrdreg $0x0  }
0xa8: {  	s4 =	sshll.u32 s28, $0x1;
	[dreg:$0x2] =	wrdreg s2  }
0xa9: {  	[dreg:$0x3] =	wrdreg s4  }
0xaa: {  	[dreg:$0x4] =	wrdreg $0xC0  }
0xab: {  	_ =	task [dreg:s6], $0x5FFFF  }
0xac: {  	[dreg:$0x1] =	wrdreg $0xFFFFFFFF  }
0xad: {  	[dreg:$0x0] =	wrdreg $0x60  }
0xae: {  	[dreg:$0x2] =	wrdreg s24  }
0xaf: {  	[dreg:$0x3] =	wrdreg $0xB6800  }
0xb0: {  	[dreg:$0x4] =	wrdreg $0x9  }
0xb1: {  	_ =	task.clear_ibuf [dreg:s6], $0x5FFFF;
	_ =	strace $0x9000004C  }
0xb2: {  	s29 =	simm.s32 $0x9;
	_ =	strace $0x8000004E  }
0xb3: {  	_ =	swait.ge [sflag:s29], $0x1  }
0xb4: {  	[sflag:s29] =	ssyncadd.s32 $0xFFFFFFFF  }
0xb5: {  	_ =	strace $0x9000004E  }
0xb6: {  	_ =	sfence  }
0xb7: {  	s30 =	sld [smem:$0x0];
	_ =	sdelay $0x2  }
0xb8: {  	s31 =	sshll.u32 s1, $0xD;
	s1 =	sshrl.u32 s1, $0x2  }
0xb9: {  	s3 =	sand.u32 $0x4000, s31;
	s1 =	sadd.s32 s1, s30  }
0xba: {  	s0 =	sor.u32 s3, s0;
	s1 =	sshll.u32 s1, $0x11  }
0xbb: {  	s0 =	sor.u32 s1, s0  }
0xbc: {  	s0 =	sadd.s32 $0x8F2B, s0  }
0xbd: {  	[sflag:s0] =	ssyncadd.remote.s32 $0x1  }
0xbe: {  	_ =	sfence.sel $0xFFFF  }
0xbf: {  	[dreg:$0x0] =	wrdreg $0xFFFFFFFF;
	(pc) =	sbr.abs _section_cstart, $3  }
0xc0: {  	[dreg:$0x1] =	wrdreg $0xFFFFFFFF  }
0xc1: {  	_ =	task.clear_ibuf [dreg:s6], $0x2FFFF;
	_ =	strace $0x9FFFFFFF  }
0xc2: {  	(tm) =	ssettm $0x7FFFFFFF  }
0xc3: {  	_ =	shalt  }
tec
execute0_lowered:
.L_overlay_start_1:
0x0: {  	(tag) =	ssettag $0x1  }
0x1: {  	s5 =	rddreg [dreg:$0x0]  }
0x2: {  	s2 =	rddreg [dreg:$0x1];
	s1 =	stileid.u32  }
0x3: {  	s4 =	srdreg.scid;
	s3 =	simm.s32 $0x0;
	s18 =	simm.s32 $0x3580  }
0x4: {  	s19 =	simm.s32 $0x80;
	s20 =	simm.s32 $0x3680;
	s21 =	simm.s32 $0x3600  }
0x5: {  	s22 =	simm.s32 $0x7680;
	s23 =	simm.s32 $0x1;
	s24 =	simm.s32 $0x3  }
0x6: {  	s25 =	simm.s32 $0x2;
	s26 =	simm.s32 $0x4;
	s6 =	smul.u32 $0x13C00, s1  }
0x7: {  	s28 =	simm.s32 $0x0;
	s7 =	sand.u32 $0x1, s4;
	s9 =	smul.u32 $0x4F000, s1  }
0x8: {  	[smem:$0x7FF] =	sst s3;
	s10 =	sadd.s32 $0x85E00, s5;
	s11 =	smul.u32 $0x4F00, s1  }
0x9: {  	s15 =	sadd.s32 $0x4E00, s5;
	s4 =	sadd.s32 $0x36600, s5;
	s17 =	smul.u32 $0x9E0, s1  }
0xa: {  	s31 =	sshll.u32 s1, $0x6;
	s8 =	smul.u32 $0x13C000, s7;
	s29 =	ssub.s32 $0x2, s7  }
0xb: {  	_ =	strace $0x8000004D;
	p0 =	seq.s32 s7, $0x1;
	s30 =	sshrl.u32 s29, $0x1  }
0xc: {  	s9 =	sshrl.u32 s9, $0x2;
	s11 =	sshrl.u32 s11, $0x3;
	s8 =	sadd.s32 s6, s8  }
0xd: {  	s6 =	sshrl.u32 s6, $0x3;
	s14 =	ssub.s32 s29, s30;
	s16 =	sadd.s32 s9, s2  }
0xe: {  	s7 =	sadd.s32 s10, s11;
	s8 =	sshrl.u32 s8, $0x3;
	s6 =	sadd.s32 s6, s5  }
.Ltmp0:
0xf: {  	s14 =	smax.u32 s14, $0x1;
	s16 =	sshrl.u32 s16, $0x3;
	(pc) =	sbr.rel .LBB2_1-.Ltmp0, $4  }
0x10: {  	s13 =	sadd.s32 s8, s5;
	s5 =	sadd.s32 $0xEE00, s6;
	s8 =	sadd.s32 s15, s11  }
0x11: {  	s6 =	sor.u32 $0x1C05, s31;
	s11 =	sadd.s32 $0x6B0, s11;
	s9 =	sadd.s32 $0x10, s8  }
0x12: {  	s10 =	sadd.s32 s10, s11;
	s11 =	sadd.s32 s15, s11;
	s12 =	sadd.s32 $0x6C0, s8  }
0x13: {  	s13 =	sadd.s32 $0x8FC00, s13;
	s15 =	sadd.s32 s17, s15;
	s17 =	simm.s32 $0x5  }
.LBB2_7:
0x14: {  	[tilespmem:s21], [sflag:$0x4] =	stream.linear.gather [hbm4b:s31+s3], $0x80, $0x38;
	[tilespmem:$0x1F280] =	vst v63  }
.LBB2_8:
0x15: {  	_ =	swait.ge [sflag:s23], $0x4000  }
0x16: {  	[sflag:s23] =	ssyncset.done $0x0  }
0x17: {  	[sflag:s23] =	ssyncadd.s32 $0xFFFFC000  }
0x18: {  	_ =	swait.ge [sflag:s24], $0x80  }
0x19: {  	[sflag:s24] =	ssyncset.done $0x0  }
0x1a: {  	[sflag:s24] =	ssyncadd.s32 $0xFFFFFF80  }
0x1b: {  	[spmem:s2] =	stream.indirect.scatter.add.f32 [tilespmem:s20], [sflag:$0x5], $0x80, s18, s19, $0xb8;
	[tilespmem:$0x1F280] =	vst v63  }
0x1c: {  	_ =	swait.ge [sflag:s17], $0x4000  }
0x1d: {  	[sflag:s17] =	ssyncset.done $0x0  }
0x1e: {  	[sflag:s17] =	ssyncadd.s32 $0xFFFFC000  }
0x1f: {  	_ =	swait.ge [sflag:s26], $0x80  }
0x20: {  	s28 =	sadd.s32 $0x1, s28;
	[sflag:s26] =	ssyncset.done $0x0  }
0x21: {  	p1 =	sne.s32 s28, s14;
	[sflag:s26] =	ssyncadd.s32 $0xFFFFFF80  }
.Ltmp1:
0x22: {  	[bflag:$0x0] =	sbarrier.arrive $0xFFFF;
	(pc) =	sbr.rel @!p1 .LBB2_9-.Ltmp1, $4  }
0x23: {  	[hbm:s13], [sflag:s6] =	dma.local [spmem:s16], $0x2780  }
0x24: {  	_ =	swait.ge [sflag:s17], $0x2780  }
0x25: {  	[sflag:s17] =	ssyncset.done $0x0  }
0x26: {  	[sflag:s17] =	ssyncadd.s32 $0xFFFFD880  }
.LBB2_1:
0x27: {  	[spmem:s16], [sflag:s6] =	dma.local [hbm:s5], $0x2780  }
.Ltmp2:
0x28: {  	_ =	swait.ge [sflag:s17], $0x2780;
	(pc) =	sbr.rel @!p0 .LBB2_2-.Ltmp2, $3  }
0x29: {  	[sflag:s17] =	ssyncset.done $0x0  }
0x2a: {  	[sflag:s17] =	ssyncadd.s32 $0xFFFFD880  }
0x2b: {  	[bflag:$0x0] =	sbarrier.arrive $0xFFFF;
	_ =	sdelay $0x1  }
0x2c: {  	[tilespmem:s3], [sflag:$0x5] =	stream.linear.gather [hbm4b:s10+s3], $0x1980, $0x38;
	[tilespmem:$0x1F280] =	vst v63  }
0x2d: {  	_ =	swait.ge [sflag:s17], $0x1980  }
0x2e: {  	[sflag:s17] =	ssyncset.done $0x0  }
0x2f: {  	[sflag:s17] =	ssyncadd.s32 $0xFFFFE680  }
0x30: {  	[tilespmem:s18], [sflag:$0x3] =	stream.linear.gather [hbm4b:s11+s3], $0x80, $0x38;
	[tilespmem:$0x1F280] =	vst v63  }
0x31: {  	_ = 	snop  }
0x32: {  	[tilespmem:s20], [sflag:$0x1] =	stream.indirect.gather [hbm4b:s4+s19], $0x80, s3, s19, $0xb8;
	[tilespmem:$0x1F280] =	vst v63  }
0x33: {  	_ = 	snop  }
0x34: {  	[tilespmem:s21], [sflag:$0x4] =	stream.linear.gather [hbm4b:s12+s3], $0x80, $0x38;
	[tilespmem:$0x1F280] =	vst v63  }
0x35: {  	s0 =	simm.s32 $0x80  }
0x36: {  	[tilespmem:s22], [sflag:$0x2] =	stream.indirect.gather [hbm4b:s4+s19], $0x80, s0, s19, $0xb8;
	[tilespmem:$0x1F280] =	vst v63  }
0x37: {  	_ =	swait.ge [sflag:s23], $0x4000  }
0x38: {  	[sflag:s23] =	ssyncset.done $0x0  }
0x39: {  	[sflag:s23] =	ssyncadd.s32 $0xFFFFC000  }
0x3a: {  	_ =	swait.ge [sflag:s24], $0x80  }
0x3b: {  	[sflag:s24] =	ssyncset.done $0x0  }
0x3c: {  	[sflag:s24] =	ssyncadd.s32 $0xFFFFFF80  }
0x3d: {  	[spmem:s2] =	stream.indirect.scatter.add.f32 [tilespmem:s20], [sflag:$0x5], $0x80, s18, s19, $0xb8;
	[tilespmem:$0x1F280] =	vst v63  }
0x3e: {  	_ =	swait.ge [sflag:s17], $0x4000  }
0x3f: {  	s0 =	sadd.s32 $0xFFFFFCE0, s15;
	[sflag:s17] =	ssyncset.done $0x0  }
0x40: {  	s29 =	sadd.s32 $0x9F0, s0;
	[sflag:s17] =	ssyncadd.s32 $0xFFFFC000  }
0x41: {  	[tilespmem:s18], [sflag:$0x3] =	stream.linear.gather [hbm4b:s29+s3], $0x80, $0x38;
	[tilespmem:$0x1F280] =	vst v63  }
0x42: {  	s29 =	simm.s32 $0x100  }
0x43: {  	[tilespmem:s20], [sflag:$0x1] =	stream.indirect.gather [hbm4b:s4+s19], $0x80, s29, s19, $0xb8;
	[tilespmem:$0x1F280] =	vst v63  }
0x44: {  	_ =	swait.ge [sflag:s25], $0x4000  }
0x45: {  	[sflag:s25] =	ssyncset.done $0x0  }
0x46: {  	[sflag:s25] =	ssyncadd.s32 $0xFFFFC000  }
0x47: {  	_ =	swait.ge [sflag:s26], $0x80  }
0x48: {  	[sflag:s26] =	ssyncset.done $0x0  }
0x49: {  	[sflag:s26] =	ssyncadd.s32 $0xFFFFFF80  }
0x4a: {  	[spmem:s2] =	stream.indirect.scatter.add.f32 [tilespmem:s22], [sflag:$0x5], $0x80, s21, s19, $0xb8;
	[tilespmem:$0x1F280] =	vst v63  }
0x4b: {  	_ =	swait.ge [sflag:s17], $0x4000  }
0x4c: {  	s30 =	simm.s32 $0x200;
	[sflag:s17] =	ssyncset.done $0x0  }
0x4d: {  	s31 =	sadd.s32 $0xA00, s0;
	s29 =	simm.s32 $0xFFFFFD00;
	[sflag:s17] =	ssyncadd.s32 $0xFFFFC000  }
.LBB2_6:
0x4e: {  	[tilespmem:s21], [sflag:$0x4] =	stream.linear.gather [hbm4b:s31+s3], $0x80, $0x38;
	[tilespmem:$0x1F280] =	vst v63  }
0x4f: {  	s0 =	smov.u32 s29  }
0x50: {  	s31 =	sadd.s32 $0xFFFFFF80, s30;
	p1 =	sne.s32 s29, $0xFFFFFFE0;
	s29 =	sadd.s32 $0x20, s29  }
0x51: {  	[tilespmem:s22], [sflag:$0x2] =	stream.indirect.gather [hbm4b:s4+s19], $0x80, s31, s19, $0xb8;
	[tilespmem:$0x1F280] =	vst v63  }
0x52: {  	_ =	swait.ge [sflag:s23], $0x4000  }
0x53: {  	[sflag:s23] =	ssyncset.done $0x0  }
0x54: {  	[sflag:s23] =	ssyncadd.s32 $0xFFFFC000  }
0x55: {  	_ =	swait.ge [sflag:s24], $0x80  }
0x56: {  	[sflag:s24] =	ssyncset.done $0x0  }
0x57: {  	[sflag:s24] =	ssyncadd.s32 $0xFFFFFF80  }
0x58: {  	[spmem:s2] =	stream.indirect.scatter.add.f32 [tilespmem:s20], [sflag:$0x5], $0x80, s18, s19, $0xb8;
	[tilespmem:$0x1F280] =	vst v63  }
0x59: {  	_ =	swait.ge [sflag:s17], $0x4000  }
0x5a: {  	s0 =	sadd.s32 s0, s15;
	[sflag:s17] =	ssyncset.done $0x0  }
0x5b: {  	s31 =	sadd.s32 $0x9F0, s0;
	[sflag:s17] =	ssyncadd.s32 $0xFFFFC000  }
0x5c: {  	[tilespmem:s18], [sflag:$0x3] =	stream.linear.gather [hbm4b:s31+s3], $0x80, $0x38;
	[tilespmem:$0x1F280] =	vst v63  }
0x5d: {  	_ = 	snop  }
0x5e: {  	[tilespmem:s20], [sflag:$0x1] =	stream.indirect.gather [hbm4b:s4+s19], $0x80, s30, s19, $0xb8;
	[tilespmem:$0x1F280] =	vst v63  }
0x5f: {  	_ =	swait.ge [sflag:s25], $0x4000  }
0x60: {  	[sflag:s25] =	ssyncset.done $0x0  }
0x61: {  	[sflag:s25] =	ssyncadd.s32 $0xFFFFC000  }
0x62: {  	_ =	swait.ge [sflag:s26], $0x80  }
0x63: {  	[sflag:s26] =	ssyncset.done $0x0  }
.Ltmp3:
0x64: {  	[sflag:s26] =	ssyncadd.s32 $0xFFFFFF80;
	(pc) =	sbr.rel @p1 .LBB2_6-.Ltmp3, $4  }
0x65: {  	[spmem:s2] =	stream.indirect.scatter.add.f32 [tilespmem:s22], [sflag:$0x5], $0x80, s21, s19, $0xb8;
	[tilespmem:$0x1F280] =	vst v63  }
0x66: {  	_ =	swait.ge [sflag:s17], $0x4000  }
0x67: {  	[sflag:s17] =	ssyncset.done $0x0  }
0x68: {  	s31 =	sadd.s32 $0xA00, s0;
	s30 =	sadd.s32 $0x100, s30;
	[sflag:s17] =	ssyncadd.s32 $0xFFFFC000  }
.Ltmp4:
0x69: {  	_ = 	snop;
	(pc) =	sbr.rel .LBB2_7-.Ltmp4, $1  }
0x6a: {  	_ =	sdelay $0x3  }
.LBB2_2:
0x6b: {  	[tilespmem:s3], [sflag:$0x5] =	stream.linear.gather [hbm4b:s7+s3], $0x3580, $0x38;
	[tilespmem:$0x1F280] =	vst v63  }
0x6c: {  	_ =	swait.ge [sflag:s17], $0x3580  }
0x6d: {  	[sflag:s17] =	ssyncset.done $0x0  }
0x6e: {  	[sflag:s17] =	ssyncadd.s32 $0xFFFFCA80  }
0x6f: {  	[tilespmem:s18], [sflag:$0x3] =	stream.linear.gather [hbm4b:s8+s3], $0x80, $0x38;
	[tilespmem:$0x1F280] =	vst v63  }
0x70: {  	_ = 	snop  }
0x71: {  	[tilespmem:s20], [sflag:$0x1] =	stream.indirect.gather [hbm4b:s4+s19], $0x80, s3, s19, $0xb8;
	[tilespmem:$0x1F280] =	vst v63  }
0x72: {  	_ = 	snop  }
0x73: {  	[tilespmem:s21], [sflag:$0x4] =	stream.linear.gather [hbm4b:s9+s3], $0x80, $0x38;
	[tilespmem:$0x1F280] =	vst v63  }
0x74: {  	s29 =	simm.s32 $0x80  }
0x75: {  	[tilespmem:s22], [sflag:$0x2] =	stream.indirect.gather [hbm4b:s4+s19], $0x80, s29, s19, $0xb8;
	[tilespmem:$0x1F280] =	vst v63  }
0x76: {  	_ =	swait.ge [sflag:s23], $0x4000  }
0x77: {  	[sflag:s23] =	ssyncset.done $0x0  }
0x78: {  	[sflag:s23] =	ssyncadd.s32 $0xFFFFC000  }
0x79: {  	_ =	swait.ge [sflag:s24], $0x80  }
0x7a: {  	[sflag:s24] =	ssyncset.done $0x0  }
0x7b: {  	[sflag:s24] =	ssyncadd.s32 $0xFFFFFF80  }
0x7c: {  	[spmem:s2] =	stream.indirect.scatter.add.f32 [tilespmem:s20], [sflag:$0x5], $0x80, s18, s19, $0xb8;
	[tilespmem:$0x1F280] =	vst v63  }
0x7d: {  	_ =	swait.ge [sflag:s17], $0x4000  }
0x7e: {  	s30 =	sadd.s32 $0xFFFFF960, s15;
	[sflag:s17] =	ssyncset.done $0x0  }
0x7f: {  	s29 =	sadd.s32 $0x6C0, s30;
	[sflag:s17] =	ssyncadd.s32 $0xFFFFC000  }
0x80: {  	[tilespmem:s18], [sflag:$0x3] =	stream.linear.gather [hbm4b:s29+s3], $0x80, $0x38;
	[tilespmem:$0x1F280] =	vst v63  }
0x81: {  	s29 =	simm.s32 $0x100  }
0x82: {  	[tilespmem:s20], [sflag:$0x1] =	stream.indirect.gather [hbm4b:s4+s19], $0x80, s29, s19, $0xb8;
	[tilespmem:$0x1F280] =	vst v63  }
0x83: {  	_ =	swait.ge [sflag:s25], $0x4000  }
0x84: {  	[sflag:s25] =	ssyncset.done $0x0  }
0x85: {  	[sflag:s25] =	ssyncadd.s32 $0xFFFFC000  }
0x86: {  	_ =	swait.ge [sflag:s26], $0x80  }
0x87: {  	[sflag:s26] =	ssyncset.done $0x0  }
0x88: {  	[sflag:s26] =	ssyncadd.s32 $0xFFFFFF80  }
0x89: {  	[spmem:s2] =	stream.indirect.scatter.add.f32 [tilespmem:s22], [sflag:$0x5], $0x80, s21, s19, $0xb8;
	[tilespmem:$0x1F280] =	vst v63  }
0x8a: {  	_ =	swait.ge [sflag:s17], $0x4000  }
0x8b: {  	s31 =	sadd.s32 $0x6D0, s30;
	[sflag:s17] =	ssyncset.done $0x0  }
0x8c: {  	s30 =	simm.s32 $0x200;
	s29 =	simm.s32 $0xFFFFF980;
	[sflag:s17] =	ssyncadd.s32 $0xFFFFC000  }
.LBB2_3:
0x8d: {  	[tilespmem:s21], [sflag:$0x4] =	stream.linear.gather [hbm4b:s31+s3], $0x80, $0x38;
	[tilespmem:$0x1F280] =	vst v63  }
0x8e: {  	s31 =	smov.u32 s29  }
0x8f: {  	s0 =	sadd.s32 $0xFFFFFF80, s30;
	p1 =	seq.s32 s29, $0xFFFFFFE0;
	s29 =	sadd.s32 $0x20, s29  }
0x90: {  	[tilespmem:s22], [sflag:$0x2] =	stream.indirect.gather [hbm4b:s4+s19], $0x80, s0, s19, $0xb8;
	[tilespmem:$0x1F280] =	vst v63  }
0x91: {  	_ =	swait.ge [sflag:s23], $0x4000  }
0x92: {  	[sflag:s23] =	ssyncset.done $0x0  }
0x93: {  	[sflag:s23] =	ssyncadd.s32 $0xFFFFC000  }
0x94: {  	_ =	swait.ge [sflag:s24], $0x80  }
0x95: {  	[sflag:s24] =	ssyncset.done $0x0  }
0x96: {  	[sflag:s24] =	ssyncadd.s32 $0xFFFFFF80  }
0x97: {  	[spmem:s2] =	stream.indirect.scatter.add.f32 [tilespmem:s20], [sflag:$0x5], $0x80, s18, s19, $0xb8;
	[tilespmem:$0x1F280] =	vst v63  }
0x98: {  	_ =	swait.ge [sflag:s17], $0x4000  }
0x99: {  	s0 =	sadd.s32 s31, s15;
	[sflag:s17] =	ssyncset.done $0x0  }
0x9a: {  	s31 =	sadd.s32 $0x6C0, s0;
	[sflag:s17] =	ssyncadd.s32 $0xFFFFC000  }
0x9b: {  	[tilespmem:s18], [sflag:$0x3] =	stream.linear.gather [hbm4b:s31+s3], $0x80, $0x38;
	[tilespmem:$0x1F280] =	vst v63  }
0x9c: {  	_ = 	snop  }
0x9d: {  	[tilespmem:s20], [sflag:$0x1] =	stream.indirect.gather [hbm4b:s4+s19], $0x80, s30, s19, $0xb8;
	[tilespmem:$0x1F280] =	vst v63  }
0x9e: {  	_ =	swait.ge [sflag:s25], $0x4000  }
0x9f: {  	[sflag:s25] =	ssyncset.done $0x0  }
0xa0: {  	[sflag:s25] =	ssyncadd.s32 $0xFFFFC000  }
0xa1: {  	_ =	swait.ge [sflag:s26], $0x80  }
0xa2: {  	[sflag:s26] =	ssyncset.done $0x0  }
.Ltmp5:
0xa3: {  	[sflag:s26] =	ssyncadd.s32 $0xFFFFFF80;
	(pc) =	sbr.rel @!p1 .LBB2_3-.Ltmp5, $4  }
0xa4: {  	[spmem:s2] =	stream.indirect.scatter.add.f32 [tilespmem:s22], [sflag:$0x5], $0x80, s21, s19, $0xb8;
	[tilespmem:$0x1F280] =	vst v63  }
0xa5: {  	_ =	swait.ge [sflag:s17], $0x4000  }
0xa6: {  	[sflag:s17] =	ssyncset.done $0x0  }
0xa7: {  	s31 =	sadd.s32 $0x6D0, s0;
	s30 =	sadd.s32 $0x100, s30;
	[sflag:s17] =	ssyncadd.s32 $0xFFFFC000  }
.Ltmp6:
0xa8: {  	(pc) =	sbr.rel .LBB2_8-.Ltmp6, $2  }
0xa9: {  	_ =	sdelay $0x2  }
0xaa: {  	[tilespmem:s21], [sflag:$0x4] =	stream.linear.gather [hbm4b:s31+s3], $0x80, $0x38;
	[tilespmem:$0x1F280] =	vst v63  }
.LBB2_9:
0xab: {  	_ =	sfence.sel $0x180000  }
0xac: {  	[bflag:$0x0] =	sbarrier.arrive $0xFFFF  }
0xad: {  	_ =	strace $0x9000004D  }
0xae: {  	[bflag:$0x2] =	sbarrier.arrive $0xFFFF  }
0xaf: {  	p0 =	sne.s32 s1, $0x0;
	s0 =	rddreg [dreg:$0x2]  }
0xb0: {  	s0 =	sadd.s32 @!p0 $0x100000, s0  }
0xb1: {  	[sflag:s0] =	ssyncadd.tile.s32 @!p0 $0x1;
	_ =	shalt  }
.Lfunc_end2:
_tile_overlayer_lowered:
.L_overlay_start_2:
0xb2: {  	(tag) =	ssettag $0x2  }
0xb3: {  	s0 =	rddreg [dreg:$0x0];
	s2 =	stileid.u32  }
0xb4: {  	s1 =	rddreg [dreg:$0x1];
	p0 =	sne.s32 s2, $0x0  }
0xb5: {  	s3 =	rddreg [dreg:$0x2];
	[bflag:$0x3] =	sbarrier.arrive $0xFFFF;
	s2 =	simm.s32 @!p0 $0x1C05  }
0xb6: {  	[timem:s3], [sflag:s2] =	dma.local @!p0 [hbm:s0], s1  }
0xb7: {  	s0 =	simm.s32 @!p0 $0x5  }
0xb8: {  	_ =	swait.ge @!p0 [sflag:s0], s1  }
0xb9: {  	s1 =	ssub.s32 @!p0 $0x0, s1;
	[sflag:s0] =	ssyncset.done @!p0 $0x0  }
0xba: {  	[sflag:s0] =	ssyncadd.s32 @!p0 s1  }
0xbb: {  	[bflag:$0x3] =	sbarrier.arrive $0xFFFF  }
0xbc: {  	_ =	shalt  }

// kernel: kernel.20.cloned.1.call-start
scs
__scs_entry_jumppad:
0x0: {  	(pc) =	sbr.rel $0x88, $3  }
0x1: {  	(tag) =	ssettag $0x0;
	lr =	simm.s32 $0x1  }
0x2: {  	[smem:$0x3F8A] =	sst lr;
	_ =	strace $0xD0000000  }
0x3: {  	_ = 	snop  }
0x4: {  	_ = 	snop  }
0x5: {  	_ = 	snop  }
0x6: {  	_ = 	snop  }
0x7: {  	_ = 	snop  }
__scs_overlays_trampoline_lowered:
0x8: {  	[smem:$0x3F99] =	sst s0  }
0x9: {  	[smem:$0x3F9A] =	sst s1  }
0xa: {  	[smem:$0x3F9B] =	sst s2  }
0xb: {  	[smem:$0x3F9C] =	sst s3  }
0xc: {  	[smem:$0x3F9D] =	sst s4  }
0xd: {  	[smem:$0x3F9E] =	sst s5  }
0xe: {  	[smem:$0x3F9F] =	sst s6  }
0xf: {  	[smem:$0x3FA0] =	sst s7  }
0x10: {  	[smem:$0x3FA1] =	sst s8  }
0x11: {  	[smem:$0x3FA2] =	sst s9;
	s0 =	simm.s32 @!p0 $0x0  }
0x12: {  	s1 =	sld [smem:$0x3F88];
	s0 =	simm.s32 @p0 $0x1  }
0x13: {  	[smem:$0x3FA3] =	sst s0;
	s0 =	simm.s32 @!p1 $0x0  }
0x14: {  	s2 =	sld [smem:$0x3F87];
	s0 =	simm.s32 @p1 $0x1  }
0x15: {  	[smem:$0x3FA4] =	sst s0;
	s0 =	simm.s32 @!p2 $0x0  }
0x16: {  	s3 =	sld [smem:$0x3FDB];
	s0 =	simm.s32 @p2 $0x1  }
0x17: {  	s4 =	simm.s32 $0x1BF5;
	[smem:$0x3FA6] =	sst s0  }
0x18: {  	s0 =	sld [smem:$0x3F89];
	_ =	swait.ge [sflag:s4], $0x0  }
0x19: {  	s7 =	sld [smem:$0x3F8A]  }
0x1a: {  	s8 =	sadd.s32 $0xFFFFE003, lr  }
0x1b: {  	s9 =	sadd.s32 $0xFFFFFEF7, lr;
	s5 =	simm.s32 $0xFFFFFFFF;
	p2 =	slt.u32 s8, $0xFFFFF086  }
0x1c: {  	p1 =	slt.u32 s9, $0xF7A;
	s5 =	simm.s32 @!p2 $0x0  }
0x1d: {  	s5 =	simm.s32 @p1 $0x1;
	p0 =	seq.s32 s7, s2  }
0x1e: {  	s7 =	smul.u32 @!p0 $0xF7A, s2;
	p2 =	seq.s32 @!p0 s5, $0x0  }
0x1f: {  	s9 =	smul.u32 $0xF7A, s1;
	s8 =	simm.s32 @!p0 $0x1BF5;
	p2 =	por !p2, p0  }
0x20: {  	[sflag:s8] =	ssyncset.s32 @!p0 $0xFFFFF086;
	s6 =	sadd.s32 @!p0 s3, s7;
	s7 =	simm.s32 @!p0 $0x108  }
0x21: {  	s3 =	sadd.s32 s3, s9;
	s6 =	sadd.s32 @!p0 $0x88, s6;
	s7 =	simm.s32 @p2 $0x1082  }
0x22: {  	[simem:s7], [sflag:s8] =	dma.local @!p0 [hbm:s6], $0xF7A  }
0x23: {  	s9 =	sor.u32 $0xD0000000, s2;
	s6 =	simm.s32 $0x108;
	_ =	swait.ge @!p0 [sflag:s8], $0x0  }
0x24: {  	s3 =	sadd.s32 $0x88, s3;
	s6 =	simm.s32 @!p1 $0x1082;
	[sflag:s4] =	ssyncset.s32 $0xFFFFF086  }
0x25: {  	[simem:s6], [sflag:s4] =	dma.local [hbm:s3], $0xF7A  }
0x26: {  	[smem:$0x3F8A] =	sst s1;
	(tag) =	ssettag s2;
	_ =	strace s9  }
0x27: {  	s1 =	sld [smem:$0x3F9A]  }
0x28: {  	s2 =	sld [smem:$0x3F9B]  }
0x29: {  	s4 =	sld [smem:$0x3F9D]  }
0x2a: {  	p0 =	seq.s32 s5, $0x0;
	s5 =	sld [smem:$0x3F9E]  }
0x2b: {  	s6 =	sld [smem:$0x3F9F]  }
0x2c: {  	s7 =	sld [smem:$0x3FA0]  }
0x2d: {  	s3 =	simm.s32 $0x108;
	s8 =	sld [smem:$0x3FA1]  }
0x2e: {  	s3 =	simm.s32 @!p0 $0x1082;
	s9 =	sld [smem:$0x3FA2]  }
0x2f: {  	lr =	sadd.s32 s0, s3;
	s0 =	sld [smem:$0x3F99]  }
0x30: {  	s3 =	sld [smem:$0x3F9C]  }
0x31: {  	[smem:$0x3FA5] =	sst s10  }
0x32: {  	s10 =	sld [smem:$0x3FA3];
	_ =	sdelay $0x3  }
0x33: {  	p0 =	seq.s32 s10, $0x1;
	s10 =	sld [smem:$0x3FA5];
	_ =	sdelay $0x3  }
0x34: {  	[smem:$0x3FA5] =	sst s10  }
0x35: {  	s10 =	sld [smem:$0x3FA4];
	_ =	sdelay $0x3  }
0x36: {  	p1 =	seq.s32 s10, $0x1;
	s10 =	sld [smem:$0x3FA5];
	_ =	sdelay $0x3  }
0x37: {  	[smem:$0x3FA5] =	sst s10  }
0x38: {  	s10 =	sld [smem:$0x3FA6]  }
0x39: {  	_ = 	snop;
	(pc) =	sbr.ind lr, $3  }
0x3a: {  	_ = 	snop  }
0x3b: {  	_ = 	snop  }
0x3c: {  	p2 =	seq.s32 s10, $0x1;
	s10 =	sld [smem:$0x3FA5]  }
0x3d: {  	_ =	shalt  }
0x3e: {  	_ =	shalt  }
0x3f: {  	_ =	shalt  }
0x40: {  	_ =	shalt  }
0x41: {  	_ =	shalt  }
0x42: {  	_ =	shalt  }
0x43: {  	_ =	shalt  }
0x44: {  	_ =	shalt  }
0x45: {  	_ =	shalt  }
0x46: {  	_ =	shalt  }
0x47: {  	_ =	shalt  }
0x48: {  	_ =	shalt  }
0x49: {  	_ =	shalt  }
0x4a: {  	_ =	shalt  }
0x4b: {  	_ =	shalt  }
0x4c: {  	_ =	shalt  }
0x4d: {  	_ =	shalt  }
0x4e: {  	_ =	shalt  }
0x4f: {  	_ =	shalt  }
0x50: {  	_ =	shalt  }
0x51: {  	_ =	shalt  }
0x52: {  	_ =	shalt  }
0x53: {  	_ =	shalt  }
0x54: {  	_ =	shalt  }
0x55: {  	_ =	shalt  }
0x56: {  	_ =	shalt  }
0x57: {  	_ =	shalt  }
0x58: {  	_ =	shalt  }
0x59: {  	_ =	shalt  }
0x5a: {  	_ =	shalt  }
0x5b: {  	_ =	shalt  }
0x5c: {  	_ =	shalt  }
0x5d: {  	_ =	shalt  }
0x5e: {  	_ =	shalt  }
0x5f: {  	_ =	shalt  }
0x60: {  	_ =	shalt  }
0x61: {  	_ =	shalt  }
0x62: {  	_ =	shalt  }
0x63: {  	_ =	shalt  }
0x64: {  	_ =	shalt  }
0x65: {  	_ =	shalt  }
0x66: {  	_ =	shalt  }
0x67: {  	_ =	shalt  }
0x68: {  	_ =	shalt  }
0x69: {  	_ =	shalt  }
0x6a: {  	_ =	shalt  }
0x6b: {  	_ =	shalt  }
0x6c: {  	_ =	shalt  }
0x6d: {  	_ =	shalt  }
0x6e: {  	_ =	shalt  }
0x6f: {  	_ =	shalt  }
0x70: {  	_ =	shalt  }
0x71: {  	_ =	shalt  }
0x72: {  	_ =	shalt  }
0x73: {  	_ =	shalt  }
0x74: {  	_ =	shalt  }
0x75: {  	_ =	shalt  }
0x76: {  	_ =	shalt  }
0x77: {  	_ =	shalt  }
0x78: {  	_ =	shalt  }
0x79: {  	_ =	shalt  }
0x7a: {  	_ =	shalt  }
0x7b: {  	_ =	shalt  }
0x7c: {  	_ =	shalt  }
0x7d: {  	_ =	shalt  }
0x7e: {  	_ =	shalt  }
0x7f: {  	_ =	shalt  }
0x80: {  	_ =	shalt  }
0x81: {  	_ =	shalt  }
0x82: {  	_ =	shalt  }
0x83: {  	_ =	shalt  }
0x84: {  	_ =	shalt  }
0x85: {  	_ =	shalt  }
0x86: {  	_ =	shalt  }
0x87: {  	_ =	shalt  }
.Lfunc_end0:
.L_simem_size_0:
called_computation.3_lowered:
.L_overlay_start_0:
0x88: {  	s2 =	sld [smem:$0x3FD9]  }
0x89: {  	s3 =	sld [smem:$0x3FFE];
	_ =	sdelay $0x1  }
0x8a: {  	s1 =	srdreg.scid  }
0x8b: {  	s0 =	sand.u32 $0x1, s1  }
0x8c: {  	s16 =	sshll.u32 s0, $0xA;
	s2 =	sadd.s32 s3, s2  }
0x8d: {  	s2 =	sadd.s32 s2, s16  }
0x8e: {  	[smem:$0x3FB1] =	sst s2  }
0x8f: {  	_ = 	snop  }
0x90: {  	(tm) =	ssettm $0x1  }
0x91: {  	s17 =	sld [smem:$0x3FFB];
	_ =	sdelay $0x3  }
0x92: {  	_ =	strace s17  }
0x93: {  	s2 =	sld [smem:$0x3FFC];
	_ =	sdelay $0x3  }
0x94: {  	_ =	strace s2  }
0x95: {  	s2 =	sld [smem:$0x3FFD];
	_ =	sdelay $0x3  }
0x96: {  	_ =	strace s2  }
0x97: {  	_ =	strace $0x8FFFFFFF  }
0x98: {  	s18 =	sld [smem:$0x3FDB];
	_ =	sdelay $0x1  }
0x99: {  	s19 =	simm.s32 $_scs_section_size  }
0x9a: {  	s4 =	simm.s32 $_size__tile_overlayer_lowered;
	s5 =	simm.s32 $_tile_overlayer_lowered  }
0x9b: {  	s22 =	simm.s32 $0x1BFF;
	s21 =	sshll.u32 s5, $0x1;
	s2 =	sadd.s32 s19, s18  }
0x9c: {  	s6 =	simm.s32 $0x0;
	s20 =	sshll.u32 s4, $0x1;
	s4 =	sadd.s32 s21, s2  }
0x9d: {  	[timem:s6], [sflag:s22] =	dma.local [hbm:s4], s20  }
0x9e: {  	_ =	swait.ge [sflag:s22], s20  }
0x9f: {  	s3 =	ssub.s32 $0x0, s20;
	[sflag:s22] =	ssyncset.done $0x0  }
0xa0: {  	[sflag:s22] =	ssyncadd.s32 s3;
	_ =	sdelay $0x1  }
0xa1: {  	s23 =	simm.s32 $0x1B8B  }
0xa2: {  	_ =	swait.ge [sflag:s23], $0x1  }
0xa3: {  	[sflag:s23] =	ssyncset.done $0x0  }
0xa4: {  	s25 =	simm.s32 $0x1B8E;
	s24 =	sld [smem:$0x3FFE];
	[sflag:s23] =	ssyncadd.s32 $0xFFFFFFFF  }
0xa5: {  	s26 =	simm.s32 $execute0_lowered;
	[smem:$0x3FD2] =	sst s25  }
0xa6: {  	s4 =	sshll.u32 s26, $0x1;
	_ =	strace $0x8000004F;
	[dreg:$0x1] =	wrdreg $0xFFFFFFFF  }
0xa7: {  	s28 =	simm.s32 $_size_execute0_lowered;
	s2 =	sadd.s32 s2, s4;
	[dreg:$0x0] =	wrdreg $0x0  }
0xa8: {  	s4 =	sshll.u32 s28, $0x1;
	[dreg:$0x2] =	wrdreg s2  }
0xa9: {  	[dreg:$0x3] =	wrdreg s4  }
0xaa: {  	[dreg:$0x4] =	wrdreg $0xC0  }
0xab: {  	_ =	task [dreg:s6], $0x5FFFF  }
0xac: {  	[dreg:$0x1] =	wrdreg $0xFFFFFFFF  }
0xad: {  	[dreg:$0x0] =	wrdreg $0x60  }
0xae: {  	[dreg:$0x2] =	wrdreg s24  }
0xaf: {  	[dreg:$0x3] =	wrdreg $0xB6800  }
0xb0: {  	[dreg:$0x4] =	wrdreg $0x9  }
0xb1: {  	_ =	task.clear_ibuf [dreg:s6], $0x5FFFF;
	_ =	strace $0x9000004F  }
0xb2: {  	s29 =	simm.s32 $0x9;
	_ =	strace $0x80000051  }
0xb3: {  	_ =	swait.ge [sflag:s29], $0x1  }
0xb4: {  	[sflag:s29] =	ssyncadd.s32 $0xFFFFFFFF  }
0xb5: {  	_ =	strace $0x90000051  }
0xb6: {  	_ =	sfence  }
0xb7: {  	s30 =	sld [smem:$0x0];
	_ =	sdelay $0x2  }
0xb8: {  	s31 =	sshll.u32 s1, $0xD;
	s1 =	sshrl.u32 s1, $0x2  }
0xb9: {  	s3 =	sand.u32 $0x4000, s31;
	s1 =	sadd.s32 s1, s30  }
0xba: {  	s0 =	sor.u32 s3, s0;
	s1 =	sshll.u32 s1, $0x11  }
0xbb: {  	s0 =	sor.u32 s1, s0  }
0xbc: {  	s0 =	sadd.s32 $0x8F2B, s0  }
0xbd: {  	[sflag:s0] =	ssyncadd.remote.s32 $0x1  }
0xbe: {  	_ =	sfence.sel $0xFFFF  }
0xbf: {  	[dreg:$0x0] =	wrdreg $0xFFFFFFFF;
	(pc) =	sbr.abs _section_cstart, $3  }
0xc0: {  	[dreg:$0x1] =	wrdreg $0xFFFFFFFF  }
0xc1: {  	_ =	task.clear_ibuf [dreg:s6], $0x2FFFF;
	_ =	strace $0x9FFFFFFF  }
0xc2: {  	(tm) =	ssettm $0x7FFFFFFF  }
0xc3: {  	_ =	shalt  }
tec
execute0_lowered:
.L_overlay_start_1:
0x0: {  	(tag) =	ssettag $0x1  }
0x1: {  	s5 =	rddreg [dreg:$0x0]  }
0x2: {  	s2 =	rddreg [dreg:$0x1];
	s1 =	stileid.u32  }
0x3: {  	s4 =	srdreg.scid;
	s3 =	simm.s32 $0x0;
	s18 =	simm.s32 $0x3580  }
0x4: {  	s19 =	simm.s32 $0x80;
	s20 =	simm.s32 $0x3680;
	s21 =	simm.s32 $0x3600  }
0x5: {  	s22 =	simm.s32 $0x7680;
	s23 =	simm.s32 $0x1;
	s24 =	simm.s32 $0x3  }
0x6: {  	s25 =	simm.s32 $0x2;
	s26 =	simm.s32 $0x4;
	s6 =	smul.u32 $0x13C00, s1  }
0x7: {  	s28 =	simm.s32 $0x0;
	s7 =	sand.u32 $0x1, s4;
	s9 =	smul.u32 $0x4F000, s1  }
0x8: {  	[smem:$0x7FF] =	sst s3;
	s10 =	sadd.s32 $0x85E00, s5;
	s11 =	smul.u32 $0x4F00, s1  }
0x9: {  	s15 =	sadd.s32 $0x4E00, s5;
	s4 =	sadd.s32 $0x36600, s5;
	s17 =	smul.u32 $0x9E0, s1  }
0xa: {  	s31 =	sshll.u32 s1, $0x6;
	s8 =	smul.u32 $0x13C000, s7;
	s29 =	ssub.s32 $0x2, s7  }
0xb: {  	_ =	strace $0x80000050;
	p0 =	seq.s32 s7, $0x1;
	s30 =	sshrl.u32 s29, $0x1  }
0xc: {  	s9 =	sshrl.u32 s9, $0x2;
	s11 =	sshrl.u32 s11, $0x3;
	s8 =	sadd.s32 s6, s8  }
0xd: {  	s6 =	sshrl.u32 s6, $0x3;
	s14 =	ssub.s32 s29, s30;
	s16 =	sadd.s32 s9, s2  }
0xe: {  	s7 =	sadd.s32 s10, s11;
	s8 =	sshrl.u32 s8, $0x3;
	s6 =	sadd.s32 s6, s5  }
.Ltmp0:
0xf: {  	s14 =	smax.u32 s14, $0x1;
	s16 =	sshrl.u32 s16, $0x3;
	(pc) =	sbr.rel .LBB2_1-.Ltmp0, $4  }
0x10: {  	s13 =	sadd.s32 s8, s5;
	s5 =	sadd.s32 $0xEE00, s6;
	s8 =	sadd.s32 s15, s11  }
0x11: {  	s6 =	sor.u32 $0x1C05, s31;
	s11 =	sadd.s32 $0x6B0, s11;
	s9 =	sadd.s32 $0x10, s8  }
0x12: {  	s10 =	sadd.s32 s10, s11;
	s11 =	sadd.s32 s15, s11;
	s12 =	sadd.s32 $0x6C0, s8  }
0x13: {  	s13 =	sadd.s32 $0x8FC00, s13;
	s15 =	sadd.s32 s17, s15;
	s17 =	simm.s32 $0x5  }
.LBB2_7:
0x14: {  	[tilespmem:s21], [sflag:$0x4] =	stream.linear.gather [hbm4b:s31+s3], $0x80, $0x38;
	[tilespmem:$0x1F280] =	vst v63  }
.LBB2_8:
0x15: {  	_ =	swait.ge [sflag:s23], $0x4000  }
0x16: {  	[sflag:s23] =	ssyncset.done $0x0  }
0x17: {  	[sflag:s23] =	ssyncadd.s32 $0xFFFFC000  }
0x18: {  	_ =	swait.ge [sflag:s24], $0x80  }
0x19: {  	[sflag:s24] =	ssyncset.done $0x0  }
0x1a: {  	[sflag:s24] =	ssyncadd.s32 $0xFFFFFF80  }
0x1b: {  	[spmem:s2] =	stream.indirect.scatter.add.f32 [tilespmem:s20], [sflag:$0x5], $0x80, s18, s19, $0xb8;
	[tilespmem:$0x1F280] =	vst v63  }
0x1c: {  	_ =	swait.ge [sflag:s17], $0x4000  }
0x1d: {  	[sflag:s17] =	ssyncset.done $0x0  }
0x1e: {  	[sflag:s17] =	ssyncadd.s32 $0xFFFFC000  }
0x1f: {  	_ =	swait.ge [sflag:s26], $0x80  }
0x20: {  	s28 =	sadd.s32 $0x1, s28;
	[sflag:s26] =	ssyncset.done $0x0  }
0x21: {  	p1 =	sne.s32 s28, s14;
	[sflag:s26] =	ssyncadd.s32 $0xFFFFFF80  }
.Ltmp1:
0x22: {  	[bflag:$0x0] =	sbarrier.arrive $0xFFFF;
	(pc) =	sbr.rel @!p1 .LBB2_9-.Ltmp1, $4  }
0x23: {  	[hbm:s13], [sflag:s6] =	dma.local [spmem:s16], $0x2780  }
0x24: {  	_ =	swait.ge [sflag:s17], $0x2780  }
0x25: {  	[sflag:s17] =	ssyncset.done $0x0  }
0x26: {  	[sflag:s17] =	ssyncadd.s32 $0xFFFFD880  }
.LBB2_1:
0x27: {  	[spmem:s16], [sflag:s6] =	dma.local [hbm:s5], $0x2780  }
.Ltmp2:
0x28: {  	_ =	swait.ge [sflag:s17], $0x2780;
	(pc) =	sbr.rel @!p0 .LBB2_2-.Ltmp2, $3  }
0x29: {  	[sflag:s17] =	ssyncset.done $0x0  }
0x2a: {  	[sflag:s17] =	ssyncadd.s32 $0xFFFFD880  }
0x2b: {  	[bflag:$0x0] =	sbarrier.arrive $0xFFFF;
	_ =	sdelay $0x1  }
0x2c: {  	[tilespmem:s3], [sflag:$0x5] =	stream.linear.gather [hbm4b:s10+s3], $0x1980, $0x38;
	[tilespmem:$0x1F280] =	vst v63  }
0x2d: {  	_ =	swait.ge [sflag:s17], $0x1980  }
0x2e: {  	[sflag:s17] =	ssyncset.done $0x0  }
0x2f: {  	[sflag:s17] =	ssyncadd.s32 $0xFFFFE680  }
0x30: {  	[tilespmem:s18], [sflag:$0x3] =	stream.linear.gather [hbm4b:s11+s3], $0x80, $0x38;
	[tilespmem:$0x1F280] =	vst v63  }
0x31: {  	_ = 	snop  }
0x32: {  	[tilespmem:s20], [sflag:$0x1] =	stream.indirect.gather [hbm4b:s4+s19], $0x80, s3, s19, $0xb8;
	[tilespmem:$0x1F280] =	vst v63  }
0x33: {  	_ = 	snop  }
0x34: {  	[tilespmem:s21], [sflag:$0x4] =	stream.linear.gather [hbm4b:s12+s3], $0x80, $0x38;
	[tilespmem:$0x1F280] =	vst v63  }
0x35: {  	s0 =	simm.s32 $0x80  }
0x36: {  	[tilespmem:s22], [sflag:$0x2] =	stream.indirect.gather [hbm4b:s4+s19], $0x80, s0, s19, $0xb8;
	[tilespmem:$0x1F280] =	vst v63  }
0x37: {  	_ =	swait.ge [sflag:s23], $0x4000  }
0x38: {  	[sflag:s23] =	ssyncset.done $0x0  }
0x39: {  	[sflag:s23] =	ssyncadd.s32 $0xFFFFC000  }
0x3a: {  	_ =	swait.ge [sflag:s24], $0x80  }
0x3b: {  	[sflag:s24] =	ssyncset.done $0x0  }
0x3c: {  	[sflag:s24] =	ssyncadd.s32 $0xFFFFFF80  }
0x3d: {  	[spmem:s2] =	stream.indirect.scatter.add.f32 [tilespmem:s20], [sflag:$0x5], $0x80, s18, s19, $0xb8;
	[tilespmem:$0x1F280] =	vst v63  }
0x3e: {  	_ =	swait.ge [sflag:s17], $0x4000  }
0x3f: {  	s0 =	sadd.s32 $0xFFFFFCE0, s15;
	[sflag:s17] =	ssyncset.done $0x0  }
0x40: {  	s29 =	sadd.s32 $0x9F0, s0;
	[sflag:s17] =	ssyncadd.s32 $0xFFFFC000  }
0x41: {  	[tilespmem:s18], [sflag:$0x3] =	stream.linear.gather [hbm4b:s29+s3], $0x80, $0x38;
	[tilespmem:$0x1F280] =	vst v63  }
0x42: {  	s29 =	simm.s32 $0x100  }
0x43: {  	[tilespmem:s20], [sflag:$0x1] =	stream.indirect.gather [hbm4b:s4+s19], $0x80, s29, s19, $0xb8;
	[tilespmem:$0x1F280] =	vst v63  }
0x44: {  	_ =	swait.ge [sflag:s25], $0x4000  }
0x45: {  	[sflag:s25] =	ssyncset.done $0x0  }
0x46: {  	[sflag:s25] =	ssyncadd.s32 $0xFFFFC000  }
0x47: {  	_ =	swait.ge [sflag:s26], $0x80  }
0x48: {  	[sflag:s26] =	ssyncset.done $0x0  }
0x49: {  	[sflag:s26] =	ssyncadd.s32 $0xFFFFFF80  }
0x4a: {  	[spmem:s2] =	stream.indirect.scatter.add.f32 [tilespmem:s22], [sflag:$0x5], $0x80, s21, s19, $0xb8;
	[tilespmem:$0x1F280] =	vst v63  }
0x4b: {  	_ =	swait.ge [sflag:s17], $0x4000  }
0x4c: {  	s30 =	simm.s32 $0x200;
	[sflag:s17] =	ssyncset.done $0x0  }
0x4d: {  	s31 =	sadd.s32 $0xA00, s0;
	s29 =	simm.s32 $0xFFFFFD00;
	[sflag:s17] =	ssyncadd.s32 $0xFFFFC000  }
.LBB2_6:
0x4e: {  	[tilespmem:s21], [sflag:$0x4] =	stream.linear.gather [hbm4b:s31+s3], $0x80, $0x38;
	[tilespmem:$0x1F280] =	vst v63  }
0x4f: {  	s0 =	smov.u32 s29  }
0x50: {  	s31 =	sadd.s32 $0xFFFFFF80, s30;
	p1 =	sne.s32 s29, $0xFFFFFFE0;
	s29 =	sadd.s32 $0x20, s29  }
0x51: {  	[tilespmem:s22], [sflag:$0x2] =	stream.indirect.gather [hbm4b:s4+s19], $0x80, s31, s19, $0xb8;
	[tilespmem:$0x1F280] =	vst v63  }
0x52: {  	_ =	swait.ge [sflag:s23], $0x4000  }
0x53: {  	[sflag:s23] =	ssyncset.done $0x0  }
0x54: {  	[sflag:s23] =	ssyncadd.s32 $0xFFFFC000  }
0x55: {  	_ =	swait.ge [sflag:s24], $0x80  }
0x56: {  	[sflag:s24] =	ssyncset.done $0x0  }
0x57: {  	[sflag:s24] =	ssyncadd.s32 $0xFFFFFF80  }
0x58: {  	[spmem:s2] =	stream.indirect.scatter.add.f32 [tilespmem:s20], [sflag:$0x5], $0x80, s18, s19, $0xb8;
	[tilespmem:$0x1F280] =	vst v63  }
0x59: {  	_ =	swait.ge [sflag:s17], $0x4000  }
0x5a: {  	s0 =	sadd.s32 s0, s15;
	[sflag:s17] =	ssyncset.done $0x0  }
0x5b: {  	s31 =	sadd.s32 $0x9F0, s0;
	[sflag:s17] =	ssyncadd.s32 $0xFFFFC000  }
0x5c: {  	[tilespmem:s18], [sflag:$0x3] =	stream.linear.gather [hbm4b:s31+s3], $0x80, $0x38;
	[tilespmem:$0x1F280] =	vst v63  }
0x5d: {  	_ = 	snop  }
0x5e: {  	[tilespmem:s20], [sflag:$0x1] =	stream.indirect.gather [hbm4b:s4+s19], $0x80, s30, s19, $0xb8;
	[tilespmem:$0x1F280] =	vst v63  }
0x5f: {  	_ =	swait.ge [sflag:s25], $0x4000  }
0x60: {  	[sflag:s25] =	ssyncset.done $0x0  }
0x61: {  	[sflag:s25] =	ssyncadd.s32 $0xFFFFC000  }
0x62: {  	_ =	swait.ge [sflag:s26], $0x80  }
0x63: {  	[sflag:s26] =	ssyncset.done $0x0  }
.Ltmp3:
0x64: {  	[sflag:s26] =	ssyncadd.s32 $0xFFFFFF80;
	(pc) =	sbr.rel @p1 .LBB2_6-.Ltmp3, $4  }
0x65: {  	[spmem:s2] =	stream.indirect.scatter.add.f32 [tilespmem:s22], [sflag:$0x5], $0x80, s21, s19, $0xb8;
	[tilespmem:$0x1F280] =	vst v63  }
0x66: {  	_ =	swait.ge [sflag:s17], $0x4000  }
0x67: {  	[sflag:s17] =	ssyncset.done $0x0  }
0x68: {  	s31 =	sadd.s32 $0xA00, s0;
	s30 =	sadd.s32 $0x100, s30;
	[sflag:s17] =	ssyncadd.s32 $0xFFFFC000  }
.Ltmp4:
0x69: {  	_ = 	snop;
	(pc) =	sbr.rel .LBB2_7-.Ltmp4, $1  }
0x6a: {  	_ =	sdelay $0x3  }
.LBB2_2:
0x6b: {  	[tilespmem:s3], [sflag:$0x5] =	stream.linear.gather [hbm4b:s7+s3], $0x3580, $0x38;
	[tilespmem:$0x1F280] =	vst v63  }
0x6c: {  	_ =	swait.ge [sflag:s17], $0x3580  }
0x6d: {  	[sflag:s17] =	ssyncset.done $0x0  }
0x6e: {  	[sflag:s17] =	ssyncadd.s32 $0xFFFFCA80  }
0x6f: {  	[tilespmem:s18], [sflag:$0x3] =	stream.linear.gather [hbm4b:s8+s3], $0x80, $0x38;
	[tilespmem:$0x1F280] =	vst v63  }
0x70: {  	_ = 	snop  }
0x71: {  	[tilespmem:s20], [sflag:$0x1] =	stream.indirect.gather [hbm4b:s4+s19], $0x80, s3, s19, $0xb8;
	[tilespmem:$0x1F280] =	vst v63  }
0x72: {  	_ = 	snop  }
0x73: {  	[tilespmem:s21], [sflag:$0x4] =	stream.linear.gather [hbm4b:s9+s3], $0x80, $0x38;
	[tilespmem:$0x1F280] =	vst v63  }
0x74: {  	s29 =	simm.s32 $0x80  }
0x75: {  	[tilespmem:s22], [sflag:$0x2] =	stream.indirect.gather [hbm4b:s4+s19], $0x80, s29, s19, $0xb8;
	[tilespmem:$0x1F280] =	vst v63  }
0x76: {  	_ =	swait.ge [sflag:s23], $0x4000  }
0x77: {  	[sflag:s23] =	ssyncset.done $0x0  }
0x78: {  	[sflag:s23] =	ssyncadd.s32 $0xFFFFC000  }
0x79: {  	_ =	swait.ge [sflag:s24], $0x80  }
0x7a: {  	[sflag:s24] =	ssyncset.done $0x0  }
0x7b: {  	[sflag:s24] =	ssyncadd.s32 $0xFFFFFF80  }
0x7c: {  	[spmem:s2] =	stream.indirect.scatter.add.f32 [tilespmem:s20], [sflag:$0x5], $0x80, s18, s19, $0xb8;
	[tilespmem:$0x1F280] =	vst v63  }
0x7d: {  	_ =	swait.ge [sflag:s17], $0x4000  }
0x7e: {  	s30 =	sadd.s32 $0xFFFFF960, s15;
	[sflag:s17] =	ssyncset.done $0x0  }
0x7f: {  	s29 =	sadd.s32 $0x6C0, s30;
	[sflag:s17] =	ssyncadd.s32 $0xFFFFC000  }
0x80: {  	[tilespmem:s18], [sflag:$0x3] =	stream.linear.gather [hbm4b:s29+s3], $0x80, $0x38;
	[tilespmem:$0x1F280] =	vst v63  }
0x81: {  	s29 =	simm.s32 $0x100  }
0x82: {  	[tilespmem:s20], [sflag:$0x1] =	stream.indirect.gather [hbm4b:s4+s19], $0x80, s29, s19, $0xb8;
	[tilespmem:$0x1F280] =	vst v63  }
0x83: {  	_ =	swait.ge [sflag:s25], $0x4000  }
0x84: {  	[sflag:s25] =	ssyncset.done $0x0  }
0x85: {  	[sflag:s25] =	ssyncadd.s32 $0xFFFFC000  }
0x86: {  	_ =	swait.ge [sflag:s26], $0x80  }
0x87: {  	[sflag:s26] =	ssyncset.done $0x0  }
0x88: {  	[sflag:s26] =	ssyncadd.s32 $0xFFFFFF80  }
0x89: {  	[spmem:s2] =	stream.indirect.scatter.add.f32 [tilespmem:s22], [sflag:$0x5], $0x80, s21, s19, $0xb8;
	[tilespmem:$0x1F280] =	vst v63  }
0x8a: {  	_ =	swait.ge [sflag:s17], $0x4000  }
0x8b: {  	s31 =	sadd.s32 $0x6D0, s30;
	[sflag:s17] =	ssyncset.done $0x0  }
0x8c: {  	s30 =	simm.s32 $0x200;
	s29 =	simm.s32 $0xFFFFF980;
	[sflag:s17] =	ssyncadd.s32 $0xFFFFC000  }
.LBB2_3:
0x8d: {  	[tilespmem:s21], [sflag:$0x4] =	stream.linear.gather [hbm4b:s31+s3], $0x80, $0x38;
	[tilespmem:$0x1F280] =	vst v63  }
0x8e: {  	s31 =	smov.u32 s29  }
0x8f: {  	s0 =	sadd.s32 $0xFFFFFF80, s30;
	p1 =	seq.s32 s29, $0xFFFFFFE0;
	s29 =	sadd.s32 $0x20, s29  }
0x90: {  	[tilespmem:s22], [sflag:$0x2] =	stream.indirect.gather [hbm4b:s4+s19], $0x80, s0, s19, $0xb8;
	[tilespmem:$0x1F280] =	vst v63  }
0x91: {  	_ =	swait.ge [sflag:s23], $0x4000  }
0x92: {  	[sflag:s23] =	ssyncset.done $0x0  }
0x93: {  	[sflag:s23] =	ssyncadd.s32 $0xFFFFC000  }
0x94: {  	_ =	swait.ge [sflag:s24], $0x80  }
0x95: {  	[sflag:s24] =	ssyncset.done $0x0  }
0x96: {  	[sflag:s24] =	ssyncadd.s32 $0xFFFFFF80  }
0x97: {  	[spmem:s2] =	stream.indirect.scatter.add.f32 [tilespmem:s20], [sflag:$0x5], $0x80, s18, s19, $0xb8;
	[tilespmem:$0x1F280] =	vst v63  }
0x98: {  	_ =	swait.ge [sflag:s17], $0x4000  }
0x99: {  	s0 =	sadd.s32 s31, s15;
	[sflag:s17] =	ssyncset.done $0x0  }
0x9a: {  	s31 =	sadd.s32 $0x6C0, s0;
	[sflag:s17] =	ssyncadd.s32 $0xFFFFC000  }
0x9b: {  	[tilespmem:s18], [sflag:$0x3] =	stream.linear.gather [hbm4b:s31+s3], $0x80, $0x38;
	[tilespmem:$0x1F280] =	vst v63  }
0x9c: {  	_ = 	snop  }
0x9d: {  	[tilespmem:s20], [sflag:$0x1] =	stream.indirect.gather [hbm4b:s4+s19], $0x80, s30, s19, $0xb8;
	[tilespmem:$0x1F280] =	vst v63  }
0x9e: {  	_ =	swait.ge [sflag:s25], $0x4000  }
0x9f: {  	[sflag:s25] =	ssyncset.done $0x0  }
0xa0: {  	[sflag:s25] =	ssyncadd.s32 $0xFFFFC000  }
0xa1: {  	_ =	swait.ge [sflag:s26], $0x80  }
0xa2: {  	[sflag:s26] =	ssyncset.done $0x0  }
.Ltmp5:
0xa3: {  	[sflag:s26] =	ssyncadd.s32 $0xFFFFFF80;
	(pc) =	sbr.rel @!p1 .LBB2_3-.Ltmp5, $4  }
0xa4: {  	[spmem:s2] =	stream.indirect.scatter.add.f32 [tilespmem:s22], [sflag:$0x5], $0x80, s21, s19, $0xb8;
	[tilespmem:$0x1F280] =	vst v63  }
0xa5: {  	_ =	swait.ge [sflag:s17], $0x4000  }
0xa6: {  	[sflag:s17] =	ssyncset.done $0x0  }
0xa7: {  	s31 =	sadd.s32 $0x6D0, s0;
	s30 =	sadd.s32 $0x100, s30;
	[sflag:s17] =	ssyncadd.s32 $0xFFFFC000  }
.Ltmp6:
0xa8: {  	(pc) =	sbr.rel .LBB2_8-.Ltmp6, $2  }
0xa9: {  	_ =	sdelay $0x2  }
0xaa: {  	[tilespmem:s21], [sflag:$0x4] =	stream.linear.gather [hbm4b:s31+s3], $0x80, $0x38;
	[tilespmem:$0x1F280] =	vst v63  }
.LBB2_9:
0xab: {  	_ =	sfence.sel $0x180000  }
0xac: {  	[bflag:$0x0] =	sbarrier.arrive $0xFFFF  }
0xad: {  	_ =	strace $0x90000050  }
0xae: {  	[bflag:$0x2] =	sbarrier.arrive $0xFFFF  }
0xaf: {  	p0 =	sne.s32 s1, $0x0;
	s0 =	rddreg [dreg:$0x2]  }
0xb0: {  	s0 =	sadd.s32 @!p0 $0x100000, s0  }
0xb1: {  	[sflag:s0] =	ssyncadd.tile.s32 @!p0 $0x1;
	_ =	shalt  }
.Lfunc_end2:
_tile_overlayer_lowered:
.L_overlay_start_2:
0xb2: {  	(tag) =	ssettag $0x2  }
0xb3: {  	s0 =	rddreg [dreg:$0x0];
	s2 =	stileid.u32  }
0xb4: {  	s1 =	rddreg [dreg:$0x1];
	p0 =	sne.s32 s2, $0x0  }
0xb5: {  	s3 =	rddreg [dreg:$0x2];
	[bflag:$0x3] =	sbarrier.arrive $0xFFFF;
	s2 =	simm.s32 @!p0 $0x1C05  }
0xb6: {  	[timem:s3], [sflag:s2] =	dma.local @!p0 [hbm:s0], s1  }
0xb7: {  	s0 =	simm.s32 @!p0 $0x5  }
0xb8: {  	_ =	swait.ge @!p0 [sflag:s0], s1  }
0xb9: {  	s1 =	ssub.s32 @!p0 $0x0, s1;
	[sflag:s0] =	ssyncset.done @!p0 $0x0  }
0xba: {  	[sflag:s0] =	ssyncadd.s32 @!p0 s1  }
0xbb: {  	[bflag:$0x3] =	sbarrier.arrive $0xFFFF  }
0xbc: {  	_ =	shalt  }

</sc_bundles>
